<compile_context>
chip_gen: v7x
topology: tpu7x:2x2x1
jax: 0.10.2.dev20260603
libtpu: 0.0.44.dev20260713+nightly
codegen_flags: <defaults>
</compile_context>

<pallas_src>
import functools

import jax
import jax.numpy as jnp
from jax import lax
from jax.experimental import pallas as pl
from jax.experimental.pallas import tpu as pltpu
from jax.experimental.pallas import tpu_sc as plsc

N = 10000
NPAD = 10240
F = 128
H = 128
G = 64
C = 10
D = 32
NC = 2
NS = 16
NW = NC * NS
EBLK = 128
ICH = 16
RPS = NPAD // NS
CORE0_SHARE_16THS = 8

f32 = jnp.float32


def _sc_segment_sum(xr, sd_rows, z128, kpw0, kpw1):
    mesh = plsc.VectorSubcoreMesh(core_axis_name="c", subcore_axis_name="s")
    outs = [jax.ShapeDtypeStruct((NC, NPAD, 128), f32)]
    scratch = [
        pltpu.VMEM((ICH, 2, EBLK), jnp.int32),
        pltpu.VMEM((EBLK, 128), f32),
        pltpu.VMEM((EBLK, 128), f32),
        pltpu.VMEM_SHARED((NPAD, 128), f32),
        pltpu.SemaphoreType.DMA,
        pltpu.SemaphoreType.DMA,
        pltpu.SemaphoreType.DMA,
        pltpu.SemaphoreType.DMA,
    ]
    @functools.partial(
        pl.kernel,
        out_type=outs[0],
        mesh=mesh,
        scratch_types=scratch,
    )
    def k(xr_h, sd_h, z128_h, *refs):
        (seg_o, sd_v, rows_a, rows_b, acc_sh,
         sem_a, sem_b, sem_sa, sem_sb) = refs
        cid = lax.axis_index("c")
        sid = lax.axis_index("s")
        my_kpw = jnp.where(cid == 0, kpw0, kpw1)
        row0 = jnp.where(cid == 0, sid * kpw0, NS * kpw0 + sid * kpw1)
        kpw_max = max(kpw0, kpw1)
        r0 = sid * RPS
        bufs = (rows_a, rows_b)
        sems = (sem_a, sem_b)
        ssems = (sem_sa, sem_sb)
        pltpu.sync_copy(z128_h.at[pl.ds(r0, RPS)], acc_sh.at[pl.ds(r0, RPS)])
        plsc.subcore_barrier()

        @pl.loop(0, kpw_max, step=ICH)
        def _(c0):
            @pl.when(c0 < my_kpw)
            def _():
                pltpu.sync_copy(sd_h.at[pl.ds(row0 + c0, ICH)], sd_v)
                h = [None, None]
                hs = [None, None]
                h[0] = pltpu.async_copy(xr_h.at[sd_v.at[0, 0]], rows_a, sem_a)
                for j in range(ICH):
                    b = j & 1
                    if j + 1 < ICH:
                        if hs[1 - b] is not None:
                            hs[1 - b].wait()
                        h[1 - b] = pltpu.async_copy(
                            xr_h.at[sd_v.at[j + 1, 0]], bufs[1 - b], sems[1 - b])
                    h[b].wait()
                    hs[b] = pltpu.async_copy(bufs[b], acc_sh.at[sd_v.at[j, 1]],
                                             ssems[b], add=True)
                hs[0].wait()
                hs[1].wait()

        plsc.subcore_barrier()
        pltpu.sync_copy(acc_sh.at[pl.ds(r0, RPS)], seg_o.at[cid, pl.ds(r0, RPS)])

    return k(xr, sd_rows, z128)


CMARK = 8192.0


def _lane127(shape_rows):
    return (lax.broadcasted_iota(jnp.int32, (1, 128), 1) == 127).astype(f32)


def _tc1_body(x_ref, wrt_ref, wrot_ref, xr_ref, xroot_ref):
    xv = x_ref[...]
    xr_ref[...] = (jnp.dot(xv, wrt_ref[...], preferred_element_type=f32)
                   + CMARK * _lane127(None))
    xroot_ref[...] = jnp.dot(xv, wrot_ref[...], preferred_element_type=f32)


def _tc2_body(seg_ref, xroot_ref, b_ref, w2rt_ref, w2rot_ref,
              h1_ref, xr2_ref, hroot2_ref, cnt_ref):
    seg = seg_ref[0] + seg_ref[1]
    cnt = jnp.round(seg[:, 127:128] * (1.0 / CMARK))
    seg = seg - _lane127(None) * (CMARK * cnt)
    mean = seg / jnp.maximum(cnt, 1.0)
    h1 = jnp.maximum(mean + b_ref[...] + xroot_ref[...], 0.0)
    h1_ref[...] = h1
    xr2_ref[...] = jnp.dot(h1, w2rt_ref[...], preferred_element_type=f32)
    hroot2_ref[...] = jnp.dot(h1, w2rot_ref[...], preferred_element_type=f32)
    cnt_ref[...] = cnt


def _tc3_body(seg_ref, cnt_ref, hroot2_ref, b2_ref, h1_ref, batch_ref,
              deg_ref, wl1t_ref, bl1_ref, wl2t_ref, bl2_ref, wl4t_ref,
              bl4_ref, wlosst_ref, bloss_ref,
              res1_ref, res3_ref, mse_ref):
    seg = seg_ref[0] + seg_ref[1]
    mean = seg / jnp.maximum(cnt_ref[...], 1.0)
    h2 = jnp.maximum(mean + b2_ref[...] + hroot2_ref[...], 0.0)
    h1 = h1_ref[...]
    gid = lax.broadcasted_iota(jnp.int32, (G, NPAD), 0)
    P = (gid == batch_ref[...]).astype(f32)
    cnt_g = jnp.maximum(jnp.sum(P, axis=1, keepdims=True), 1.0)
    pool1 = jnp.dot(P, h1, preferred_element_type=f32) / cnt_g
    pool2 = jnp.dot(P, h2, preferred_element_type=f32) / cnt_g
    xcat = jnp.concatenate([pool1, pool2], axis=1)
    x1 = jnp.maximum(jnp.dot(xcat, wl1t_ref[...], preferred_element_type=f32)
                     + bl1_ref[...], 0.0)
    classify = jnp.dot(x1, wl2t_ref[...], preferred_element_type=f32) + bl2_ref[...]
    m = jnp.max(classify, axis=-1, keepdims=True)
    e = classify - m
    res1_ref[...] = e - jnp.log(jnp.sum(jnp.exp(e), axis=-1, keepdims=True))
    res3_ref[...] = (jnp.dot(x1, wl4t_ref[...], preferred_element_type=f32)
                     + bl4_ref[...])
    mse_x = jnp.dot(h2, wlosst_ref[...], preferred_element_type=f32) + bloss_ref[...]
    mask = lax.broadcasted_iota(jnp.int32, (NPAD, 1), 0) < N
    diff = jnp.where(mask, mse_x - deg_ref[...], 0.0)
    mse_ref[...] = jnp.sum(diff * diff, keepdims=True).reshape(1, 1) / N


def kernel(x, edge_index, batch, degree, W1_rel, b1_rel, W1_root, W2_rel,
           b2_rel, W2_root, Wl1, bl1, Wl2, bl2, Wl4, bl4, Wloss, bloss):
    E = edge_index.shape[1]
    rows_ps = -(-E // (NS * EBLK))
    rows_ps = -(-rows_ps // (2 * ICH)) * (2 * ICH)
    kpw0 = (rows_ps * CORE0_SHARE_16THS // 16) // ICH * ICH
    kpw1 = rows_ps - kpw0
    e_pad = NS * rows_ps * EBLK

    x_pad = jnp.pad(x, ((0, NPAD - N), (0, 0)))
    pad_n = e_pad - E
    pad_iota = jnp.arange(pad_n, dtype=jnp.int32)
    src = jnp.concatenate([edge_index[0], pad_iota % N]
                          ).reshape(NS * rows_ps, 1, EBLK)
    dst = jnp.concatenate([edge_index[1], N + pad_iota % (NPAD - N)]
                          ).reshape(NS * rows_ps, 1, EBLK)
    sd = jnp.concatenate([src, dst], axis=1)
    z128 = jnp.zeros((NPAD, 128), f32)
    batch_row = jnp.pad(batch, (0, NPAD - N), constant_values=G).reshape(1, NPAD)
    deg_col = jnp.pad(degree, (0, NPAD - N)).reshape(NPAD, 1)

    nf = jax.ShapeDtypeStruct((NPAD, 128), f32)

    xr1, xroot1 = pl.pallas_call(
        _tc1_body, out_shape=[nf, nf],
    )(x_pad, W1_rel.T, W1_root.T)

    seg1 = _sc_segment_sum(xr1, sd, z128, kpw0, kpw1)

    h1, xr2, hroot2, cnt = pl.pallas_call(
        _tc2_body, out_shape=[nf, nf, nf, jax.ShapeDtypeStruct((NPAD, 1), f32)],
    )(seg1, xroot1, b1_rel.reshape(1, H), W2_rel.T, W2_root.T)

    seg2 = _sc_segment_sum(xr2, sd, z128, kpw0, kpw1)

    res1, res3, mse = pl.pallas_call(
        _tc3_body,
        out_shape=[jax.ShapeDtypeStruct((G, C), f32),
                   jax.ShapeDtypeStruct((G, D), f32),
                   jax.ShapeDtypeStruct((1, 1), f32)],
    )(seg2, cnt, hroot2, b2_rel.reshape(1, H), h1, batch_row, deg_col,
      Wl1.T, bl1.reshape(1, H), Wl2.T, bl2.reshape(1, C), Wl4.T,
      bl4.reshape(1, D), Wloss.T, bloss.reshape(1, 1))

    return (res1, res3, mse.reshape(()))

# --- scband reference (transcript-rebuilt; emitter-appended) ---
"""Pipeline reference for scband-gnn-57509612093941 (READ-ONLY COPY).

The authoritative reference and input builder live on the scoring server;
editing this copy changes nothing except your own understanding.
"""

import jax, jax.numpy as jnp
import numpy as np

N = 10000
E = 320000
F = 128
H = 128
C = 10
D = 32
G = 64


def setup_inputs(seed: int = 0) -> dict:
    key = jax.random.key(seed)
    ks = jax.random.split(key, 24)
    x = jax.random.normal(ks[0], (N, F), dtype=jnp.float32)
    edge_index = jax.random.randint(ks[1], (2, E), 0, N, dtype=jnp.int32)
    batch = jnp.sort(jax.random.randint(ks[2], (N,), 0, G, dtype=jnp.int32))
    degree = jax.random.uniform(ks[3], (N,), dtype=jnp.float32) * 10.0
    s = 0.05
    W1_rel = jax.random.normal(ks[4], (H, F), dtype=jnp.float32) * s
    b1_rel = jnp.zeros((H,), dtype=jnp.float32)
    W1_root = jax.random.normal(ks[5], (H, F), dtype=jnp.float32) * s
    W2_rel = jax.random.normal(ks[6], (H, H), dtype=jnp.float32) * s
    b2_rel = jnp.zeros((H,), dtype=jnp.float32)
    W2_root = jax.random.normal(ks[7], (H, H), dtype=jnp.float32) * s
    Wl1 = jax.random.normal(ks[8], (H, 2 * H), dtype=jnp.float32) * s
    bl1 = jnp.zeros((H,), dtype=jnp.float32)
    Wl2 = jax.random.normal(ks[9], (C, H), dtype=jnp.float32) * s
    bl2 = jnp.zeros((C,), dtype=jnp.float32)
    Wl4 = jax.random.normal(ks[10], (D, H), dtype=jnp.float32) * s
    bl4 = jnp.zeros((D,), dtype=jnp.float32)
    Wloss = jax.random.normal(ks[11], (1, H), dtype=jnp.float32) * s
    bloss = jnp.zeros((1,), dtype=jnp.float32)
    return {
        'x': x, 'edge_index': edge_index, 'batch': batch, 'degree': degree,
        'W1_rel': W1_rel, 'b1_rel': b1_rel, 'W1_root': W1_root,
        'W2_rel': W2_rel, 'b2_rel': b2_rel, 'W2_root': W2_root,
        'Wl1': Wl1, 'bl1': bl1, 'Wl2': Wl2, 'bl2': bl2,
        'Wl4': Wl4, 'bl4': bl4, 'Wloss': Wloss, 'bloss': bloss,
    }


def _graph_conv_mean(x, src, dst, W_rel, b_rel, W_root, n):
    # PyG GraphConv(aggr='mean'): lin_rel(mean_{j in N(i)} x_j) + lin_root(x_i)
    msg = jnp.take(x, src, axis=0)
    s = jax.ops.segment_sum(msg, dst, num_segments=n)
    cnt = jax.ops.segment_sum(jnp.ones((src.shape[0], 1), x.dtype), dst, num_segments=n)
    mean = s / jnp.maximum(cnt, 1.0)
    return mean @ W_rel.T + b_rel + x @ W_root.T


def _global_mean_pool(x, batch, g):
    s = jax.ops.segment_sum(x, batch, num_segments=g)
    c = jax.ops.segment_sum(jnp.ones((x.shape[0], 1), x.dtype), batch, num_segments=g)
    return s / jnp.maximum(c, 1.0)


def reference(x, edge_index, batch, degree, W1_rel, b1_rel, W1_root, W2_rel, b2_rel, W2_root, Wl1, bl1, Wl2, bl2, Wl4, bl4, Wloss, bloss):
    # gnn_style == 'topkpool' path. num_layers=2 => the pooling branch
    # (i % 2 == 0 and i < len(convs)-1) is never taken, so no TopKPooling runs.
    src = edge_index[0]
    dst = edge_index[1]
    h = jax.nn.relu(_graph_conv_mean(x, src, dst, W1_rel, b1_rel, W1_root, N))
    xs = [_global_mean_pool(h, batch, G)]
    h = jax.nn.relu(_graph_conv_mean(h, src, dst, W2_rel, b2_rel, W2_root, N))
    xs.append(_global_mean_pool(h, batch, G))
    mse_x = h @ Wloss.T + bloss
    mse_loss = jnp.mean((mse_x - degree.reshape(-1, 1)) ** 2)
    xcat = jnp.concatenate(xs, axis=1)  # JumpingKnowledge('cat')
    x1 = jax.nn.relu(xcat @ Wl1.T + bl1)
    # F.dropout(training=False) is identity in eval
    classify = x1 @ Wl2.T + bl2
    result1 = jax.nn.log_softmax(classify, axis=-1)
    result3 = x1 @ Wl4.T + bl4  # .squeeze(-1) is a no-op for last dim 32
    return (result1, result3, mse_loss)

if __name__ == "__main__":
    import jax
    _d = setup_inputs()
    print(jax.jit(kernel)(*tuple(_d.values())))

</pallas_src>

<mosaic_0001>
#map = affine_map<(d0, d1) -> (0, 0)>
#map1 = affine_map<(d0, d1) -> (0, 0, 0)>
module attributes {stable_mosaic.version = 14 : i64} {
  func.func @k(%arg0: i32, %arg1: i32, %arg2: memref<10240x128xf32, #tpu.memory_space<hbm>>, %arg3: memref<2560x2x128xi32, #tpu.memory_space<hbm>>, %arg4: memref<10240x128xf32, #tpu.memory_space<hbm>>, %arg5: memref<2x10240x128xf32, #tpu.memory_space<hbm>>, %arg6: memref<16x2x128xi32, #tpu.memory_space<vmem>>, %arg7: memref<128x128xf32, #tpu.memory_space<vmem>>, %arg8: memref<128x128xf32, #tpu.memory_space<vmem>>, %arg9: memref<10240x128xf32, #tpu.memory_space<vmem_shared>>, %arg10: memref<!tpu.dma_semaphore, #tpu.memory_space<semaphore_mem>>, %arg11: memref<!tpu.dma_semaphore, #tpu.memory_space<semaphore_mem>>, %arg12: memref<!tpu.dma_semaphore, #tpu.memory_space<semaphore_mem>>, %arg13: memref<!tpu.dma_semaphore, #tpu.memory_space<semaphore_mem>>) attributes {dimension_semantics = [#tpu.dimension_semantics<core_parallel>, #tpu.dimension_semantics<subcore_parallel>], iteration_bounds = array<i64: 2, 16>, scalar_prefetch = 0 : i64, scratch_operands = 8 : i64, tpu.core_type = #tpu.core_type<sc_vector_subcore>, window_params = [{transform_indices = #map}, {transform_indices = #map1}, {transform_indices = #map}, {transform_indices = #map1}]} {
    %eq3A = arith.constant 0 : i32
    %eq3A_0 = arith.cmpi eq, %arg0, %eq3A : i32
    %jit3A = arith.constant 80 : i32
    %jit3A_1 = arith.constant 80 : i32
    %select_n3A = arith.select %eq3A_0, %jit3A, %jit3A_1 : i32
    %eq3A_2 = arith.constant 0 : i32
    %eq3A_3 = arith.cmpi eq, %arg0, %eq3A_2 : i32
    %mul3A = arith.constant 80 : i32
    %mul3A_4 = arith.muli %arg1, %mul3A : i32
    %mul3A_5 = arith.constant 80 : i32
    %mul3A_6 = arith.muli %arg1, %mul3A_5 : i32
    %add3A = arith.constant 1280 : i32
    %add3A_7 = arith.addi %add3A, %mul3A_6 : i32
    %select_n3A_8 = arith.select %eq3A_3, %mul3A_4, %add3A_7 : i32
    %mul3A_9 = arith.constant 640 : i32
    %mul3A_10 = arith.muli %arg1, %mul3A_9 : i32
    "tpu.region"() ({
      %run_scoped3A = tpu.sem_alloc : memref<!tpu.dma_semaphore, #tpu.memory_space<semaphore_mem>>
      %dma_start3A = arith.constant 0 : i32
      %dma_start3A_16 = tpu.memref_slice %arg9[%mul3A_10, %dma_start3A] : memref<10240x128xf32, #tpu.memory_space<vmem_shared>> -> memref<640x128xf32, #tpu.memory_space<vmem_shared>>
      %dma_start3A_17 = arith.constant 0 : i32
      %dma_start3A_18 = tpu.memref_slice %arg4[%mul3A_10, %dma_start3A_17] : memref<10240x128xf32, #tpu.memory_space<hbm>> -> memref<640x128xf32, #tpu.memory_space<hbm>>
      tpu.enqueue_dma source(%dma_start3A_18 : memref<640x128xf32, #tpu.memory_space<hbm>>) target(%dma_start3A_16 : memref<640x128xf32, #tpu.memory_space<vmem_shared>>) target_semaphore(%run_scoped3A : memref<!tpu.dma_semaphore, #tpu.memory_space<semaphore_mem>>)
      %dma_wait3A = arith.constant 0 : i32
      %dma_wait3A_19 = tpu.memref_slice %arg9[%mul3A_10, %dma_wait3A] : memref<10240x128xf32, #tpu.memory_space<vmem_shared>> -> memref<640x128xf32, #tpu.memory_space<vmem_shared>>
      %dma_wait3A_20 = arith.constant 0 : i32
      %dma_wait3A_21 = tpu.memref_slice %arg4[%mul3A_10, %dma_wait3A_20] : memref<10240x128xf32, #tpu.memory_space<hbm>> -> memref<640x128xf32, #tpu.memory_space<hbm>>
      tpu.wait_dma2 semaphore(%run_scoped3A : memref<!tpu.dma_semaphore, #tpu.memory_space<semaphore_mem>>) src(%dma_wait3A_21 : memref<640x128xf32, #tpu.memory_space<hbm>>) dst(%dma_wait3A_19 : memref<640x128xf32, #tpu.memory_space<vmem_shared>>)
      tpu.yield
    }) : () -> ()
    %barrier3A = arith.constant 0 : index
    tpu.barrier barrier_id(%barrier3A)
    %scan3A = arith.constant 0 : i32
    %scan3A_11 = arith.constant 5 : i32
    %scan3A_12 = arith.addi %scan3A, %scan3A_11 : i32
    %scan3A_13 = arith.constant 1 : i32
    scf.for %scan3A_16 = %scan3A to %scan3A_12 step %scan3A_13  : i32 {
      %mul3A_17 = arith.constant 16 : i32
      %mul3A_18 = arith.muli %scan3A_16, %mul3A_17 : i32
      %add3A_19 = arith.constant 0 : i32
      %add3A_20 = arith.addi %add3A_19, %mul3A_18 : i32
      %lt3A = arith.cmpi slt, %add3A_20, %select_n3A : i32
      %convert_element_type3A = arith.extui %lt3A : i1 to i32
      %cond3A = arith.constant 0 : i32
      %cond3A_21 = arith.cmpi ne, %convert_element_type3A, %cond3A : i32
      scf.if %cond3A_21 {
        %add3A_22 = arith.addi %select_n3A_8, %add3A_20 : i32
        "tpu.region"() ({
          %run_scoped3A = tpu.sem_alloc : memref<!tpu.dma_semaphore, #tpu.memory_space<semaphore_mem>>
          %dma_start3A_533 = arith.constant 0 : i32
          %dma_start3A_534 = arith.constant 0 : i32
          %dma_start3A_535 = tpu.memref_slice %arg3[%add3A_22, %dma_start3A_533, %dma_start3A_534] : memref<2560x2x128xi32, #tpu.memory_space<hbm>> -> memref<16x2x128xi32, #tpu.memory_space<hbm>>
          %dma_start3A_536 = arith.constant 0 : i32
          %dma_start3A_537 = arith.constant 0 : i32
          %dma_start3A_538 = tpu.memref_slice %arg3[%add3A_22, %dma_start3A_536, %dma_start3A_537] : memref<2560x2x128xi32, #tpu.memory_space<hbm>> -> memref<16x2x128xi32, #tpu.memory_space<hbm>>
          tpu.enqueue_dma source(%dma_start3A_538 : memref<16x2x128xi32, #tpu.memory_space<hbm>>) target(%arg6 : memref<16x2x128xi32, #tpu.memory_space<vmem>>) target_semaphore(%run_scoped3A : memref<!tpu.dma_semaphore, #tpu.memory_space<semaphore_mem>>)
          %dma_wait3A_539 = arith.constant 0 : i32
          %dma_wait3A_540 = arith.constant 0 : i32
          %dma_wait3A_541 = tpu.memref_slice %arg3[%add3A_22, %dma_wait3A_539, %dma_wait3A_540] : memref<2560x2x128xi32, #tpu.memory_space<hbm>> -> memref<16x2x128xi32, #tpu.memory_space<hbm>>
          %dma_wait3A_542 = arith.constant 0 : i32
          %dma_wait3A_543 = arith.constant 0 : i32
          %dma_wait3A_544 = tpu.memref_slice %arg3[%add3A_22, %dma_wait3A_542, %dma_wait3A_543] : memref<2560x2x128xi32, #tpu.memory_space<hbm>> -> memref<16x2x128xi32, #tpu.memory_space<hbm>>
          tpu.wait_dma2 semaphore(%run_scoped3A : memref<!tpu.dma_semaphore, #tpu.memory_space<semaphore_mem>>) src(%dma_wait3A_544 : memref<16x2x128xi32, #tpu.memory_space<hbm>>) dst(%arg6 : memref<16x2x128xi32, #tpu.memory_space<vmem>>)
          tpu.yield
        }) : () -> ()
        %dma_start3A = arith.constant 0 : i32
        %dma_start3A_23 = arith.constant 0 : i32
        %dma_start3A_24 = arith.constant 0 : i32
        %dma_start3A_25 = tpu.memref_slice %arg6[%dma_start3A, %dma_start3A_23, %dma_start3A_24] : memref<16x2x128xi32, #tpu.memory_space<vmem>> -> memref<1x1x128xi32, #tpu.memory_space<vmem>>
        %dma_start3A_26 = tpu.memref_squeeze %dma_start3A_25 : memref<1x1x128xi32, #tpu.memory_space<vmem>> -> memref<128xi32, #tpu.memory_space<vmem>>
        %dma_start3A_27 = arith.constant 0 : i32
        %dma_start3A_28 = arith.constant 0 : i32
        %dma_start3A_29 = tpu.memref_slice %arg2[%dma_start3A_27, %dma_start3A_28] : memref<10240x128xf32, #tpu.memory_space<hbm>> -> memref<10240x128xf32, #tpu.memory_space<hbm>>
        tpu.enqueue_indirect_dma source(%dma_start3A_29 : memref<10240x128xf32, #tpu.memory_space<hbm>>) target(%arg7 : memref<128x128xf32, #tpu.memory_space<vmem>>) offsets(%dma_start3A_26 : memref<128xi32, #tpu.memory_space<vmem>>) semaphore(%arg10 : memref<!tpu.dma_semaphore, #tpu.memory_space<semaphore_mem>>)
        %dma_start3A_30 = arith.constant 1 : i32
        %dma_start3A_31 = arith.constant 0 : i32
        %dma_start3A_32 = arith.constant 0 : i32
        %dma_start3A_33 = tpu.memref_slice %arg6[%dma_start3A_30, %dma_start3A_31, %dma_start3A_32] : memref<16x2x128xi32, #tpu.memory_space<vmem>> -> memref<1x1x128xi32, #tpu.memory_space<vmem>>
        %dma_start3A_34 = tpu.memref_squeeze %dma_start3A_33 : memref<1x1x128xi32, #tpu.memory_space<vmem>> -> memref<128xi32, #tpu.memory_space<vmem>>
        %dma_start3A_35 = arith.constant 0 : i32
        %dma_start3A_36 = arith.constant 0 : i32
        %dma_start3A_37 = tpu.memref_slice %arg2[%dma_start3A_35, %dma_start3A_36] : memref<10240x128xf32, #tpu.memory_space<hbm>> -> memref<10240x128xf32, #tpu.memory_space<hbm>>
        tpu.enqueue_indirect_dma source(%dma_start3A_37 : memref<10240x128xf32, #tpu.memory_space<hbm>>) target(%arg8 : memref<128x128xf32, #tpu.memory_space<vmem>>) offsets(%dma_start3A_34 : memref<128xi32, #tpu.memory_space<vmem>>) semaphore(%arg11 : memref<!tpu.dma_semaphore, #tpu.memory_space<semaphore_mem>>)
        %dma_wait3A = arith.constant 0 : i32
        %dma_wait3A_38 = arith.constant 0 : i32
        %dma_wait3A_39 = arith.constant 0 : i32
        %dma_wait3A_40 = tpu.memref_slice %arg6[%dma_wait3A, %dma_wait3A_38, %dma_wait3A_39] : memref<16x2x128xi32, #tpu.memory_space<vmem>> -> memref<1x1x128xi32, #tpu.memory_space<vmem>>
        %dma_wait3A_41 = tpu.memref_squeeze %dma_wait3A_40 : memref<1x1x128xi32, #tpu.memory_space<vmem>> -> memref<128xi32, #tpu.memory_space<vmem>>
        %dma_wait3A_42 = arith.constant 0 : i32
        %dma_wait3A_43 = arith.constant 0 : i32
        %dma_wait3A_44 = tpu.memref_slice %arg2[%dma_wait3A_42, %dma_wait3A_43] : memref<10240x128xf32, #tpu.memory_space<hbm>> -> memref<10240x128xf32, #tpu.memory_space<hbm>>
        tpu.wait_indirect_dma semaphore(%arg10 : memref<!tpu.dma_semaphore, #tpu.memory_space<semaphore_mem>>) src(%dma_wait3A_44 : memref<10240x128xf32, #tpu.memory_space<hbm>>) dst(%arg7 : memref<128x128xf32, #tpu.memory_space<vmem>>)
        %dma_start3A_45 = arith.constant 0 : i32
        %dma_start3A_46 = arith.constant 1 : i32
        %dma_start3A_47 = arith.constant 0 : i32
        %dma_start3A_48 = tpu.memref_slice %arg6[%dma_start3A_45, %dma_start3A_46, %dma_start3A_47] : memref<16x2x128xi32, #tpu.memory_space<vmem>> -> memref<1x1x128xi32, #tpu.memory_space<vmem>>
        %dma_start3A_49 = tpu.memref_squeeze %dma_start3A_48 : memref<1x1x128xi32, #tpu.memory_space<vmem>> -> memref<128xi32, #tpu.memory_space<vmem>>
        %dma_start3A_50 = arith.constant 0 : i32
        %dma_start3A_51 = arith.constant 0 : i32
        %dma_start3A_52 = tpu.memref_slice %arg9[%dma_start3A_50, %dma_start3A_51] : memref<10240x128xf32, #tpu.memory_space<vmem_shared>> -> memref<10240x128xf32, #tpu.memory_space<vmem_shared>>
        tpu.enqueue_indirect_dma source(%arg7 : memref<128x128xf32, #tpu.memory_space<vmem>>) target(%dma_start3A_52 : memref<10240x128xf32, #tpu.memory_space<vmem_shared>>) offsets(%dma_start3A_49 : memref<128xi32, #tpu.memory_space<vmem>>) semaphore(%arg12 : memref<!tpu.dma_semaphore, #tpu.memory_space<semaphore_mem>>) {add = true}
        %dma_wait3A_53 = arith.constant 0 : i32
        %dma_wait3A_54 = arith.constant 1 : i32
        %dma_wait3A_55 = arith.constant 0 : i32
        %dma_wait3A_56 = tpu.memref_slice %arg6[%dma_wait3A_53, %dma_wait3A_54, %dma_wait3A_55] : memref<16x2x128xi32, #tpu.memory_space<vmem>> -> memref<1x1x128xi32, #tpu.memory_space<vmem>>
        %dma_wait3A_57 = tpu.memref_squeeze %dma_wait3A_56 : memref<1x1x128xi32, #tpu.memory_space<vmem>> -> memref<128xi32, #tpu.memory_space<vmem>>
        %dma_wait3A_58 = arith.constant 0 : i32
        %dma_wait3A_59 = arith.constant 0 : i32
        %dma_wait3A_60 = tpu.memref_slice %arg9[%dma_wait3A_58, %dma_wait3A_59] : memref<10240x128xf32, #tpu.memory_space<vmem_shared>> -> memref<10240x128xf32, #tpu.memory_space<vmem_shared>>
        tpu.wait_indirect_dma semaphore(%arg12 : memref<!tpu.dma_semaphore, #tpu.memory_space<semaphore_mem>>) src(%arg7 : memref<128x128xf32, #tpu.memory_space<vmem>>) dst(%dma_wait3A_60 : memref<10240x128xf32, #tpu.memory_space<vmem_shared>>)
        %dma_start3A_61 = arith.constant 2 : i32
        %dma_start3A_62 = arith.constant 0 : i32
        %dma_start3A_63 = arith.constant 0 : i32
        %dma_start3A_64 = tpu.memref_slice %arg6[%dma_start3A_61, %dma_start3A_62, %dma_start3A_63] : memref<16x2x128xi32, #tpu.memory_space<vmem>> -> memref<1x1x128xi32, #tpu.memory_space<vmem>>
        %dma_start3A_65 = tpu.memref_squeeze %dma_start3A_64 : memref<1x1x128xi32, #tpu.memory_space<vmem>> -> memref<128xi32, #tpu.memory_space<vmem>>
        %dma_start3A_66 = arith.constant 0 : i32
        %dma_start3A_67 = arith.constant 0 : i32
        %dma_start3A_68 = tpu.memref_slice %arg2[%dma_start3A_66, %dma_start3A_67] : memref<10240x128xf32, #tpu.memory_space<hbm>> -> memref<10240x128xf32, #tpu.memory_space<hbm>>
        tpu.enqueue_indirect_dma source(%dma_start3A_68 : memref<10240x128xf32, #tpu.memory_space<hbm>>) target(%arg7 : memref<128x128xf32, #tpu.memory_space<vmem>>) offsets(%dma_start3A_65 : memref<128xi32, #tpu.memory_space<vmem>>) semaphore(%arg10 : memref<!tpu.dma_semaphore, #tpu.memory_space<semaphore_mem>>)
        %dma_wait3A_69 = arith.constant 1 : i32
        %dma_wait3A_70 = arith.constant 0 : i32
        %dma_wait3A_71 = arith.constant 0 : i32
        %dma_wait3A_72 = tpu.memref_slice %arg6[%dma_wait3A_69, %dma_wait3A_70, %dma_wait3A_71] : memref<16x2x128xi32, #tpu.memory_space<vmem>> -> memref<1x1x128xi32, #tpu.memory_space<vmem>>
        %dma_wait3A_73 = tpu.memref_squeeze %dma_wait3A_72 : memref<1x1x128xi32, #tpu.memory_space<vmem>> -> memref<128xi32, #tpu.memory_space<vmem>>
        %dma_wait3A_74 = arith.constant 0 : i32
        %dma_wait3A_75 = arith.constant 0 : i32
        %dma_wait3A_76 = tpu.memref_slice %arg2[%dma_wait3A_74, %dma_wait3A_75] : memref<10240x128xf32, #tpu.memory_space<hbm>> -> memref<10240x128xf32, #tpu.memory_space<hbm>>
        tpu.wait_indirect_dma semaphore(%arg11 : memref<!tpu.dma_semaphore, #tpu.memory_space<semaphore_mem>>) src(%dma_wait3A_76 : memref<10240x128xf32, #tpu.memory_space<hbm>>) dst(%arg8 : memref<128x128xf32, #tpu.memory_space<vmem>>)
        %dma_start3A_77 = arith.constant 1 : i32
        %dma_start3A_78 = arith.constant 1 : i32
        %dma_start3A_79 = arith.constant 0 : i32
        %dma_start3A_80 = tpu.memref_slice %arg6[%dma_start3A_77, %dma_start3A_78, %dma_start3A_79] : memref<16x2x128xi32, #tpu.memory_space<vmem>> -> memref<1x1x128xi32, #tpu.memory_space<vmem>>
        %dma_start3A_81 = tpu.memref_squeeze %dma_start3A_80 : memref<1x1x128xi32, #tpu.memory_space<vmem>> -> memref<128xi32, #tpu.memory_space<vmem>>
        %dma_start3A_82 = arith.constant 0 : i32
        %dma_start3A_83 = arith.constant 0 : i32
        %dma_start3A_84 = tpu.memref_slice %arg9[%dma_start3A_82, %dma_start3A_83] : memref<10240x128xf32, #tpu.memory_space<vmem_shared>> -> memref<10240x128xf32, #tpu.memory_space<vmem_shared>>
        tpu.enqueue_indirect_dma source(%arg8 : memref<128x128xf32, #tpu.memory_space<vmem>>) target(%dma_start3A_84 : memref<10240x128xf32, #tpu.memory_space<vmem_shared>>) offsets(%dma_start3A_81 : memref<128xi32, #tpu.memory_space<vmem>>) semaphore(%arg13 : memref<!tpu.dma_semaphore, #tpu.memory_space<semaphore_mem>>) {add = true}
        %dma_wait3A_85 = arith.constant 1 : i32
        %dma_wait3A_86 = arith.constant 1 : i32
        %dma_wait3A_87 = arith.constant 0 : i32
        %dma_wait3A_88 = tpu.memref_slice %arg6[%dma_wait3A_85, %dma_wait3A_86, %dma_wait3A_87] : memref<16x2x128xi32, #tpu.memory_space<vmem>> -> memref<1x1x128xi32, #tpu.memory_space<vmem>>
        %dma_wait3A_89 = tpu.memref_squeeze %dma_wait3A_88 : memref<1x1x128xi32, #tpu.memory_space<vmem>> -> memref<128xi32, #tpu.memory_space<vmem>>
        %dma_wait3A_90 = arith.constant 0 : i32
        %dma_wait3A_91 = arith.constant 0 : i32
        %dma_wait3A_92 = tpu.memref_slice %arg9[%dma_wait3A_90, %dma_wait3A_91] : memref<10240x128xf32, #tpu.memory_space<vmem_shared>> -> memref<10240x128xf32, #tpu.memory_space<vmem_shared>>
        tpu.wait_indirect_dma semaphore(%arg13 : memref<!tpu.dma_semaphore, #tpu.memory_space<semaphore_mem>>) src(%arg8 : memref<128x128xf32, #tpu.memory_space<vmem>>) dst(%dma_wait3A_92 : memref<10240x128xf32, #tpu.memory_space<vmem_shared>>)
        %dma_start3A_93 = arith.constant 3 : i32
        %dma_start3A_94 = arith.constant 0 : i32
        %dma_start3A_95 = arith.constant 0 : i32
        %dma_start3A_96 = tpu.memref_slice %arg6[%dma_start3A_93, %dma_start3A_94, %dma_start3A_95] : memref<16x2x128xi32, #tpu.memory_space<vmem>> -> memref<1x1x128xi32, #tpu.memory_space<vmem>>
        %dma_start3A_97 = tpu.memref_squeeze %dma_start3A_96 : memref<1x1x128xi32, #tpu.memory_space<vmem>> -> memref<128xi32, #tpu.memory_space<vmem>>
        %dma_start3A_98 = arith.constant 0 : i32
        %dma_start3A_99 = arith.constant 0 : i32
        %dma_start3A_100 = tpu.memref_slice %arg2[%dma_start3A_98, %dma_start3A_99] : memref<10240x128xf32, #tpu.memory_space<hbm>> -> memref<10240x128xf32, #tpu.memory_space<hbm>>
        tpu.enqueue_indirect_dma source(%dma_start3A_100 : memref<10240x128xf32, #tpu.memory_space<hbm>>) target(%arg8 : memref<128x128xf32, #tpu.memory_space<vmem>>) offsets(%dma_start3A_97 : memref<128xi32, #tpu.memory_space<vmem>>) semaphore(%arg11 : memref<!tpu.dma_semaphore, #tpu.memory_space<semaphore_mem>>)
        %dma_wait3A_101 = arith.constant 2 : i32
        %dma_wait3A_102 = arith.constant 0 : i32
        %dma_wait3A_103 = arith.constant 0 : i32
        %dma_wait3A_104 = tpu.memref_slice %arg6[%dma_wait3A_101, %dma_wait3A_102, %dma_wait3A_103] : memref<16x2x128xi32, #tpu.memory_space<vmem>> -> memref<1x1x128xi32, #tpu.memory_space<vmem>>
        %dma_wait3A_105 = tpu.memref_squeeze %dma_wait3A_104 : memref<1x1x128xi32, #tpu.memory_space<vmem>> -> memref<128xi32, #tpu.memory_space<vmem>>
        %dma_wait3A_106 = arith.constant 0 : i32
        %dma_wait3A_107 = arith.constant 0 : i32
        %dma_wait3A_108 = tpu.memref_slice %arg2[%dma_wait3A_106, %dma_wait3A_107] : memref<10240x128xf32, #tpu.memory_space<hbm>> -> memref<10240x128xf32, #tpu.memory_space<hbm>>
        tpu.wait_indirect_dma semaphore(%arg10 : memref<!tpu.dma_semaphore, #tpu.memory_space<semaphore_mem>>) src(%dma_wait3A_108 : memref<10240x128xf32, #tpu.memory_space<hbm>>) dst(%arg7 : memref<128x128xf32, #tpu.memory_space<vmem>>)
        %dma_start3A_109 = arith.constant 2 : i32
        %dma_start3A_110 = arith.constant 1 : i32
        %dma_start3A_111 = arith.constant 0 : i32
        %dma_start3A_112 = tpu.memref_slice %arg6[%dma_start3A_109, %dma_start3A_110, %dma_start3A_111] : memref<16x2x128xi32, #tpu.memory_space<vmem>> -> memref<1x1x128xi32, #tpu.memory_space<vmem>>
        %dma_start3A_113 = tpu.memref_squeeze %dma_start3A_112 : memref<1x1x128xi32, #tpu.memory_space<vmem>> -> memref<128xi32, #tpu.memory_space<vmem>>
        %dma_start3A_114 = arith.constant 0 : i32
        %dma_start3A_115 = arith.constant 0 : i32
        %dma_start3A_116 = tpu.memref_slice %arg9[%dma_start3A_114, %dma_start3A_115] : memref<10240x128xf32, #tpu.memory_space<vmem_shared>> -> memref<10240x128xf32, #tpu.memory_space<vmem_shared>>
        tpu.enqueue_indirect_dma source(%arg7 : memref<128x128xf32, #tpu.memory_space<vmem>>) target(%dma_start3A_116 : memref<10240x128xf32, #tpu.memory_space<vmem_shared>>) offsets(%dma_start3A_113 : memref<128xi32, #tpu.memory_space<vmem>>) semaphore(%arg12 : memref<!tpu.dma_semaphore, #tpu.memory_space<semaphore_mem>>) {add = true}
        %dma_wait3A_117 = arith.constant 2 : i32
        %dma_wait3A_118 = arith.constant 1 : i32
        %dma_wait3A_119 = arith.constant 0 : i32
        %dma_wait3A_120 = tpu.memref_slice %arg6[%dma_wait3A_117, %dma_wait3A_118, %dma_wait3A_119] : memref<16x2x128xi32, #tpu.memory_space<vmem>> -> memref<1x1x128xi32, #tpu.memory_space<vmem>>
        %dma_wait3A_121 = tpu.memref_squeeze %dma_wait3A_120 : memref<1x1x128xi32, #tpu.memory_space<vmem>> -> memref<128xi32, #tpu.memory_space<vmem>>
        %dma_wait3A_122 = arith.constant 0 : i32
        %dma_wait3A_123 = arith.constant 0 : i32
        %dma_wait3A_124 = tpu.memref_slice %arg9[%dma_wait3A_122, %dma_wait3A_123] : memref<10240x128xf32, #tpu.memory_space<vmem_shared>> -> memref<10240x128xf32, #tpu.memory_space<vmem_shared>>
        tpu.wait_indirect_dma semaphore(%arg12 : memref<!tpu.dma_semaphore, #tpu.memory_space<semaphore_mem>>) src(%arg7 : memref<128x128xf32, #tpu.memory_space<vmem>>) dst(%dma_wait3A_124 : memref<10240x128xf32, #tpu.memory_space<vmem_shared>>)
        %dma_start3A_125 = arith.constant 4 : i32
        %dma_start3A_126 = arith.constant 0 : i32
        %dma_start3A_127 = arith.constant 0 : i32
        %dma_start3A_128 = tpu.memref_slice %arg6[%dma_start3A_125, %dma_start3A_126, %dma_start3A_127] : memref<16x2x128xi32, #tpu.memory_space<vmem>> -> memref<1x1x128xi32, #tpu.memory_space<vmem>>
        %dma_start3A_129 = tpu.memref_squeeze %dma_start3A_128 : memref<1x1x128xi32, #tpu.memory_space<vmem>> -> memref<128xi32, #tpu.memory_space<vmem>>
        %dma_start3A_130 = arith.constant 0 : i32
        %dma_start3A_131 = arith.constant 0 : i32
        %dma_start3A_132 = tpu.memref_slice %arg2[%dma_start3A_130, %dma_start3A_131] : memref<10240x128xf32, #tpu.memory_space<hbm>> -> memref<10240x128xf32, #tpu.memory_space<hbm>>
        tpu.enqueue_indirect_dma source(%dma_start3A_132 : memref<10240x128xf32, #tpu.memory_space<hbm>>) target(%arg7 : memref<128x128xf32, #tpu.memory_space<vmem>>) offsets(%dma_start3A_129 : memref<128xi32, #tpu.memory_space<vmem>>) semaphore(%arg10 : memref<!tpu.dma_semaphore, #tpu.memory_space<semaphore_mem>>)
        %dma_wait3A_133 = arith.constant 3 : i32
        %dma_wait3A_134 = arith.constant 0 : i32
        %dma_wait3A_135 = arith.constant 0 : i32
        %dma_wait3A_136 = tpu.memref_slice %arg6[%dma_wait3A_133, %dma_wait3A_134, %dma_wait3A_135] : memref<16x2x128xi32, #tpu.memory_space<vmem>> -> memref<1x1x128xi32, #tpu.memory_space<vmem>>
        %dma_wait3A_137 = tpu.memref_squeeze %dma_wait3A_136 : memref<1x1x128xi32, #tpu.memory_space<vmem>> -> memref<128xi32, #tpu.memory_space<vmem>>
        %dma_wait3A_138 = arith.constant 0 : i32
        %dma_wait3A_139 = arith.constant 0 : i32
        %dma_wait3A_140 = tpu.memref_slice %arg2[%dma_wait3A_138, %dma_wait3A_139] : memref<10240x128xf32, #tpu.memory_space<hbm>> -> memref<10240x128xf32, #tpu.memory_space<hbm>>
        tpu.wait_indirect_dma semaphore(%arg11 : memref<!tpu.dma_semaphore, #tpu.memory_space<semaphore_mem>>) src(%dma_wait3A_140 : memref<10240x128xf32, #tpu.memory_space<hbm>>) dst(%arg8 : memref<128x128xf32, #tpu.memory_space<vmem>>)
        %dma_start3A_141 = arith.constant 3 : i32
        %dma_start3A_142 = arith.constant 1 : i32
        %dma_start3A_143 = arith.constant 0 : i32
        %dma_start3A_144 = tpu.memref_slice %arg6[%dma_start3A_141, %dma_start3A_142, %dma_start3A_143] : memref<16x2x128xi32, #tpu.memory_space<vmem>> -> memref<1x1x128xi32, #tpu.memory_space<vmem>>
        %dma_start3A_145 = tpu.memref_squeeze %dma_start3A_144 : memref<1x1x128xi32, #tpu.memory_space<vmem>> -> memref<128xi32, #tpu.memory_space<vmem>>
        %dma_start3A_146 = arith.constant 0 : i32
        %dma_start3A_147 = arith.constant 0 : i32
        %dma_start3A_148 = tpu.memref_slice %arg9[%dma_start3A_146, %dma_start3A_147] : memref<10240x128xf32, #tpu.memory_space<vmem_shared>> -> memref<10240x128xf32, #tpu.memory_space<vmem_shared>>
        tpu.enqueue_indirect_dma source(%arg8 : memref<128x128xf32, #tpu.memory_space<vmem>>) target(%dma_start3A_148 : memref<10240x128xf32, #tpu.memory_space<vmem_shared>>) offsets(%dma_start3A_145 : memref<128xi32, #tpu.memory_space<vmem>>) semaphore(%arg13 : memref<!tpu.dma_semaphore, #tpu.memory_space<semaphore_mem>>) {add = true}
        %dma_wait3A_149 = arith.constant 3 : i32
        %dma_wait3A_150 = arith.constant 1 : i32
        %dma_wait3A_151 = arith.constant 0 : i32
        %dma_wait3A_152 = tpu.memref_slice %arg6[%dma_wait3A_149, %dma_wait3A_150, %dma_wait3A_151] : memref<16x2x128xi32, #tpu.memory_space<vmem>> -> memref<1x1x128xi32, #tpu.memory_space<vmem>>
        %dma_wait3A_153 = tpu.memref_squeeze %dma_wait3A_152 : memref<1x1x128xi32, #tpu.memory_space<vmem>> -> memref<128xi32, #tpu.memory_space<vmem>>
        %dma_wait3A_154 = arith.constant 0 : i32
        %dma_wait3A_155 = arith.constant 0 : i32
        %dma_wait3A_156 = tpu.memref_slice %arg9[%dma_wait3A_154, %dma_wait3A_155] : memref<10240x128xf32, #tpu.memory_space<vmem_shared>> -> memref<10240x128xf32, #tpu.memory_space<vmem_shared>>
        tpu.wait_indirect_dma semaphore(%arg13 : memref<!tpu.dma_semaphore, #tpu.memory_space<semaphore_mem>>) src(%arg8 : memref<128x128xf32, #tpu.memory_space<vmem>>) dst(%dma_wait3A_156 : memref<10240x128xf32, #tpu.memory_space<vmem_shared>>)
        %dma_start3A_157 = arith.constant 5 : i32
        %dma_start3A_158 = arith.constant 0 : i32
        %dma_start3A_159 = arith.constant 0 : i32
        %dma_start3A_160 = tpu.memref_slice %arg6[%dma_start3A_157, %dma_start3A_158, %dma_start3A_159] : memref<16x2x128xi32, #tpu.memory_space<vmem>> -> memref<1x1x128xi32, #tpu.memory_space<vmem>>
        %dma_start3A_161 = tpu.memref_squeeze %dma_start3A_160 : memref<1x1x128xi32, #tpu.memory_space<vmem>> -> memref<128xi32, #tpu.memory_space<vmem>>
        %dma_start3A_162 = arith.constant 0 : i32
        %dma_start3A_163 = arith.constant 0 : i32
        %dma_start3A_164 = tpu.memref_slice %arg2[%dma_start3A_162, %dma_start3A_163] : memref<10240x128xf32, #tpu.memory_space<hbm>> -> memref<10240x128xf32, #tpu.memory_space<hbm>>
        tpu.enqueue_indirect_dma source(%dma_start3A_164 : memref<10240x128xf32, #tpu.memory_space<hbm>>) target(%arg8 : memref<128x128xf32, #tpu.memory_space<vmem>>) offsets(%dma_start3A_161 : memref<128xi32, #tpu.memory_space<vmem>>) semaphore(%arg11 : memref<!tpu.dma_semaphore, #tpu.memory_space<semaphore_mem>>)
        %dma_wait3A_165 = arith.constant 4 : i32
        %dma_wait3A_166 = arith.constant 0 : i32
        %dma_wait3A_167 = arith.constant 0 : i32
        %dma_wait3A_168 = tpu.memref_slice %arg6[%dma_wait3A_165, %dma_wait3A_166, %dma_wait3A_167] : memref<16x2x128xi32, #tpu.memory_space<vmem>> -> memref<1x1x128xi32, #tpu.memory_space<vmem>>
        %dma_wait3A_169 = tpu.memref_squeeze %dma_wait3A_168 : memref<1x1x128xi32, #tpu.memory_space<vmem>> -> memref<128xi32, #tpu.memory_space<vmem>>
        %dma_wait3A_170 = arith.constant 0 : i32
        %dma_wait3A_171 = arith.constant 0 : i32
        %dma_wait3A_172 = tpu.memref_slice %arg2[%dma_wait3A_170, %dma_wait3A_171] : memref<10240x128xf32, #tpu.memory_space<hbm>> -> memref<10240x128xf32, #tpu.memory_space<hbm>>
        tpu.wait_indirect_dma semaphore(%arg10 : memref<!tpu.dma_semaphore, #tpu.memory_space<semaphore_mem>>) src(%dma_wait3A_172 : memref<10240x128xf32, #tpu.memory_space<hbm>>) dst(%arg7 : memref<128x128xf32, #tpu.memory_space<vmem>>)
        %dma_start3A_173 = arith.constant 4 : i32
        %dma_start3A_174 = arith.constant 1 : i32
        %dma_start3A_175 = arith.constant 0 : i32
        %dma_start3A_176 = tpu.memref_slice %arg6[%dma_start3A_173, %dma_start3A_174, %dma_start3A_175] : memref<16x2x128xi32, #tpu.memory_space<vmem>> -> memref<1x1x128xi32, #tpu.memory_space<vmem>>
        %dma_start3A_177 = tpu.memref_squeeze %dma_start3A_176 : memref<1x1x128xi32, #tpu.memory_space<vmem>> -> memref<128xi32, #tpu.memory_space<vmem>>
        %dma_start3A_178 = arith.constant 0 : i32
        %dma_start3A_179 = arith.constant 0 : i32
        %dma_start3A_180 = tpu.memref_slice %arg9[%dma_start3A_178, %dma_start3A_179] : memref<10240x128xf32, #tpu.memory_space<vmem_shared>> -> memref<10240x128xf32, #tpu.memory_space<vmem_shared>>
        tpu.enqueue_indirect_dma source(%arg7 : memref<128x128xf32, #tpu.memory_space<vmem>>) target(%dma_start3A_180 : memref<10240x128xf32, #tpu.memory_space<vmem_shared>>) offsets(%dma_start3A_177 : memref<128xi32, #tpu.memory_space<vmem>>) semaphore(%arg12 : memref<!tpu.dma_semaphore, #tpu.memory_space<semaphore_mem>>) {add = true}
        %dma_wait3A_181 = arith.constant 4 : i32
        %dma_wait3A_182 = arith.constant 1 : i32
        %dma_wait3A_183 = arith.constant 0 : i32
        %dma_wait3A_184 = tpu.memref_slice %arg6[%dma_wait3A_181, %dma_wait3A_182, %dma_wait3A_183] : memref<16x2x128xi32, #tpu.memory_space<vmem>> -> memref<1x1x128xi32, #tpu.memory_space<vmem>>
        %dma_wait3A_185 = tpu.memref_squeeze %dma_wait3A_184 : memref<1x1x128xi32, #tpu.memory_space<vmem>> -> memref<128xi32, #tpu.memory_space<vmem>>
        %dma_wait3A_186 = arith.constant 0 : i32
        %dma_wait3A_187 = arith.constant 0 : i32
        %dma_wait3A_188 = tpu.memref_slice %arg9[%dma_wait3A_186, %dma_wait3A_187] : memref<10240x128xf32, #tpu.memory_space<vmem_shared>> -> memref<10240x128xf32, #tpu.memory_space<vmem_shared>>
        tpu.wait_indirect_dma semaphore(%arg12 : memref<!tpu.dma_semaphore, #tpu.memory_space<semaphore_mem>>) src(%arg7 : memref<128x128xf32, #tpu.memory_space<vmem>>) dst(%dma_wait3A_188 : memref<10240x128xf32, #tpu.memory_space<vmem_shared>>)
        %dma_start3A_189 = arith.constant 6 : i32
        %dma_start3A_190 = arith.constant 0 : i32
        %dma_start3A_191 = arith.constant 0 : i32
        %dma_start3A_192 = tpu.memref_slice %arg6[%dma_start3A_189, %dma_start3A_190, %dma_start3A_191] : memref<16x2x128xi32, #tpu.memory_space<vmem>> -> memref<1x1x128xi32, #tpu.memory_space<vmem>>
        %dma_start3A_193 = tpu.memref_squeeze %dma_start3A_192 : memref<1x1x128xi32, #tpu.memory_space<vmem>> -> memref<128xi32, #tpu.memory_space<vmem>>
        %dma_start3A_194 = arith.constant 0 : i32
        %dma_start3A_195 = arith.constant 0 : i32
        %dma_start3A_196 = tpu.memref_slice %arg2[%dma_start3A_194, %dma_start3A_195] : memref<10240x128xf32, #tpu.memory_space<hbm>> -> memref<10240x128xf32, #tpu.memory_space<hbm>>
        tpu.enqueue_indirect_dma source(%dma_start3A_196 : memref<10240x128xf32, #tpu.memory_space<hbm>>) target(%arg7 : memref<128x128xf32, #tpu.memory_space<vmem>>) offsets(%dma_start3A_193 : memref<128xi32, #tpu.memory_space<vmem>>) semaphore(%arg10 : memref<!tpu.dma_semaphore, #tpu.memory_space<semaphore_mem>>)
        %dma_wait3A_197 = arith.constant 5 : i32
        %dma_wait3A_198 = arith.constant 0 : i32
        %dma_wait3A_199 = arith.constant 0 : i32
        %dma_wait3A_200 = tpu.memref_slice %arg6[%dma_wait3A_197, %dma_wait3A_198, %dma_wait3A_199] : memref<16x2x128xi32, #tpu.memory_space<vmem>> -> memref<1x1x128xi32, #tpu.memory_space<vmem>>
        %dma_wait3A_201 = tpu.memref_squeeze %dma_wait3A_200 : memref<1x1x128xi32, #tpu.memory_space<vmem>> -> memref<128xi32, #tpu.memory_space<vmem>>
        %dma_wait3A_202 = arith.constant 0 : i32
        %dma_wait3A_203 = arith.constant 0 : i32
        %dma_wait3A_204 = tpu.memref_slice %arg2[%dma_wait3A_202, %dma_wait3A_203] : memref<10240x128xf32, #tpu.memory_space<hbm>> -> memref<10240x128xf32, #tpu.memory_space<hbm>>
        tpu.wait_indirect_dma semaphore(%arg11 : memref<!tpu.dma_semaphore, #tpu.memory_space<semaphore_mem>>) src(%dma_wait3A_204 : memref<10240x128xf32, #tpu.memory_space<hbm>>) dst(%arg8 : memref<128x128xf32, #tpu.memory_space<vmem>>)
        %dma_start3A_205 = arith.constant 5 : i32
        %dma_start3A_206 = arith.constant 1 : i32
        %dma_start3A_207 = arith.constant 0 : i32
        %dma_start3A_208 = tpu.memref_slice %arg6[%dma_start3A_205, %dma_start3A_206, %dma_start3A_207] : memref<16x2x128xi32, #tpu.memory_space<vmem>> -> memref<1x1x128xi32, #tpu.memory_space<vmem>>
        %dma_start3A_209 = tpu.memref_squeeze %dma_start3A_208 : memref<1x1x128xi32, #tpu.memory_space<vmem>> -> memref<128xi32, #tpu.memory_space<vmem>>
        %dma_start3A_210 = arith.constant 0 : i32
        %dma_start3A_211 = arith.constant 0 : i32
        %dma_start3A_212 = tpu.memref_slice %arg9[%dma_start3A_210, %dma_start3A_211] : memref<10240x128xf32, #tpu.memory_space<vmem_shared>> -> memref<10240x128xf32, #tpu.memory_space<vmem_shared>>
        tpu.enqueue_indirect_dma source(%arg8 : memref<128x128xf32, #tpu.memory_space<vmem>>) target(%dma_start3A_212 : memref<10240x128xf32, #tpu.memory_space<vmem_shared>>) offsets(%dma_start3A_209 : memref<128xi32, #tpu.memory_space<vmem>>) semaphore(%arg13 : memref<!tpu.dma_semaphore, #tpu.memory_space<semaphore_mem>>) {add = true}
        %dma_wait3A_213 = arith.constant 5 : i32
        %dma_wait3A_214 = arith.constant 1 : i32
        %dma_wait3A_215 = arith.constant 0 : i32
        %dma_wait3A_216 = tpu.memref_slice %arg6[%dma_wait3A_213, %dma_wait3A_214, %dma_wait3A_215] : memref<16x2x128xi32, #tpu.memory_space<vmem>> -> memref<1x1x128xi32, #tpu.memory_space<vmem>>
        %dma_wait3A_217 = tpu.memref_squeeze %dma_wait3A_216 : memref<1x1x128xi32, #tpu.memory_space<vmem>> -> memref<128xi32, #tpu.memory_space<vmem>>
        %dma_wait3A_218 = arith.constant 0 : i32
        %dma_wait3A_219 = arith.constant 0 : i32
        %dma_wait3A_220 = tpu.memref_slice %arg9[%dma_wait3A_218, %dma_wait3A_219] : memref<10240x128xf32, #tpu.memory_space<vmem_shared>> -> memref<10240x128xf32, #tpu.memory_space<vmem_shared>>
        tpu.wait_indirect_dma semaphore(%arg13 : memref<!tpu.dma_semaphore, #tpu.memory_space<semaphore_mem>>) src(%arg8 : memref<128x128xf32, #tpu.memory_space<vmem>>) dst(%dma_wait3A_220 : memref<10240x128xf32, #tpu.memory_space<vmem_shared>>)
        %dma_start3A_221 = arith.constant 7 : i32
        %dma_start3A_222 = arith.constant 0 : i32
        %dma_start3A_223 = arith.constant 0 : i32
        %dma_start3A_224 = tpu.memref_slice %arg6[%dma_start3A_221, %dma_start3A_222, %dma_start3A_223] : memref<16x2x128xi32, #tpu.memory_space<vmem>> -> memref<1x1x128xi32, #tpu.memory_space<vmem>>
        %dma_start3A_225 = tpu.memref_squeeze %dma_start3A_224 : memref<1x1x128xi32, #tpu.memory_space<vmem>> -> memref<128xi32, #tpu.memory_space<vmem>>
        %dma_start3A_226 = arith.constant 0 : i32
        %dma_start3A_227 = arith.constant 0 : i32
        %dma_start3A_228 = tpu.memref_slice %arg2[%dma_start3A_226, %dma_start3A_227] : memref<10240x128xf32, #tpu.memory_space<hbm>> -> memref<10240x128xf32, #tpu.memory_space<hbm>>
        tpu.enqueue_indirect_dma source(%dma_start3A_228 : memref<10240x128xf32, #tpu.memory_space<hbm>>) target(%arg8 : memref<128x128xf32, #tpu.memory_space<vmem>>) offsets(%dma_start3A_225 : memref<128xi32, #tpu.memory_space<vmem>>) semaphore(%arg11 : memref<!tpu.dma_semaphore, #tpu.memory_space<semaphore_mem>>)
        %dma_wait3A_229 = arith.constant 6 : i32
        %dma_wait3A_230 = arith.constant 0 : i32
        %dma_wait3A_231 = arith.constant 0 : i32
        %dma_wait3A_232 = tpu.memref_slice %arg6[%dma_wait3A_229, %dma_wait3A_230, %dma_wait3A_231] : memref<16x2x128xi32, #tpu.memory_space<vmem>> -> memref<1x1x128xi32, #tpu.memory_space<vmem>>
        %dma_wait3A_233 = tpu.memref_squeeze %dma_wait3A_232 : memref<1x1x128xi32, #tpu.memory_space<vmem>> -> memref<128xi32, #tpu.memory_space<vmem>>
        %dma_wait3A_234 = arith.constant 0 : i32
        %dma_wait3A_235 = arith.constant 0 : i32
        %dma_wait3A_236 = tpu.memref_slice %arg2[%dma_wait3A_234, %dma_wait3A_235] : memref<10240x128xf32, #tpu.memory_space<hbm>> -> memref<10240x128xf32, #tpu.memory_space<hbm>>
        tpu.wait_indirect_dma semaphore(%arg10 : memref<!tpu.dma_semaphore, #tpu.memory_space<semaphore_mem>>) src(%dma_wait3A_236 : memref<10240x128xf32, #tpu.memory_space<hbm>>) dst(%arg7 : memref<128x128xf32, #tpu.memory_space<vmem>>)
        %dma_start3A_237 = arith.constant 6 : i32
        %dma_start3A_238 = arith.constant 1 : i32
        %dma_start3A_239 = arith.constant 0 : i32
        %dma_start3A_240 = tpu.memref_slice %arg6[%dma_start3A_237, %dma_start3A_238, %dma_start3A_239] : memref<16x2x128xi32, #tpu.memory_space<vmem>> -> memref<1x1x128xi32, #tpu.memory_space<vmem>>
        %dma_start3A_241 = tpu.memref_squeeze %dma_start3A_240 : memref<1x1x128xi32, #tpu.memory_space<vmem>> -> memref<128xi32, #tpu.memory_space<vmem>>
        %dma_start3A_242 = arith.constant 0 : i32
        %dma_start3A_243 = arith.constant 0 : i32
        %dma_start3A_244 = tpu.memref_slice %arg9[%dma_start3A_242, %dma_start3A_243] : memref<10240x128xf32, #tpu.memory_space<vmem_shared>> -> memref<10240x128xf32, #tpu.memory_space<vmem_shared>>
        tpu.enqueue_indirect_dma source(%arg7 : memref<128x128xf32, #tpu.memory_space<vmem>>) target(%dma_start3A_244 : memref<10240x128xf32, #tpu.memory_space<vmem_shared>>) offsets(%dma_start3A_241 : memref<128xi32, #tpu.memory_space<vmem>>) semaphore(%arg12 : memref<!tpu.dma_semaphore, #tpu.memory_space<semaphore_mem>>) {add = true}
        %dma_wait3A_245 = arith.constant 6 : i32
        %dma_wait3A_246 = arith.constant 1 : i32
        %dma_wait3A_247 = arith.constant 0 : i32
        %dma_wait3A_248 = tpu.memref_slice %arg6[%dma_wait3A_245, %dma_wait3A_246, %dma_wait3A_247] : memref<16x2x128xi32, #tpu.memory_space<vmem>> -> memref<1x1x128xi32, #tpu.memory_space<vmem>>
        %dma_wait3A_249 = tpu.memref_squeeze %dma_wait3A_248 : memref<1x1x128xi32, #tpu.memory_space<vmem>> -> memref<128xi32, #tpu.memory_space<vmem>>
        %dma_wait3A_250 = arith.constant 0 : i32
        %dma_wait3A_251 = arith.constant 0 : i32
        %dma_wait3A_252 = tpu.memref_slice %arg9[%dma_wait3A_250, %dma_wait3A_251] : memref<10240x128xf32, #tpu.memory_space<vmem_shared>> -> memref<10240x128xf32, #tpu.memory_space<vmem_shared>>
        tpu.wait_indirect_dma semaphore(%arg12 : memref<!tpu.dma_semaphore, #tpu.memory_space<semaphore_mem>>) src(%arg7 : memref<128x128xf32, #tpu.memory_space<vmem>>) dst(%dma_wait3A_252 : memref<10240x128xf32, #tpu.memory_space<vmem_shared>>)
        %dma_start3A_253 = arith.constant 8 : i32
        %dma_start3A_254 = arith.constant 0 : i32
        %dma_start3A_255 = arith.constant 0 : i32
        %dma_start3A_256 = tpu.memref_slice %arg6[%dma_start3A_253, %dma_start3A_254, %dma_start3A_255] : memref<16x2x128xi32, #tpu.memory_space<vmem>> -> memref<1x1x128xi32, #tpu.memory_space<vmem>>
        %dma_start3A_257 = tpu.memref_squeeze %dma_start3A_256 : memref<1x1x128xi32, #tpu.memory_space<vmem>> -> memref<128xi32, #tpu.memory_space<vmem>>
        %dma_start3A_258 = arith.constant 0 : i32
        %dma_start3A_259 = arith.constant 0 : i32
        %dma_start3A_260 = tpu.memref_slice %arg2[%dma_start3A_258, %dma_start3A_259] : memref<10240x128xf32, #tpu.memory_space<hbm>> -> memref<10240x128xf32, #tpu.memory_space<hbm>>
        tpu.enqueue_indirect_dma source(%dma_start3A_260 : memref<10240x128xf32, #tpu.memory_space<hbm>>) target(%arg7 : memref<128x128xf32, #tpu.memory_space<vmem>>) offsets(%dma_start3A_257 : memref<128xi32, #tpu.memory_space<vmem>>) semaphore(%arg10 : memref<!tpu.dma_semaphore, #tpu.memory_space<semaphore_mem>>)
        %dma_wait3A_261 = arith.constant 7 : i32
        %dma_wait3A_262 = arith.constant 0 : i32
        %dma_wait3A_263 = arith.constant 0 : i32
        %dma_wait3A_264 = tpu.memref_slice %arg6[%dma_wait3A_261, %dma_wait3A_262, %dma_wait3A_263] : memref<16x2x128xi32, #tpu.memory_space<vmem>> -> memref<1x1x128xi32, #tpu.memory_space<vmem>>
        %dma_wait3A_265 = tpu.memref_squeeze %dma_wait3A_264 : memref<1x1x128xi32, #tpu.memory_space<vmem>> -> memref<128xi32, #tpu.memory_space<vmem>>
        %dma_wait3A_266 = arith.constant 0 : i32
        %dma_wait3A_267 = arith.constant 0 : i32
        %dma_wait3A_268 = tpu.memref_slice %arg2[%dma_wait3A_266, %dma_wait3A_267] : memref<10240x128xf32, #tpu.memory_space<hbm>> -> memref<10240x128xf32, #tpu.memory_space<hbm>>
        tpu.wait_indirect_dma semaphore(%arg11 : memref<!tpu.dma_semaphore, #tpu.memory_space<semaphore_mem>>) src(%dma_wait3A_268 : memref<10240x128xf32, #tpu.memory_space<hbm>>) dst(%arg8 : memref<128x128xf32, #tpu.memory_space<vmem>>)
        %dma_start3A_269 = arith.constant 7 : i32
        %dma_start3A_270 = arith.constant 1 : i32
        %dma_start3A_271 = arith.constant 0 : i32
        %dma_start3A_272 = tpu.memref_slice %arg6[%dma_start3A_269, %dma_start3A_270, %dma_start3A_271] : memref<16x2x128xi32, #tpu.memory_space<vmem>> -> memref<1x1x128xi32, #tpu.memory_space<vmem>>
        %dma_start3A_273 = tpu.memref_squeeze %dma_start3A_272 : memref<1x1x128xi32, #tpu.memory_space<vmem>> -> memref<128xi32, #tpu.memory_space<vmem>>
        %dma_start3A_274 = arith.constant 0 : i32
        %dma_start3A_275 = arith.constant 0 : i32
        %dma_start3A_276 = tpu.memref_slice %arg9[%dma_start3A_274, %dma_start3A_275] : memref<10240x128xf32, #tpu.memory_space<vmem_shared>> -> memref<10240x128xf32, #tpu.memory_space<vmem_shared>>
        tpu.enqueue_indirect_dma source(%arg8 : memref<128x128xf32, #tpu.memory_space<vmem>>) target(%dma_start3A_276 : memref<10240x128xf32, #tpu.memory_space<vmem_shared>>) offsets(%dma_start3A_273 : memref<128xi32, #tpu.memory_space<vmem>>) semaphore(%arg13 : memref<!tpu.dma_semaphore, #tpu.memory_space<semaphore_mem>>) {add = true}
        %dma_wait3A_277 = arith.constant 7 : i32
        %dma_wait3A_278 = arith.constant 1 : i32
        %dma_wait3A_279 = arith.constant 0 : i32
        %dma_wait3A_280 = tpu.memref_slice %arg6[%dma_wait3A_277, %dma_wait3A_278, %dma_wait3A_279] : memref<16x2x128xi32, #tpu.memory_space<vmem>> -> memref<1x1x128xi32, #tpu.memory_space<vmem>>
        %dma_wait3A_281 = tpu.memref_squeeze %dma_wait3A_280 : memref<1x1x128xi32, #tpu.memory_space<vmem>> -> memref<128xi32, #tpu.memory_space<vmem>>
        %dma_wait3A_282 = arith.constant 0 : i32
        %dma_wait3A_283 = arith.constant 0 : i32
        %dma_wait3A_284 = tpu.memref_slice %arg9[%dma_wait3A_282, %dma_wait3A_283] : memref<10240x128xf32, #tpu.memory_space<vmem_shared>> -> memref<10240x128xf32, #tpu.memory_space<vmem_shared>>
        tpu.wait_indirect_dma semaphore(%arg13 : memref<!tpu.dma_semaphore, #tpu.memory_space<semaphore_mem>>) src(%arg8 : memref<128x128xf32, #tpu.memory_space<vmem>>) dst(%dma_wait3A_284 : memref<10240x128xf32, #tpu.memory_space<vmem_shared>>)
        %dma_start3A_285 = arith.constant 9 : i32
        %dma_start3A_286 = arith.constant 0 : i32
        %dma_start3A_287 = arith.constant 0 : i32
        %dma_start3A_288 = tpu.memref_slice %arg6[%dma_start3A_285, %dma_start3A_286, %dma_start3A_287] : memref<16x2x128xi32, #tpu.memory_space<vmem>> -> memref<1x1x128xi32, #tpu.memory_space<vmem>>
        %dma_start3A_289 = tpu.memref_squeeze %dma_start3A_288 : memref<1x1x128xi32, #tpu.memory_space<vmem>> -> memref<128xi32, #tpu.memory_space<vmem>>
        %dma_start3A_290 = arith.constant 0 : i32
        %dma_start3A_291 = arith.constant 0 : i32
        %dma_start3A_292 = tpu.memref_slice %arg2[%dma_start3A_290, %dma_start3A_291] : memref<10240x128xf32, #tpu.memory_space<hbm>> -> memref<10240x128xf32, #tpu.memory_space<hbm>>
        tpu.enqueue_indirect_dma source(%dma_start3A_292 : memref<10240x128xf32, #tpu.memory_space<hbm>>) target(%arg8 : memref<128x128xf32, #tpu.memory_space<vmem>>) offsets(%dma_start3A_289 : memref<128xi32, #tpu.memory_space<vmem>>) semaphore(%arg11 : memref<!tpu.dma_semaphore, #tpu.memory_space<semaphore_mem>>)
        %dma_wait3A_293 = arith.constant 8 : i32
        %dma_wait3A_294 = arith.constant 0 : i32
        %dma_wait3A_295 = arith.constant 0 : i32
        %dma_wait3A_296 = tpu.memref_slice %arg6[%dma_wait3A_293, %dma_wait3A_294, %dma_wait3A_295] : memref<16x2x128xi32, #tpu.memory_space<vmem>> -> memref<1x1x128xi32, #tpu.memory_space<vmem>>
        %dma_wait3A_297 = tpu.memref_squeeze %dma_wait3A_296 : memref<1x1x128xi32, #tpu.memory_space<vmem>> -> memref<128xi32, #tpu.memory_space<vmem>>
        %dma_wait3A_298 = arith.constant 0 : i32
        %dma_wait3A_299 = arith.constant 0 : i32
        %dma_wait3A_300 = tpu.memref_slice %arg2[%dma_wait3A_298, %dma_wait3A_299] : memref<10240x128xf32, #tpu.memory_space<hbm>> -> memref<10240x128xf32, #tpu.memory_space<hbm>>
        tpu.wait_indirect_dma semaphore(%arg10 : memref<!tpu.dma_semaphore, #tpu.memory_space<semaphore_mem>>) src(%dma_wait3A_300 : memref<10240x128xf32, #tpu.memory_space<hbm>>) dst(%arg7 : memref<128x128xf32, #tpu.memory_space<vmem>>)
        %dma_start3A_301 = arith.constant 8 : i32
        %dma_start3A_302 = arith.constant 1 : i32
        %dma_start3A_303 = arith.constant 0 : i32
        %dma_start3A_304 = tpu.memref_slice %arg6[%dma_start3A_301, %dma_start3A_302, %dma_start3A_303] : memref<16x2x128xi32, #tpu.memory_space<vmem>> -> memref<1x1x128xi32, #tpu.memory_space<vmem>>
        %dma_start3A_305 = tpu.memref_squeeze %dma_start3A_304 : memref<1x1x128xi32, #tpu.memory_space<vmem>> -> memref<128xi32, #tpu.memory_space<vmem>>
        %dma_start3A_306 = arith.constant 0 : i32
        %dma_start3A_307 = arith.constant 0 : i32
        %dma_start3A_308 = tpu.memref_slice %arg9[%dma_start3A_306, %dma_start3A_307] : memref<10240x128xf32, #tpu.memory_space<vmem_shared>> -> memref<10240x128xf32, #tpu.memory_space<vmem_shared>>
        tpu.enqueue_indirect_dma source(%arg7 : memref<128x128xf32, #tpu.memory_space<vmem>>) target(%dma_start3A_308 : memref<10240x128xf32, #tpu.memory_space<vmem_shared>>) offsets(%dma_start3A_305 : memref<128xi32, #tpu.memory_space<vmem>>) semaphore(%arg12 : memref<!tpu.dma_semaphore, #tpu.memory_space<semaphore_mem>>) {add = true}
        %dma_wait3A_309 = arith.constant 8 : i32
        %dma_wait3A_310 = arith.constant 1 : i32
        %dma_wait3A_311 = arith.constant 0 : i32
        %dma_wait3A_312 = tpu.memref_slice %arg6[%dma_wait3A_309, %dma_wait3A_310, %dma_wait3A_311] : memref<16x2x128xi32, #tpu.memory_space<vmem>> -> memref<1x1x128xi32, #tpu.memory_space<vmem>>
        %dma_wait3A_313 = tpu.memref_squeeze %dma_wait3A_312 : memref<1x1x128xi32, #tpu.memory_space<vmem>> -> memref<128xi32, #tpu.memory_space<vmem>>
        %dma_wait3A_314 = arith.constant 0 : i32
        %dma_wait3A_315 = arith.constant 0 : i32
        %dma_wait3A_316 = tpu.memref_slice %arg9[%dma_wait3A_314, %dma_wait3A_315] : memref<10240x128xf32, #tpu.memory_space<vmem_shared>> -> memref<10240x128xf32, #tpu.memory_space<vmem_shared>>
        tpu.wait_indirect_dma semaphore(%arg12 : memref<!tpu.dma_semaphore, #tpu.memory_space<semaphore_mem>>) src(%arg7 : memref<128x128xf32, #tpu.memory_space<vmem>>) dst(%dma_wait3A_316 : memref<10240x128xf32, #tpu.memory_space<vmem_shared>>)
        %dma_start3A_317 = arith.constant 10 : i32
        %dma_start3A_318 = arith.constant 0 : i32
        %dma_start3A_319 = arith.constant 0 : i32
        %dma_start3A_320 = tpu.memref_slice %arg6[%dma_start3A_317, %dma_start3A_318, %dma_start3A_319] : memref<16x2x128xi32, #tpu.memory_space<vmem>> -> memref<1x1x128xi32, #tpu.memory_space<vmem>>
        %dma_start3A_321 = tpu.memref_squeeze %dma_start3A_320 : memref<1x1x128xi32, #tpu.memory_space<vmem>> -> memref<128xi32, #tpu.memory_space<vmem>>
        %dma_start3A_322 = arith.constant 0 : i32
        %dma_start3A_323 = arith.constant 0 : i32
        %dma_start3A_324 = tpu.memref_slice %arg2[%dma_start3A_322, %dma_start3A_323] : memref<10240x128xf32, #tpu.memory_space<hbm>> -> memref<10240x128xf32, #tpu.memory_space<hbm>>
        tpu.enqueue_indirect_dma source(%dma_start3A_324 : memref<10240x128xf32, #tpu.memory_space<hbm>>) target(%arg7 : memref<128x128xf32, #tpu.memory_space<vmem>>) offsets(%dma_start3A_321 : memref<128xi32, #tpu.memory_space<vmem>>) semaphore(%arg10 : memref<!tpu.dma_semaphore, #tpu.memory_space<semaphore_mem>>)
        %dma_wait3A_325 = arith.constant 9 : i32
        %dma_wait3A_326 = arith.constant 0 : i32
        %dma_wait3A_327 = arith.constant 0 : i32
        %dma_wait3A_328 = tpu.memref_slice %arg6[%dma_wait3A_325, %dma_wait3A_326, %dma_wait3A_327] : memref<16x2x128xi32, #tpu.memory_space<vmem>> -> memref<1x1x128xi32, #tpu.memory_space<vmem>>
        %dma_wait3A_329 = tpu.memref_squeeze %dma_wait3A_328 : memref<1x1x128xi32, #tpu.memory_space<vmem>> -> memref<128xi32, #tpu.memory_space<vmem>>
        %dma_wait3A_330 = arith.constant 0 : i32
        %dma_wait3A_331 = arith.constant 0 : i32
        %dma_wait3A_332 = tpu.memref_slice %arg2[%dma_wait3A_330, %dma_wait3A_331] : memref<10240x128xf32, #tpu.memory_space<hbm>> -> memref<10240x128xf32, #tpu.memory_space<hbm>>
        tpu.wait_indirect_dma semaphore(%arg11 : memref<!tpu.dma_semaphore, #tpu.memory_space<semaphore_mem>>) src(%dma_wait3A_332 : memref<10240x128xf32, #tpu.memory_space<hbm>>) dst(%arg8 : memref<128x128xf32, #tpu.memory_space<vmem>>)
        %dma_start3A_333 = arith.constant 9 : i32
        %dma_start3A_334 = arith.constant 1 : i32
        %dma_start3A_335 = arith.constant 0 : i32
        %dma_start3A_336 = tpu.memref_slice %arg6[%dma_start3A_333, %dma_start3A_334, %dma_start3A_335] : memref<16x2x128xi32, #tpu.memory_space<vmem>> -> memref<1x1x128xi32, #tpu.memory_space<vmem>>
        %dma_start3A_337 = tpu.memref_squeeze %dma_start3A_336 : memref<1x1x128xi32, #tpu.memory_space<vmem>> -> memref<128xi32, #tpu.memory_space<vmem>>
        %dma_start3A_338 = arith.constant 0 : i32
        %dma_start3A_339 = arith.constant 0 : i32
        %dma_start3A_340 = tpu.memref_slice %arg9[%dma_start3A_338, %dma_start3A_339] : memref<10240x128xf32, #tpu.memory_space<vmem_shared>> -> memref<10240x128xf32, #tpu.memory_space<vmem_shared>>
        tpu.enqueue_indirect_dma source(%arg8 : memref<128x128xf32, #tpu.memory_space<vmem>>) target(%dma_start3A_340 : memref<10240x128xf32, #tpu.memory_space<vmem_shared>>) offsets(%dma_start3A_337 : memref<128xi32, #tpu.memory_space<vmem>>) semaphore(%arg13 : memref<!tpu.dma_semaphore, #tpu.memory_space<semaphore_mem>>) {add = true}
        %dma_wait3A_341 = arith.constant 9 : i32
        %dma_wait3A_342 = arith.constant 1 : i32
        %dma_wait3A_343 = arith.constant 0 : i32
        %dma_wait3A_344 = tpu.memref_slice %arg6[%dma_wait3A_341, %dma_wait3A_342, %dma_wait3A_343] : memref<16x2x128xi32, #tpu.memory_space<vmem>> -> memref<1x1x128xi32, #tpu.memory_space<vmem>>
        %dma_wait3A_345 = tpu.memref_squeeze %dma_wait3A_344 : memref<1x1x128xi32, #tpu.memory_space<vmem>> -> memref<128xi32, #tpu.memory_space<vmem>>
        %dma_wait3A_346 = arith.constant 0 : i32
        %dma_wait3A_347 = arith.constant 0 : i32
        %dma_wait3A_348 = tpu.memref_slice %arg9[%dma_wait3A_346, %dma_wait3A_347] : memref<10240x128xf32, #tpu.memory_space<vmem_shared>> -> memref<10240x128xf32, #tpu.memory_space<vmem_shared>>
        tpu.wait_indirect_dma semaphore(%arg13 : memref<!tpu.dma_semaphore, #tpu.memory_space<semaphore_mem>>) src(%arg8 : memref<128x128xf32, #tpu.memory_space<vmem>>) dst(%dma_wait3A_348 : memref<10240x128xf32, #tpu.memory_space<vmem_shared>>)
        %dma_start3A_349 = arith.constant 11 : i32
        %dma_start3A_350 = arith.constant 0 : i32
        %dma_start3A_351 = arith.constant 0 : i32
        %dma_start3A_352 = tpu.memref_slice %arg6[%dma_start3A_349, %dma_start3A_350, %dma_start3A_351] : memref<16x2x128xi32, #tpu.memory_space<vmem>> -> memref<1x1x128xi32, #tpu.memory_space<vmem>>
        %dma_start3A_353 = tpu.memref_squeeze %dma_start3A_352 : memref<1x1x128xi32, #tpu.memory_space<vmem>> -> memref<128xi32, #tpu.memory_space<vmem>>
        %dma_start3A_354 = arith.constant 0 : i32
        %dma_start3A_355 = arith.constant 0 : i32
        %dma_start3A_356 = tpu.memref_slice %arg2[%dma_start3A_354, %dma_start3A_355] : memref<10240x128xf32, #tpu.memory_space<hbm>> -> memref<10240x128xf32, #tpu.memory_space<hbm>>
        tpu.enqueue_indirect_dma source(%dma_start3A_356 : memref<10240x128xf32, #tpu.memory_space<hbm>>) target(%arg8 : memref<128x128xf32, #tpu.memory_space<vmem>>) offsets(%dma_start3A_353 : memref<128xi32, #tpu.memory_space<vmem>>) semaphore(%arg11 : memref<!tpu.dma_semaphore, #tpu.memory_space<semaphore_mem>>)
        %dma_wait3A_357 = arith.constant 10 : i32
        %dma_wait3A_358 = arith.constant 0 : i32
        %dma_wait3A_359 = arith.constant 0 : i32
        %dma_wait3A_360 = tpu.memref_slice %arg6[%dma_wait3A_357, %dma_wait3A_358, %dma_wait3A_359] : memref<16x2x128xi32, #tpu.memory_space<vmem>> -> memref<1x1x128xi32, #tpu.memory_space<vmem>>
        %dma_wait3A_361 = tpu.memref_squeeze %dma_wait3A_360 : memref<1x1x128xi32, #tpu.memory_space<vmem>> -> memref<128xi32, #tpu.memory_space<vmem>>
        %dma_wait3A_362 = arith.constant 0 : i32
        %dma_wait3A_363 = arith.constant 0 : i32
        %dma_wait3A_364 = tpu.memref_slice %arg2[%dma_wait3A_362, %dma_wait3A_363] : memref<10240x128xf32, #tpu.memory_space<hbm>> -> memref<10240x128xf32, #tpu.memory_space<hbm>>
        tpu.wait_indirect_dma semaphore(%arg10 : memref<!tpu.dma_semaphore, #tpu.memory_space<semaphore_mem>>) src(%dma_wait3A_364 : memref<10240x128xf32, #tpu.memory_space<hbm>>) dst(%arg7 : memref<128x128xf32, #tpu.memory_space<vmem>>)
        %dma_start3A_365 = arith.constant 10 : i32
        %dma_start3A_366 = arith.constant 1 : i32
        %dma_start3A_367 = arith.constant 0 : i32
        %dma_start3A_368 = tpu.memref_slice %arg6[%dma_start3A_365, %dma_start3A_366, %dma_start3A_367] : memref<16x2x128xi32, #tpu.memory_space<vmem>> -> memref<1x1x128xi32, #tpu.memory_space<vmem>>
        %dma_start3A_369 = tpu.memref_squeeze %dma_start3A_368 : memref<1x1x128xi32, #tpu.memory_space<vmem>> -> memref<128xi32, #tpu.memory_space<vmem>>
        %dma_start3A_370 = arith.constant 0 : i32
        %dma_start3A_371 = arith.constant 0 : i32
        %dma_start3A_372 = tpu.memref_slice %arg9[%dma_start3A_370, %dma_start3A_371] : memref<10240x128xf32, #tpu.memory_space<vmem_shared>> -> memref<10240x128xf32, #tpu.memory_space<vmem_shared>>
        tpu.enqueue_indirect_dma source(%arg7 : memref<128x128xf32, #tpu.memory_space<vmem>>) target(%dma_start3A_372 : memref<10240x128xf32, #tpu.memory_space<vmem_shared>>) offsets(%dma_start3A_369 : memref<128xi32, #tpu.memory_space<vmem>>) semaphore(%arg12 : memref<!tpu.dma_semaphore, #tpu.memory_space<semaphore_mem>>) {add = true}
        %dma_wait3A_373 = arith.constant 10 : i32
        %dma_wait3A_374 = arith.constant 1 : i32
        %dma_wait3A_375 = arith.constant 0 : i32
        %dma_wait3A_376 = tpu.memref_slice %arg6[%dma_wait3A_373, %dma_wait3A_374, %dma_wait3A_375] : memref<16x2x128xi32, #tpu.memory_space<vmem>> -> memref<1x1x128xi32, #tpu.memory_space<vmem>>
        %dma_wait3A_377 = tpu.memref_squeeze %dma_wait3A_376 : memref<1x1x128xi32, #tpu.memory_space<vmem>> -> memref<128xi32, #tpu.memory_space<vmem>>
        %dma_wait3A_378 = arith.constant 0 : i32
        %dma_wait3A_379 = arith.constant 0 : i32
        %dma_wait3A_380 = tpu.memref_slice %arg9[%dma_wait3A_378, %dma_wait3A_379] : memref<10240x128xf32, #tpu.memory_space<vmem_shared>> -> memref<10240x128xf32, #tpu.memory_space<vmem_shared>>
        tpu.wait_indirect_dma semaphore(%arg12 : memref<!tpu.dma_semaphore, #tpu.memory_space<semaphore_mem>>) src(%arg7 : memref<128x128xf32, #tpu.memory_space<vmem>>) dst(%dma_wait3A_380 : memref<10240x128xf32, #tpu.memory_space<vmem_shared>>)
        %dma_start3A_381 = arith.constant 12 : i32
        %dma_start3A_382 = arith.constant 0 : i32
        %dma_start3A_383 = arith.constant 0 : i32
        %dma_start3A_384 = tpu.memref_slice %arg6[%dma_start3A_381, %dma_start3A_382, %dma_start3A_383] : memref<16x2x128xi32, #tpu.memory_space<vmem>> -> memref<1x1x128xi32, #tpu.memory_space<vmem>>
        %dma_start3A_385 = tpu.memref_squeeze %dma_start3A_384 : memref<1x1x128xi32, #tpu.memory_space<vmem>> -> memref<128xi32, #tpu.memory_space<vmem>>
        %dma_start3A_386 = arith.constant 0 : i32
        %dma_start3A_387 = arith.constant 0 : i32
        %dma_start3A_388 = tpu.memref_slice %arg2[%dma_start3A_386, %dma_start3A_387] : memref<10240x128xf32, #tpu.memory_space<hbm>> -> memref<10240x128xf32, #tpu.memory_space<hbm>>
        tpu.enqueue_indirect_dma source(%dma_start3A_388 : memref<10240x128xf32, #tpu.memory_space<hbm>>) target(%arg7 : memref<128x128xf32, #tpu.memory_space<vmem>>) offsets(%dma_start3A_385 : memref<128xi32, #tpu.memory_space<vmem>>) semaphore(%arg10 : memref<!tpu.dma_semaphore, #tpu.memory_space<semaphore_mem>>)
        %dma_wait3A_389 = arith.constant 11 : i32
        %dma_wait3A_390 = arith.constant 0 : i32
        %dma_wait3A_391 = arith.constant 0 : i32
        %dma_wait3A_392 = tpu.memref_slice %arg6[%dma_wait3A_389, %dma_wait3A_390, %dma_wait3A_391] : memref<16x2x128xi32, #tpu.memory_space<vmem>> -> memref<1x1x128xi32, #tpu.memory_space<vmem>>
        %dma_wait3A_393 = tpu.memref_squeeze %dma_wait3A_392 : memref<1x1x128xi32, #tpu.memory_space<vmem>> -> memref<128xi32, #tpu.memory_space<vmem>>
        %dma_wait3A_394 = arith.constant 0 : i32
        %dma_wait3A_395 = arith.constant 0 : i32
        %dma_wait3A_396 = tpu.memref_slice %arg2[%dma_wait3A_394, %dma_wait3A_395] : memref<10240x128xf32, #tpu.memory_space<hbm>> -> memref<10240x128xf32, #tpu.memory_space<hbm>>
        tpu.wait_indirect_dma semaphore(%arg11 : memref<!tpu.dma_semaphore, #tpu.memory_space<semaphore_mem>>) src(%dma_wait3A_396 : memref<10240x128xf32, #tpu.memory_space<hbm>>) dst(%arg8 : memref<128x128xf32, #tpu.memory_space<vmem>>)
        %dma_start3A_397 = arith.constant 11 : i32
        %dma_start3A_398 = arith.constant 1 : i32
        %dma_start3A_399 = arith.constant 0 : i32
        %dma_start3A_400 = tpu.memref_slice %arg6[%dma_start3A_397, %dma_start3A_398, %dma_start3A_399] : memref<16x2x128xi32, #tpu.memory_space<vmem>> -> memref<1x1x128xi32, #tpu.memory_space<vmem>>
        %dma_start3A_401 = tpu.memref_squeeze %dma_start3A_400 : memref<1x1x128xi32, #tpu.memory_space<vmem>> -> memref<128xi32, #tpu.memory_space<vmem>>
        %dma_start3A_402 = arith.constant 0 : i32
        %dma_start3A_403 = arith.constant 0 : i32
        %dma_start3A_404 = tpu.memref_slice %arg9[%dma_start3A_402, %dma_start3A_403] : memref<10240x128xf32, #tpu.memory_space<vmem_shared>> -> memref<10240x128xf32, #tpu.memory_space<vmem_shared>>
        tpu.enqueue_indirect_dma source(%arg8 : memref<128x128xf32, #tpu.memory_space<vmem>>) target(%dma_start3A_404 : memref<10240x128xf32, #tpu.memory_space<vmem_shared>>) offsets(%dma_start3A_401 : memref<128xi32, #tpu.memory_space<vmem>>) semaphore(%arg13 : memref<!tpu.dma_semaphore, #tpu.memory_space<semaphore_mem>>) {add = true}
        %dma_wait3A_405 = arith.constant 11 : i32
        %dma_wait3A_406 = arith.constant 1 : i32
        %dma_wait3A_407 = arith.constant 0 : i32
        %dma_wait3A_408 = tpu.memref_slice %arg6[%dma_wait3A_405, %dma_wait3A_406, %dma_wait3A_407] : memref<16x2x128xi32, #tpu.memory_space<vmem>> -> memref<1x1x128xi32, #tpu.memory_space<vmem>>
        %dma_wait3A_409 = tpu.memref_squeeze %dma_wait3A_408 : memref<1x1x128xi32, #tpu.memory_space<vmem>> -> memref<128xi32, #tpu.memory_space<vmem>>
        %dma_wait3A_410 = arith.constant 0 : i32
        %dma_wait3A_411 = arith.constant 0 : i32
        %dma_wait3A_412 = tpu.memref_slice %arg9[%dma_wait3A_410, %dma_wait3A_411] : memref<10240x128xf32, #tpu.memory_space<vmem_shared>> -> memref<10240x128xf32, #tpu.memory_space<vmem_shared>>
        tpu.wait_indirect_dma semaphore(%arg13 : memref<!tpu.dma_semaphore, #tpu.memory_space<semaphore_mem>>) src(%arg8 : memref<128x128xf32, #tpu.memory_space<vmem>>) dst(%dma_wait3A_412 : memref<10240x128xf32, #tpu.memory_space<vmem_shared>>)
        %dma_start3A_413 = arith.constant 13 : i32
        %dma_start3A_414 = arith.constant 0 : i32
        %dma_start3A_415 = arith.constant 0 : i32
        %dma_start3A_416 = tpu.memref_slice %arg6[%dma_start3A_413, %dma_start3A_414, %dma_start3A_415] : memref<16x2x128xi32, #tpu.memory_space<vmem>> -> memref<1x1x128xi32, #tpu.memory_space<vmem>>
        %dma_start3A_417 = tpu.memref_squeeze %dma_start3A_416 : memref<1x1x128xi32, #tpu.memory_space<vmem>> -> memref<128xi32, #tpu.memory_space<vmem>>
        %dma_start3A_418 = arith.constant 0 : i32
        %dma_start3A_419 = arith.constant 0 : i32
        %dma_start3A_420 = tpu.memref_slice %arg2[%dma_start3A_418, %dma_start3A_419] : memref<10240x128xf32, #tpu.memory_space<hbm>> -> memref<10240x128xf32, #tpu.memory_space<hbm>>
        tpu.enqueue_indirect_dma source(%dma_start3A_420 : memref<10240x128xf32, #tpu.memory_space<hbm>>) target(%arg8 : memref<128x128xf32, #tpu.memory_space<vmem>>) offsets(%dma_start3A_417 : memref<128xi32, #tpu.memory_space<vmem>>) semaphore(%arg11 : memref<!tpu.dma_semaphore, #tpu.memory_space<semaphore_mem>>)
        %dma_wait3A_421 = arith.constant 12 : i32
        %dma_wait3A_422 = arith.constant 0 : i32
        %dma_wait3A_423 = arith.constant 0 : i32
        %dma_wait3A_424 = tpu.memref_slice %arg6[%dma_wait3A_421, %dma_wait3A_422, %dma_wait3A_423] : memref<16x2x128xi32, #tpu.memory_space<vmem>> -> memref<1x1x128xi32, #tpu.memory_space<vmem>>
        %dma_wait3A_425 = tpu.memref_squeeze %dma_wait3A_424 : memref<1x1x128xi32, #tpu.memory_space<vmem>> -> memref<128xi32, #tpu.memory_space<vmem>>
        %dma_wait3A_426 = arith.constant 0 : i32
        %dma_wait3A_427 = arith.constant 0 : i32
        %dma_wait3A_428 = tpu.memref_slice %arg2[%dma_wait3A_426, %dma_wait3A_427] : memref<10240x128xf32, #tpu.memory_space<hbm>> -> memref<10240x128xf32, #tpu.memory_space<hbm>>
        tpu.wait_indirect_dma semaphore(%arg10 : memref<!tpu.dma_semaphore, #tpu.memory_space<semaphore_mem>>) src(%dma_wait3A_428 : memref<10240x128xf32, #tpu.memory_space<hbm>>) dst(%arg7 : memref<128x128xf32, #tpu.memory_space<vmem>>)
        %dma_start3A_429 = arith.constant 12 : i32
        %dma_start3A_430 = arith.constant 1 : i32
        %dma_start3A_431 = arith.constant 0 : i32
        %dma_start3A_432 = tpu.memref_slice %arg6[%dma_start3A_429, %dma_start3A_430, %dma_start3A_431] : memref<16x2x128xi32, #tpu.memory_space<vmem>> -> memref<1x1x128xi32, #tpu.memory_space<vmem>>
        %dma_start3A_433 = tpu.memref_squeeze %dma_start3A_432 : memref<1x1x128xi32, #tpu.memory_space<vmem>> -> memref<128xi32, #tpu.memory_space<vmem>>
        %dma_start3A_434 = arith.constant 0 : i32
        %dma_start3A_435 = arith.constant 0 : i32
        %dma_start3A_436 = tpu.memref_slice %arg9[%dma_start3A_434, %dma_start3A_435] : memref<10240x128xf32, #tpu.memory_space<vmem_shared>> -> memref<10240x128xf32, #tpu.memory_space<vmem_shared>>
        tpu.enqueue_indirect_dma source(%arg7 : memref<128x128xf32, #tpu.memory_space<vmem>>) target(%dma_start3A_436 : memref<10240x128xf32, #tpu.memory_space<vmem_shared>>) offsets(%dma_start3A_433 : memref<128xi32, #tpu.memory_space<vmem>>) semaphore(%arg12 : memref<!tpu.dma_semaphore, #tpu.memory_space<semaphore_mem>>) {add = true}
        %dma_wait3A_437 = arith.constant 12 : i32
        %dma_wait3A_438 = arith.constant 1 : i32
        %dma_wait3A_439 = arith.constant 0 : i32
        %dma_wait3A_440 = tpu.memref_slice %arg6[%dma_wait3A_437, %dma_wait3A_438, %dma_wait3A_439] : memref<16x2x128xi32, #tpu.memory_space<vmem>> -> memref<1x1x128xi32, #tpu.memory_space<vmem>>
        %dma_wait3A_441 = tpu.memref_squeeze %dma_wait3A_440 : memref<1x1x128xi32, #tpu.memory_space<vmem>> -> memref<128xi32, #tpu.memory_space<vmem>>
        %dma_wait3A_442 = arith.constant 0 : i32
        %dma_wait3A_443 = arith.constant 0 : i32
        %dma_wait3A_444 = tpu.memref_slice %arg9[%dma_wait3A_442, %dma_wait3A_443] : memref<10240x128xf32, #tpu.memory_space<vmem_shared>> -> memref<10240x128xf32, #tpu.memory_space<vmem_shared>>
        tpu.wait_indirect_dma semaphore(%arg12 : memref<!tpu.dma_semaphore, #tpu.memory_space<semaphore_mem>>) src(%arg7 : memref<128x128xf32, #tpu.memory_space<vmem>>) dst(%dma_wait3A_444 : memref<10240x128xf32, #tpu.memory_space<vmem_shared>>)
        %dma_start3A_445 = arith.constant 14 : i32
        %dma_start3A_446 = arith.constant 0 : i32
        %dma_start3A_447 = arith.constant 0 : i32
        %dma_start3A_448 = tpu.memref_slice %arg6[%dma_start3A_445, %dma_start3A_446, %dma_start3A_447] : memref<16x2x128xi32, #tpu.memory_space<vmem>> -> memref<1x1x128xi32, #tpu.memory_space<vmem>>
        %dma_start3A_449 = tpu.memref_squeeze %dma_start3A_448 : memref<1x1x128xi32, #tpu.memory_space<vmem>> -> memref<128xi32, #tpu.memory_space<vmem>>
        %dma_start3A_450 = arith.constant 0 : i32
        %dma_start3A_451 = arith.constant 0 : i32
        %dma_start3A_452 = tpu.memref_slice %arg2[%dma_start3A_450, %dma_start3A_451] : memref<10240x128xf32, #tpu.memory_space<hbm>> -> memref<10240x128xf32, #tpu.memory_space<hbm>>
        tpu.enqueue_indirect_dma source(%dma_start3A_452 : memref<10240x128xf32, #tpu.memory_space<hbm>>) target(%arg7 : memref<128x128xf32, #tpu.memory_space<vmem>>) offsets(%dma_start3A_449 : memref<128xi32, #tpu.memory_space<vmem>>) semaphore(%arg10 : memref<!tpu.dma_semaphore, #tpu.memory_space<semaphore_mem>>)
        %dma_wait3A_453 = arith.constant 13 : i32
        %dma_wait3A_454 = arith.constant 0 : i32
        %dma_wait3A_455 = arith.constant 0 : i32
        %dma_wait3A_456 = tpu.memref_slice %arg6[%dma_wait3A_453, %dma_wait3A_454, %dma_wait3A_455] : memref<16x2x128xi32, #tpu.memory_space<vmem>> -> memref<1x1x128xi32, #tpu.memory_space<vmem>>
        %dma_wait3A_457 = tpu.memref_squeeze %dma_wait3A_456 : memref<1x1x128xi32, #tpu.memory_space<vmem>> -> memref<128xi32, #tpu.memory_space<vmem>>
        %dma_wait3A_458 = arith.constant 0 : i32
        %dma_wait3A_459 = arith.constant 0 : i32
        %dma_wait3A_460 = tpu.memref_slice %arg2[%dma_wait3A_458, %dma_wait3A_459] : memref<10240x128xf32, #tpu.memory_space<hbm>> -> memref<10240x128xf32, #tpu.memory_space<hbm>>
        tpu.wait_indirect_dma semaphore(%arg11 : memref<!tpu.dma_semaphore, #tpu.memory_space<semaphore_mem>>) src(%dma_wait3A_460 : memref<10240x128xf32, #tpu.memory_space<hbm>>) dst(%arg8 : memref<128x128xf32, #tpu.memory_space<vmem>>)
        %dma_start3A_461 = arith.constant 13 : i32
        %dma_start3A_462 = arith.constant 1 : i32
        %dma_start3A_463 = arith.constant 0 : i32
        %dma_start3A_464 = tpu.memref_slice %arg6[%dma_start3A_461, %dma_start3A_462, %dma_start3A_463] : memref<16x2x128xi32, #tpu.memory_space<vmem>> -> memref<1x1x128xi32, #tpu.memory_space<vmem>>
        %dma_start3A_465 = tpu.memref_squeeze %dma_start3A_464 : memref<1x1x128xi32, #tpu.memory_space<vmem>> -> memref<128xi32, #tpu.memory_space<vmem>>
        %dma_start3A_466 = arith.constant 0 : i32
        %dma_start3A_467 = arith.constant 0 : i32
        %dma_start3A_468 = tpu.memref_slice %arg9[%dma_start3A_466, %dma_start3A_467] : memref<10240x128xf32, #tpu.memory_space<vmem_shared>> -> memref<10240x128xf32, #tpu.memory_space<vmem_shared>>
        tpu.enqueue_indirect_dma source(%arg8 : memref<128x128xf32, #tpu.memory_space<vmem>>) target(%dma_start3A_468 : memref<10240x128xf32, #tpu.memory_space<vmem_shared>>) offsets(%dma_start3A_465 : memref<128xi32, #tpu.memory_space<vmem>>) semaphore(%arg13 : memref<!tpu.dma_semaphore, #tpu.memory_space<semaphore_mem>>) {add = true}
        %dma_wait3A_469 = arith.constant 13 : i32
        %dma_wait3A_470 = arith.constant 1 : i32
        %dma_wait3A_471 = arith.constant 0 : i32
        %dma_wait3A_472 = tpu.memref_slice %arg6[%dma_wait3A_469, %dma_wait3A_470, %dma_wait3A_471] : memref<16x2x128xi32, #tpu.memory_space<vmem>> -> memref<1x1x128xi32, #tpu.memory_space<vmem>>
        %dma_wait3A_473 = tpu.memref_squeeze %dma_wait3A_472 : memref<1x1x128xi32, #tpu.memory_space<vmem>> -> memref<128xi32, #tpu.memory_space<vmem>>
        %dma_wait3A_474 = arith.constant 0 : i32
        %dma_wait3A_475 = arith.constant 0 : i32
        %dma_wait3A_476 = tpu.memref_slice %arg9[%dma_wait3A_474, %dma_wait3A_475] : memref<10240x128xf32, #tpu.memory_space<vmem_shared>> -> memref<10240x128xf32, #tpu.memory_space<vmem_shared>>
        tpu.wait_indirect_dma semaphore(%arg13 : memref<!tpu.dma_semaphore, #tpu.memory_space<semaphore_mem>>) src(%arg8 : memref<128x128xf32, #tpu.memory_space<vmem>>) dst(%dma_wait3A_476 : memref<10240x128xf32, #tpu.memory_space<vmem_shared>>)
        %dma_start3A_477 = arith.constant 15 : i32
        %dma_start3A_478 = arith.constant 0 : i32
        %dma_start3A_479 = arith.constant 0 : i32
        %dma_start3A_480 = tpu.memref_slice %arg6[%dma_start3A_477, %dma_start3A_478, %dma_start3A_479] : memref<16x2x128xi32, #tpu.memory_space<vmem>> -> memref<1x1x128xi32, #tpu.memory_space<vmem>>
        %dma_start3A_481 = tpu.memref_squeeze %dma_start3A_480 : memref<1x1x128xi32, #tpu.memory_space<vmem>> -> memref<128xi32, #tpu.memory_space<vmem>>
        %dma_start3A_482 = arith.constant 0 : i32
        %dma_start3A_483 = arith.constant 0 : i32
        %dma_start3A_484 = tpu.memref_slice %arg2[%dma_start3A_482, %dma_start3A_483] : memref<10240x128xf32, #tpu.memory_space<hbm>> -> memref<10240x128xf32, #tpu.memory_space<hbm>>
        tpu.enqueue_indirect_dma source(%dma_start3A_484 : memref<10240x128xf32, #tpu.memory_space<hbm>>) target(%arg8 : memref<128x128xf32, #tpu.memory_space<vmem>>) offsets(%dma_start3A_481 : memref<128xi32, #tpu.memory_space<vmem>>) semaphore(%arg11 : memref<!tpu.dma_semaphore, #tpu.memory_space<semaphore_mem>>)
        %dma_wait3A_485 = arith.constant 14 : i32
        %dma_wait3A_486 = arith.constant 0 : i32
        %dma_wait3A_487 = arith.constant 0 : i32
        %dma_wait3A_488 = tpu.memref_slice %arg6[%dma_wait3A_485, %dma_wait3A_486, %dma_wait3A_487] : memref<16x2x128xi32, #tpu.memory_space<vmem>> -> memref<1x1x128xi32, #tpu.memory_space<vmem>>
        %dma_wait3A_489 = tpu.memref_squeeze %dma_wait3A_488 : memref<1x1x128xi32, #tpu.memory_space<vmem>> -> memref<128xi32, #tpu.memory_space<vmem>>
        %dma_wait3A_490 = arith.constant 0 : i32
        %dma_wait3A_491 = arith.constant 0 : i32
        %dma_wait3A_492 = tpu.memref_slice %arg2[%dma_wait3A_490, %dma_wait3A_491] : memref<10240x128xf32, #tpu.memory_space<hbm>> -> memref<10240x128xf32, #tpu.memory_space<hbm>>
        tpu.wait_indirect_dma semaphore(%arg10 : memref<!tpu.dma_semaphore, #tpu.memory_space<semaphore_mem>>) src(%dma_wait3A_492 : memref<10240x128xf32, #tpu.memory_space<hbm>>) dst(%arg7 : memref<128x128xf32, #tpu.memory_space<vmem>>)
        %dma_start3A_493 = arith.constant 14 : i32
        %dma_start3A_494 = arith.constant 1 : i32
        %dma_start3A_495 = arith.constant 0 : i32
        %dma_start3A_496 = tpu.memref_slice %arg6[%dma_start3A_493, %dma_start3A_494, %dma_start3A_495] : memref<16x2x128xi32, #tpu.memory_space<vmem>> -> memref<1x1x128xi32, #tpu.memory_space<vmem>>
        %dma_start3A_497 = tpu.memref_squeeze %dma_start3A_496 : memref<1x1x128xi32, #tpu.memory_space<vmem>> -> memref<128xi32, #tpu.memory_space<vmem>>
        %dma_start3A_498 = arith.constant 0 : i32
        %dma_start3A_499 = arith.constant 0 : i32
        %dma_start3A_500 = tpu.memref_slice %arg9[%dma_start3A_498, %dma_start3A_499] : memref<10240x128xf32, #tpu.memory_space<vmem_shared>> -> memref<10240x128xf32, #tpu.memory_space<vmem_shared>>
        tpu.enqueue_indirect_dma source(%arg7 : memref<128x128xf32, #tpu.memory_space<vmem>>) target(%dma_start3A_500 : memref<10240x128xf32, #tpu.memory_space<vmem_shared>>) offsets(%dma_start3A_497 : memref<128xi32, #tpu.memory_space<vmem>>) semaphore(%arg12 : memref<!tpu.dma_semaphore, #tpu.memory_space<semaphore_mem>>) {add = true}
        %dma_wait3A_501 = arith.constant 15 : i32
        %dma_wait3A_502 = arith.constant 0 : i32
        %dma_wait3A_503 = arith.constant 0 : i32
        %dma_wait3A_504 = tpu.memref_slice %arg6[%dma_wait3A_501, %dma_wait3A_502, %dma_wait3A_503] : memref<16x2x128xi32, #tpu.memory_space<vmem>> -> memref<1x1x128xi32, #tpu.memory_space<vmem>>
        %dma_wait3A_505 = tpu.memref_squeeze %dma_wait3A_504 : memref<1x1x128xi32, #tpu.memory_space<vmem>> -> memref<128xi32, #tpu.memory_space<vmem>>
        %dma_wait3A_506 = arith.constant 0 : i32
        %dma_wait3A_507 = arith.constant 0 : i32
        %dma_wait3A_508 = tpu.memref_slice %arg2[%dma_wait3A_506, %dma_wait3A_507] : memref<10240x128xf32, #tpu.memory_space<hbm>> -> memref<10240x128xf32, #tpu.memory_space<hbm>>
        tpu.wait_indirect_dma semaphore(%arg11 : memref<!tpu.dma_semaphore, #tpu.memory_space<semaphore_mem>>) src(%dma_wait3A_508 : memref<10240x128xf32, #tpu.memory_space<hbm>>) dst(%arg8 : memref<128x128xf32, #tpu.memory_space<vmem>>)
        %dma_start3A_509 = arith.constant 15 : i32
        %dma_start3A_510 = arith.constant 1 : i32
        %dma_start3A_511 = arith.constant 0 : i32
        %dma_start3A_512 = tpu.memref_slice %arg6[%dma_start3A_509, %dma_start3A_510, %dma_start3A_511] : memref<16x2x128xi32, #tpu.memory_space<vmem>> -> memref<1x1x128xi32, #tpu.memory_space<vmem>>
        %dma_start3A_513 = tpu.memref_squeeze %dma_start3A_512 : memref<1x1x128xi32, #tpu.memory_space<vmem>> -> memref<128xi32, #tpu.memory_space<vmem>>
        %dma_start3A_514 = arith.constant 0 : i32
        %dma_start3A_515 = arith.constant 0 : i32
        %dma_start3A_516 = tpu.memref_slice %arg9[%dma_start3A_514, %dma_start3A_515] : memref<10240x128xf32, #tpu.memory_space<vmem_shared>> -> memref<10240x128xf32, #tpu.memory_space<vmem_shared>>
        tpu.enqueue_indirect_dma source(%arg8 : memref<128x128xf32, #tpu.memory_space<vmem>>) target(%dma_start3A_516 : memref<10240x128xf32, #tpu.memory_space<vmem_shared>>) offsets(%dma_start3A_513 : memref<128xi32, #tpu.memory_space<vmem>>) semaphore(%arg13 : memref<!tpu.dma_semaphore, #tpu.memory_space<semaphore_mem>>) {add = true}
        %dma_wait3A_517 = arith.constant 14 : i32
        %dma_wait3A_518 = arith.constant 1 : i32
        %dma_wait3A_519 = arith.constant 0 : i32
        %dma_wait3A_520 = tpu.memref_slice %arg6[%dma_wait3A_517, %dma_wait3A_518, %dma_wait3A_519] : memref<16x2x128xi32, #tpu.memory_space<vmem>> -> memref<1x1x128xi32, #tpu.memory_space<vmem>>
        %dma_wait3A_521 = tpu.memref_squeeze %dma_wait3A_520 : memref<1x1x128xi32, #tpu.memory_space<vmem>> -> memref<128xi32, #tpu.memory_space<vmem>>
        %dma_wait3A_522 = arith.constant 0 : i32
        %dma_wait3A_523 = arith.constant 0 : i32
        %dma_wait3A_524 = tpu.memref_slice %arg9[%dma_wait3A_522, %dma_wait3A_523] : memref<10240x128xf32, #tpu.memory_space<vmem_shared>> -> memref<10240x128xf32, #tpu.memory_space<vmem_shared>>
        tpu.wait_indirect_dma semaphore(%arg12 : memref<!tpu.dma_semaphore, #tpu.memory_space<semaphore_mem>>) src(%arg7 : memref<128x128xf32, #tpu.memory_space<vmem>>) dst(%dma_wait3A_524 : memref<10240x128xf32, #tpu.memory_space<vmem_shared>>)
        %dma_wait3A_525 = arith.constant 15 : i32
        %dma_wait3A_526 = arith.constant 1 : i32
        %dma_wait3A_527 = arith.constant 0 : i32
        %dma_wait3A_528 = tpu.memref_slice %arg6[%dma_wait3A_525, %dma_wait3A_526, %dma_wait3A_527] : memref<16x2x128xi32, #tpu.memory_space<vmem>> -> memref<1x1x128xi32, #tpu.memory_space<vmem>>
        %dma_wait3A_529 = tpu.memref_squeeze %dma_wait3A_528 : memref<1x1x128xi32, #tpu.memory_space<vmem>> -> memref<128xi32, #tpu.memory_space<vmem>>
        %dma_wait3A_530 = arith.constant 0 : i32
        %dma_wait3A_531 = arith.constant 0 : i32
        %dma_wait3A_532 = tpu.memref_slice %arg9[%dma_wait3A_530, %dma_wait3A_531] : memref<10240x128xf32, #tpu.memory_space<vmem_shared>> -> memref<10240x128xf32, #tpu.memory_space<vmem_shared>>
        tpu.wait_indirect_dma semaphore(%arg13 : memref<!tpu.dma_semaphore, #tpu.memory_space<semaphore_mem>>) src(%arg8 : memref<128x128xf32, #tpu.memory_space<vmem>>) dst(%dma_wait3A_532 : memref<10240x128xf32, #tpu.memory_space<vmem_shared>>)
      } else {
      }
    }
    %scan3A_14 = arith.constant 5 : i32
    %barrier3A_15 = arith.constant 0 : index
    tpu.barrier barrier_id(%barrier3A_15)
    "tpu.region"() ({
      %run_scoped3A = tpu.sem_alloc : memref<!tpu.dma_semaphore, #tpu.memory_space<semaphore_mem>>
      %dma_start3A = arith.constant 0 : i32
      %dma_start3A_16 = tpu.memref_slice %arg5[%arg0, %mul3A_10, %dma_start3A] : memref<2x10240x128xf32, #tpu.memory_space<hbm>> -> memref<1x640x128xf32, #tpu.memory_space<hbm>>
      %dma_start3A_17 = tpu.memref_squeeze %dma_start3A_16 : memref<1x640x128xf32, #tpu.memory_space<hbm>> -> memref<640x128xf32, #tpu.memory_space<hbm>>
      %dma_start3A_18 = arith.constant 0 : i32
      %dma_start3A_19 = tpu.memref_slice %arg9[%mul3A_10, %dma_start3A_18] : memref<10240x128xf32, #tpu.memory_space<vmem_shared>> -> memref<640x128xf32, #tpu.memory_space<vmem_shared>>
      tpu.enqueue_dma source(%dma_start3A_19 : memref<640x128xf32, #tpu.memory_space<vmem_shared>>) target(%dma_start3A_17 : memref<640x128xf32, #tpu.memory_space<hbm>>) target_semaphore(%run_scoped3A : memref<!tpu.dma_semaphore, #tpu.memory_space<semaphore_mem>>)
      %dma_wait3A = arith.constant 0 : i32
      %dma_wait3A_20 = tpu.memref_slice %arg5[%arg0, %mul3A_10, %dma_wait3A] : memref<2x10240x128xf32, #tpu.memory_space<hbm>> -> memref<1x640x128xf32, #tpu.memory_space<hbm>>
      %dma_wait3A_21 = tpu.memref_squeeze %dma_wait3A_20 : memref<1x640x128xf32, #tpu.memory_space<hbm>> -> memref<640x128xf32, #tpu.memory_space<hbm>>
      %dma_wait3A_22 = arith.constant 0 : i32
      %dma_wait3A_23 = tpu.memref_slice %arg9[%mul3A_10, %dma_wait3A_22] : memref<10240x128xf32, #tpu.memory_space<vmem_shared>> -> memref<640x128xf32, #tpu.memory_space<vmem_shared>>
      tpu.wait_dma2 semaphore(%run_scoped3A : memref<!tpu.dma_semaphore, #tpu.memory_space<semaphore_mem>>) src(%dma_wait3A_23 : memref<640x128xf32, #tpu.memory_space<vmem_shared>>) dst(%dma_wait3A_21 : memref<640x128xf32, #tpu.memory_space<hbm>>)
      tpu.yield
    }) : () -> ()
    return
  }
}

#map = affine_map<(d0, d1) -> (0, 0)>
#map1 = affine_map<(d0, d1) -> (0, 0, 0)>
module attributes {stable_mosaic.version = 14 : i64} {
  func.func @k(%arg0: i32, %arg1: i32, %arg2: memref<10240x128xf32, #tpu.memory_space<hbm>>, %arg3: memref<2560x2x128xi32, #tpu.memory_space<hbm>>, %arg4: memref<10240x128xf32, #tpu.memory_space<hbm>>, %arg5: memref<2x10240x128xf32, #tpu.memory_space<hbm>>, %arg6: memref<16x2x128xi32, #tpu.memory_space<vmem>>, %arg7: memref<128x128xf32, #tpu.memory_space<vmem>>, %arg8: memref<128x128xf32, #tpu.memory_space<vmem>>, %arg9: memref<10240x128xf32, #tpu.memory_space<vmem_shared>>, %arg10: memref<!tpu.dma_semaphore, #tpu.memory_space<semaphore_mem>>, %arg11: memref<!tpu.dma_semaphore, #tpu.memory_space<semaphore_mem>>, %arg12: memref<!tpu.dma_semaphore, #tpu.memory_space<semaphore_mem>>, %arg13: memref<!tpu.dma_semaphore, #tpu.memory_space<semaphore_mem>>) attributes {dimension_semantics = [#tpu.dimension_semantics<core_parallel>, #tpu.dimension_semantics<subcore_parallel>], iteration_bounds = array<i64: 2, 16>, scalar_prefetch = 0 : i64, scratch_operands = 8 : i64, tpu.core_type = #tpu.core_type<sc_vector_subcore>, window_params = [{transform_indices = #map}, {transform_indices = #map1}, {transform_indices = #map}, {transform_indices = #map1}]} {
    %eq3A = arith.constant 0 : i32
    %eq3A_0 = arith.cmpi eq, %arg0, %eq3A : i32
    %jit3A = arith.constant 80 : i32
    %jit3A_1 = arith.constant 80 : i32
    %select_n3A = arith.select %eq3A_0, %jit3A, %jit3A_1 : i32
    %eq3A_2 = arith.constant 0 : i32
    %eq3A_3 = arith.cmpi eq, %arg0, %eq3A_2 : i32
    %mul3A = arith.constant 80 : i32
    %mul3A_4 = arith.muli %arg1, %mul3A : i32
    %mul3A_5 = arith.constant 80 : i32
    %mul3A_6 = arith.muli %arg1, %mul3A_5 : i32
    %add3A = arith.constant 1280 : i32
    %add3A_7 = arith.addi %add3A, %mul3A_6 : i32
    %select_n3A_8 = arith.select %eq3A_3, %mul3A_4, %add3A_7 : i32
    %mul3A_9 = arith.constant 640 : i32
    %mul3A_10 = arith.muli %arg1, %mul3A_9 : i32
    "tpu.region"() ({
      %run_scoped3A = tpu.sem_alloc : memref<!tpu.dma_semaphore, #tpu.memory_space<semaphore_mem>>
      %dma_start3A = arith.constant 0 : i32
      %dma_start3A_16 = tpu.memref_slice %arg9[%mul3A_10, %dma_start3A] : memref<10240x128xf32, #tpu.memory_space<vmem_shared>> -> memref<640x128xf32, #tpu.memory_space<vmem_shared>>
      %dma_start3A_17 = arith.constant 0 : i32
      %dma_start3A_18 = tpu.memref_slice %arg4[%mul3A_10, %dma_start3A_17] : memref<10240x128xf32, #tpu.memory_space<hbm>> -> memref<640x128xf32, #tpu.memory_space<hbm>>
      tpu.enqueue_dma source(%dma_start3A_18 : memref<640x128xf32, #tpu.memory_space<hbm>>) target(%dma_start3A_16 : memref<640x128xf32, #tpu.memory_space<vmem_shared>>) target_semaphore(%run_scoped3A : memref<!tpu.dma_semaphore, #tpu.memory_space<semaphore_mem>>)
      %dma_wait3A = arith.constant 0 : i32
      %dma_wait3A_19 = tpu.memref_slice %arg9[%mul3A_10, %dma_wait3A] : memref<10240x128xf32, #tpu.memory_space<vmem_shared>> -> memref<640x128xf32, #tpu.memory_space<vmem_shared>>
      %dma_wait3A_20 = arith.constant 0 : i32
      %dma_wait3A_21 = tpu.memref_slice %arg4[%mul3A_10, %dma_wait3A_20] : memref<10240x128xf32, #tpu.memory_space<hbm>> -> memref<640x128xf32, #tpu.memory_space<hbm>>
      tpu.wait_dma2 semaphore(%run_scoped3A : memref<!tpu.dma_semaphore, #tpu.memory_space<semaphore_mem>>) src(%dma_wait3A_21 : memref<640x128xf32, #tpu.memory_space<hbm>>) dst(%dma_wait3A_19 : memref<640x128xf32, #tpu.memory_space<vmem_shared>>)
      tpu.yield
    }) : () -> ()
    %barrier3A = arith.constant 0 : index
    tpu.barrier barrier_id(%barrier3A)
    %scan3A = arith.constant 0 : i32
    %scan3A_11 = arith.constant 5 : i32
    %scan3A_12 = arith.addi %scan3A, %scan3A_11 : i32
    %scan3A_13 = arith.constant 1 : i32
    scf.for %scan3A_16 = %scan3A to %scan3A_12 step %scan3A_13  : i32 {
      %mul3A_17 = arith.constant 16 : i32
      %mul3A_18 = arith.muli %scan3A_16, %mul3A_17 : i32
      %add3A_19 = arith.constant 0 : i32
      %add3A_20 = arith.addi %add3A_19, %mul3A_18 : i32
      %lt3A = arith.cmpi slt, %add3A_20, %select_n3A : i32
      %convert_element_type3A = arith.extui %lt3A : i1 to i32
      %cond3A = arith.constant 0 : i32
      %cond3A_21 = arith.cmpi ne, %convert_element_type3A, %cond3A : i32
      scf.if %cond3A_21 {
        %add3A_22 = arith.addi %select_n3A_8, %add3A_20 : i32
        "tpu.region"() ({
          %run_scoped3A = tpu.sem_alloc : memref<!tpu.dma_semaphore, #tpu.memory_space<semaphore_mem>>
          %dma_start3A_533 = arith.constant 0 : i32
          %dma_start3A_534 = arith.constant 0 : i32
          %dma_start3A_535 = tpu.memref_slice %arg3[%add3A_22, %dma_start3A_533, %dma_start3A_534] : memref<2560x2x128xi32, #tpu.memory_space<hbm>> -> memref<16x2x128xi32, #tpu.memory_space<hbm>>
          %dma_start3A_536 = arith.constant 0 : i32
          %dma_start3A_537 = arith.constant 0 : i32
          %dma_start3A_538 = tpu.memref_slice %arg3[%add3A_22, %dma_start3A_536, %dma_start3A_537] : memref<2560x2x128xi32, #tpu.memory_space<hbm>> -> memref<16x2x128xi32, #tpu.memory_space<hbm>>
          tpu.enqueue_dma source(%dma_start3A_538 : memref<16x2x128xi32, #tpu.memory_space<hbm>>) target(%arg6 : memref<16x2x128xi32, #tpu.memory_space<vmem>>) target_semaphore(%run_scoped3A : memref<!tpu.dma_semaphore, #tpu.memory_space<semaphore_mem>>)
          %dma_wait3A_539 = arith.constant 0 : i32
          %dma_wait3A_540 = arith.constant 0 : i32
          %dma_wait3A_541 = tpu.memref_slice %arg3[%add3A_22, %dma_wait3A_539, %dma_wait3A_540] : memref<2560x2x128xi32, #tpu.memory_space<hbm>> -> memref<16x2x128xi32, #tpu.memory_space<hbm>>
          %dma_wait3A_542 = arith.constant 0 : i32
          %dma_wait3A_543 = arith.constant 0 : i32
          %dma_wait3A_544 = tpu.memref_slice %arg3[%add3A_22, %dma_wait3A_542, %dma_wait3A_543] : memref<2560x2x128xi32, #tpu.memory_space<hbm>> -> memref<16x2x128xi32, #tpu.memory_space<hbm>>
          tpu.wait_dma2 semaphore(%run_scoped3A : memref<!tpu.dma_semaphore, #tpu.memory_space<semaphore_mem>>) src(%dma_wait3A_544 : memref<16x2x128xi32, #tpu.memory_space<hbm>>) dst(%arg6 : memref<16x2x128xi32, #tpu.memory_space<vmem>>)
          tpu.yield
        }) : () -> ()
        %dma_start3A = arith.constant 0 : i32
        %dma_start3A_23 = arith.constant 0 : i32
        %dma_start3A_24 = arith.constant 0 : i32
        %dma_start3A_25 = tpu.memref_slice %arg6[%dma_start3A, %dma_start3A_23, %dma_start3A_24] : memref<16x2x128xi32, #tpu.memory_space<vmem>> -> memref<1x1x128xi32, #tpu.memory_space<vmem>>
        %dma_start3A_26 = tpu.memref_squeeze %dma_start3A_25 : memref<1x1x128xi32, #tpu.memory_space<vmem>> -> memref<128xi32, #tpu.memory_space<vmem>>
        %dma_start3A_27 = arith.constant 0 : i32
        %dma_start3A_28 = arith.constant 0 : i32
        %dma_start3A_29 = tpu.memref_slice %arg2[%dma_start3A_27, %dma_start3A_28] : memref<10240x128xf32, #tpu.memory_space<hbm>> -> memref<10240x128xf32, #tpu.memory_space<hbm>>
        tpu.enqueue_indirect_dma source(%dma_start3A_29 : memref<10240x128xf32, #tpu.memory_space<hbm>>) target(%arg7 : memref<128x128xf32, #tpu.memory_space<vmem>>) offsets(%dma_start3A_26 : memref<128xi32, #tpu.memory_space<vmem>>) semaphore(%arg10 : memref<!tpu.dma_semaphore, #tpu.memory_space<semaphore_mem>>)
        %dma_start3A_30 = arith.constant 1 : i32
        %dma_start3A_31 = arith.constant 0 : i32
        %dma_start3A_32 = arith.constant 0 : i32
        %dma_start3A_33 = tpu.memref_slice %arg6[%dma_start3A_30, %dma_start3A_31, %dma_start3A_32] : memref<16x2x128xi32, #tpu.memory_space<vmem>> -> memref<1x1x128xi32, #tpu.memory_space<vmem>>
        %dma_start3A_34 = tpu.memref_squeeze %dma_start3A_33 : memref<1x1x128xi32, #tpu.memory_space<vmem>> -> memref<128xi32, #tpu.memory_space<vmem>>
        %dma_start3A_35 = arith.constant 0 : i32
        %dma_start3A_36 = arith.constant 0 : i32
        %dma_start3A_37 = tpu.memref_slice %arg2[%dma_start3A_35, %dma_start3A_36] : memref<10240x128xf32, #tpu.memory_space<hbm>> -> memref<10240x128xf32, #tpu.memory_space<hbm>>
        tpu.enqueue_indirect_dma source(%dma_start3A_37 : memref<10240x128xf32, #tpu.memory_space<hbm>>) target(%arg8 : memref<128x128xf32, #tpu.memory_space<vmem>>) offsets(%dma_start3A_34 : memref<128xi32, #tpu.memory_space<vmem>>) semaphore(%arg11 : memref<!tpu.dma_semaphore, #tpu.memory_space<semaphore_mem>>)
        %dma_wait3A = arith.constant 0 : i32
        %dma_wait3A_38 = arith.constant 0 : i32
        %dma_wait3A_39 = arith.constant 0 : i32
        %dma_wait3A_40 = tpu.memref_slice %arg6[%dma_wait3A, %dma_wait3A_38, %dma_wait3A_39] : memref<16x2x128xi32, #tpu.memory_space<vmem>> -> memref<1x1x128xi32, #tpu.memory_space<vmem>>
        %dma_wait3A_41 = tpu.memref_squeeze %dma_wait3A_40 : memref<1x1x128xi32, #tpu.memory_space<vmem>> -> memref<128xi32, #tpu.memory_space<vmem>>
        %dma_wait3A_42 = arith.constant 0 : i32
        %dma_wait3A_43 = arith.constant 0 : i32
        %dma_wait3A_44 = tpu.memref_slice %arg2[%dma_wait3A_42, %dma_wait3A_43] : memref<10240x128xf32, #tpu.memory_space<hbm>> -> memref<10240x128xf32, #tpu.memory_space<hbm>>
        tpu.wait_indirect_dma semaphore(%arg10 : memref<!tpu.dma_semaphore, #tpu.memory_space<semaphore_mem>>) src(%dma_wait3A_44 : memref<10240x128xf32, #tpu.memory_space<hbm>>) dst(%arg7 : memref<128x128xf32, #tpu.memory_space<vmem>>)
        %dma_start3A_45 = arith.constant 0 : i32
        %dma_start3A_46 = arith.constant 1 : i32
        %dma_start3A_47 = arith.constant 0 : i32
        %dma_start3A_48 = tpu.memref_slice %arg6[%dma_start3A_45, %dma_start3A_46, %dma_start3A_47] : memref<16x2x128xi32, #tpu.memory_space<vmem>> -> memref<1x1x128xi32, #tpu.memory_space<vmem>>
        %dma_start3A_49 = tpu.memref_squeeze %dma_start3A_48 : memref<1x1x128xi32, #tpu.memory_space<vmem>> -> memref<128xi32, #tpu.memory_space<vmem>>
        %dma_start3A_50 = arith.constant 0 : i32
        %dma_start3A_51 = arith.constant 0 : i32
        %dma_start3A_52 = tpu.memref_slice %arg9[%dma_start3A_50, %dma_start3A_51] : memref<10240x128xf32, #tpu.memory_space<vmem_shared>> -> memref<10240x128xf32, #tpu.memory_space<vmem_shared>>
        tpu.enqueue_indirect_dma source(%arg7 : memref<128x128xf32, #tpu.memory_space<vmem>>) target(%dma_start3A_52 : memref<10240x128xf32, #tpu.memory_space<vmem_shared>>) offsets(%dma_start3A_49 : memref<128xi32, #tpu.memory_space<vmem>>) semaphore(%arg12 : memref<!tpu.dma_semaphore, #tpu.memory_space<semaphore_mem>>) {add = true}
        %dma_wait3A_53 = arith.constant 0 : i32
        %dma_wait3A_54 = arith.constant 1 : i32
        %dma_wait3A_55 = arith.constant 0 : i32
        %dma_wait3A_56 = tpu.memref_slice %arg6[%dma_wait3A_53, %dma_wait3A_54, %dma_wait3A_55] : memref<16x2x128xi32, #tpu.memory_space<vmem>> -> memref<1x1x128xi32, #tpu.memory_space<vmem>>
        %dma_wait3A_57 = tpu.memref_squeeze %dma_wait3A_56 : memref<1x1x128xi32, #tpu.memory_space<vmem>> -> memref<128xi32, #tpu.memory_space<vmem>>
        %dma_wait3A_58 = arith.constant 0 : i32
        %dma_wait3A_59 = arith.constant 0 : i32
        %dma_wait3A_60 = tpu.memref_slice %arg9[%dma_wait3A_58, %dma_wait3A_59] : memref<10240x128xf32, #tpu.memory_space<vmem_shared>> -> memref<10240x128xf32, #tpu.memory_space<vmem_shared>>
        tpu.wait_indirect_dma semaphore(%arg12 : memref<!tpu.dma_semaphore, #tpu.memory_space<semaphore_mem>>) src(%arg7 : memref<128x128xf32, #tpu.memory_space<vmem>>) dst(%dma_wait3A_60 : memref<10240x128xf32, #tpu.memory_space<vmem_shared>>)
        %dma_start3A_61 = arith.constant 2 : i32
        %dma_start3A_62 = arith.constant 0 : i32
        %dma_start3A_63 = arith.constant 0 : i32
        %dma_start3A_64 = tpu.memref_slice %arg6[%dma_start3A_61, %dma_start3A_62, %dma_start3A_63] : memref<16x2x128xi32, #tpu.memory_space<vmem>> -> memref<1x1x128xi32, #tpu.memory_space<vmem>>
        %dma_start3A_65 = tpu.memref_squeeze %dma_start3A_64 : memref<1x1x128xi32, #tpu.memory_space<vmem>> -> memref<128xi32, #tpu.memory_space<vmem>>
        %dma_start3A_66 = arith.constant 0 : i32
        %dma_start3A_67 = arith.constant 0 : i32
        %dma_start3A_68 = tpu.memref_slice %arg2[%dma_start3A_66, %dma_start3A_67] : memref<10240x128xf32, #tpu.memory_space<hbm>> -> memref<10240x128xf32, #tpu.memory_space<hbm>>
        tpu.enqueue_indirect_dma source(%dma_start3A_68 : memref<10240x128xf32, #tpu.memory_space<hbm>>) target(%arg7 : memref<128x128xf32, #tpu.memory_space<vmem>>) offsets(%dma_start3A_65 : memref<128xi32, #tpu.memory_space<vmem>>) semaphore(%arg10 : memref<!tpu.dma_semaphore, #tpu.memory_space<semaphore_mem>>)
        %dma_wait3A_69 = arith.constant 1 : i32
        %dma_wait3A_70 = arith.constant 0 : i32
        %dma_wait3A_71 = arith.constant 0 : i32
        %dma_wait3A_72 = tpu.memref_slice %arg6[%dma_wait3A_69, %dma_wait3A_70, %dma_wait3A_71] : memref<16x2x128xi32, #tpu.memory_space<vmem>> -> memref<1x1x128xi32, #tpu.memory_space<vmem>>
        %dma_wait3A_73 = tpu.memref_squeeze %dma_wait3A_72 : memref<1x1x128xi32, #tpu.memory_space<vmem>> -> memref<128xi32, #tpu.memory_space<vmem>>
        %dma_wait3A_74 = arith.constant 0 : i32
        %dma_wait3A_75 = arith.constant 0 : i32
        %dma_wait3A_76 = tpu.memref_slice %arg2[%dma_wait3A_74, %dma_wait3A_75] : memref<10240x128xf32, #tpu.memory_space<hbm>> -> memref<10240x128xf32, #tpu.memory_space<hbm>>
        tpu.wait_indirect_dma semaphore(%arg11 : memref<!tpu.dma_semaphore, #tpu.memory_space<semaphore_mem>>) src(%dma_wait3A_76 : memref<10240x128xf32, #tpu.memory_space<hbm>>) dst(%arg8 : memref<128x128xf32, #tpu.memory_space<vmem>>)
        %dma_start3A_77 = arith.constant 1 : i32
        %dma_start3A_78 = arith.constant 1 : i32
        %dma_start3A_79 = arith.constant 0 : i32
        %dma_start3A_80 = tpu.memref_slice %arg6[%dma_start3A_77, %dma_start3A_78, %dma_start3A_79] : memref<16x2x128xi32, #tpu.memory_space<vmem>> -> memref<1x1x128xi32, #tpu.memory_space<vmem>>
        %dma_start3A_81 = tpu.memref_squeeze %dma_start3A_80 : memref<1x1x128xi32, #tpu.memory_space<vmem>> -> memref<128xi32, #tpu.memory_space<vmem>>
        %dma_start3A_82 = arith.constant 0 : i32
        %dma_start3A_83 = arith.constant 0 : i32
        %dma_start3A_84 = tpu.memref_slice %arg9[%dma_start3A_82, %dma_start3A_83] : memref<10240x128xf32, #tpu.memory_space<vmem_shared>> -> memref<10240x128xf32, #tpu.memory_space<vmem_shared>>
        tpu.enqueue_indirect_dma source(%arg8 : memref<128x128xf32, #tpu.memory_space<vmem>>) target(%dma_start3A_84 : memref<10240x128xf32, #tpu.memory_space<vmem_shared>>) offsets(%dma_start3A_81 : memref<128xi32, #tpu.memory_space<vmem>>) semaphore(%arg13 : memref<!tpu.dma_semaphore, #tpu.memory_space<semaphore_mem>>) {add = true}
        %dma_wait3A_85 = arith.constant 1 : i32
        %dma_wait3A_86 = arith.constant 1 : i32
        %dma_wait3A_87 = arith.constant 0 : i32
        %dma_wait3A_88 = tpu.memref_slice %arg6[%dma_wait3A_85, %dma_wait3A_86, %dma_wait3A_87] : memref<16x2x128xi32, #tpu.memory_space<vmem>> -> memref<1x1x128xi32, #tpu.memory_space<vmem>>
        %dma_wait3A_89 = tpu.memref_squeeze %dma_wait3A_88 : memref<1x1x128xi32, #tpu.memory_space<vmem>> -> memref<128xi32, #tpu.memory_space<vmem>>
        %dma_wait3A_90 = arith.constant 0 : i32
        %dma_wait3A_91 = arith.constant 0 : i32
        %dma_wait3A_92 = tpu.memref_slice %arg9[%dma_wait3A_90, %dma_wait3A_91] : memref<10240x128xf32, #tpu.memory_space<vmem_shared>> -> memref<10240x128xf32, #tpu.memory_space<vmem_shared>>
        tpu.wait_indirect_dma semaphore(%arg13 : memref<!tpu.dma_semaphore, #tpu.memory_space<semaphore_mem>>) src(%arg8 : memref<128x128xf32, #tpu.memory_space<vmem>>) dst(%dma_wait3A_92 : memref<10240x128xf32, #tpu.memory_space<vmem_shared>>)
        %dma_start3A_93 = arith.constant 3 : i32
        %dma_start3A_94 = arith.constant 0 : i32
        %dma_start3A_95 = arith.constant 0 : i32
        %dma_start3A_96 = tpu.memref_slice %arg6[%dma_start3A_93, %dma_start3A_94, %dma_start3A_95] : memref<16x2x128xi32, #tpu.memory_space<vmem>> -> memref<1x1x128xi32, #tpu.memory_space<vmem>>
        %dma_start3A_97 = tpu.memref_squeeze %dma_start3A_96 : memref<1x1x128xi32, #tpu.memory_space<vmem>> -> memref<128xi32, #tpu.memory_space<vmem>>
        %dma_start3A_98 = arith.constant 0 : i32
        %dma_start3A_99 = arith.constant 0 : i32
        %dma_start3A_100 = tpu.memref_slice %arg2[%dma_start3A_98, %dma_start3A_99] : memref<10240x128xf32, #tpu.memory_space<hbm>> -> memref<10240x128xf32, #tpu.memory_space<hbm>>
        tpu.enqueue_indirect_dma source(%dma_start3A_100 : memref<10240x128xf32, #tpu.memory_space<hbm>>) target(%arg8 : memref<128x128xf32, #tpu.memory_space<vmem>>) offsets(%dma_start3A_97 : memref<128xi32, #tpu.memory_space<vmem>>) semaphore(%arg11 : memref<!tpu.dma_semaphore, #tpu.memory_space<semaphore_mem>>)
        %dma_wait3A_101 = arith.constant 2 : i32
        %dma_wait3A_102 = arith.constant 0 : i32
        %dma_wait3A_103 = arith.constant 0 : i32
        %dma_wait3A_104 = tpu.memref_slice %arg6[%dma_wait3A_101, %dma_wait3A_102, %dma_wait3A_103] : memref<16x2x128xi32, #tpu.memory_space<vmem>> -> memref<1x1x128xi32, #tpu.memory_space<vmem>>
        %dma_wait3A_105 = tpu.memref_squeeze %dma_wait3A_104 : memref<1x1x128xi32, #tpu.memory_space<vmem>> -> memref<128xi32, #tpu.memory_space<vmem>>
        %dma_wait3A_106 = arith.constant 0 : i32
        %dma_wait3A_107 = arith.constant 0 : i32
        %dma_wait3A_108 = tpu.memref_slice %arg2[%dma_wait3A_106, %dma_wait3A_107] : memref<10240x128xf32, #tpu.memory_space<hbm>> -> memref<10240x128xf32, #tpu.memory_space<hbm>>
        tpu.wait_indirect_dma semaphore(%arg10 : memref<!tpu.dma_semaphore, #tpu.memory_space<semaphore_mem>>) src(%dma_wait3A_108 : memref<10240x128xf32, #tpu.memory_space<hbm>>) dst(%arg7 : memref<128x128xf32, #tpu.memory_space<vmem>>)
        %dma_start3A_109 = arith.constant 2 : i32
        %dma_start3A_110 = arith.constant 1 : i32
        %dma_start3A_111 = arith.constant 0 : i32
        %dma_start3A_112 = tpu.memref_slice %arg6[%dma_start3A_109, %dma_start3A_110, %dma_start3A_111] : memref<16x2x128xi32, #tpu.memory_space<vmem>> -> memref<1x1x128xi32, #tpu.memory_space<vmem>>
        %dma_start3A_113 = tpu.memref_squeeze %dma_start3A_112 : memref<1x1x128xi32, #tpu.memory_space<vmem>> -> memref<128xi32, #tpu.memory_space<vmem>>
        %dma_start3A_114 = arith.constant 0 : i32
        %dma_start3A_115 = arith.constant 0 : i32
        %dma_start3A_116 = tpu.memref_slice %arg9[%dma_start3A_114, %dma_start3A_115] : memref<10240x128xf32, #tpu.memory_space<vmem_shared>> -> memref<10240x128xf32, #tpu.memory_space<vmem_shared>>
        tpu.enqueue_indirect_dma source(%arg7 : memref<128x128xf32, #tpu.memory_space<vmem>>) target(%dma_start3A_116 : memref<10240x128xf32, #tpu.memory_space<vmem_shared>>) offsets(%dma_start3A_113 : memref<128xi32, #tpu.memory_space<vmem>>) semaphore(%arg12 : memref<!tpu.dma_semaphore, #tpu.memory_space<semaphore_mem>>) {add = true}
        %dma_wait3A_117 = arith.constant 2 : i32
        %dma_wait3A_118 = arith.constant 1 : i32
        %dma_wait3A_119 = arith.constant 0 : i32
        %dma_wait3A_120 = tpu.memref_slice %arg6[%dma_wait3A_117, %dma_wait3A_118, %dma_wait3A_119] : memref<16x2x128xi32, #tpu.memory_space<vmem>> -> memref<1x1x128xi32, #tpu.memory_space<vmem>>
        %dma_wait3A_121 = tpu.memref_squeeze %dma_wait3A_120 : memref<1x1x128xi32, #tpu.memory_space<vmem>> -> memref<128xi32, #tpu.memory_space<vmem>>
        %dma_wait3A_122 = arith.constant 0 : i32
        %dma_wait3A_123 = arith.constant 0 : i32
        %dma_wait3A_124 = tpu.memref_slice %arg9[%dma_wait3A_122, %dma_wait3A_123] : memref<10240x128xf32, #tpu.memory_space<vmem_shared>> -> memref<10240x128xf32, #tpu.memory_space<vmem_shared>>
        tpu.wait_indirect_dma semaphore(%arg12 : memref<!tpu.dma_semaphore, #tpu.memory_space<semaphore_mem>>) src(%arg7 : memref<128x128xf32, #tpu.memory_space<vmem>>) dst(%dma_wait3A_124 : memref<10240x128xf32, #tpu.memory_space<vmem_shared>>)
        %dma_start3A_125 = arith.constant 4 : i32
        %dma_start3A_126 = arith.constant 0 : i32
        %dma_start3A_127 = arith.constant 0 : i32
        %dma_start3A_128 = tpu.memref_slice %arg6[%dma_start3A_125, %dma_start3A_126, %dma_start3A_127] : memref<16x2x128xi32, #tpu.memory_space<vmem>> -> memref<1x1x128xi32, #tpu.memory_space<vmem>>
        %dma_start3A_129 = tpu.memref_squeeze %dma_start3A_128 : memref<1x1x128xi32, #tpu.memory_space<vmem>> -> memref<128xi32, #tpu.memory_space<vmem>>
        %dma_start3A_130 = arith.constant 0 : i32
        %dma_start3A_131 = arith.constant 0 : i32
        %dma_start3A_132 = tpu.memref_slice %arg2[%dma_start3A_130, %dma_start3A_131] : memref<10240x128xf32, #tpu.memory_space<hbm>> -> memref<10240x128xf32, #tpu.memory_space<hbm>>
        tpu.enqueue_indirect_dma source(%dma_start3A_132 : memref<10240x128xf32, #tpu.memory_space<hbm>>) target(%arg7 : memref<128x128xf32, #tpu.memory_space<vmem>>) offsets(%dma_start3A_129 : memref<128xi32, #tpu.memory_space<vmem>>) semaphore(%arg10 : memref<!tpu.dma_semaphore, #tpu.memory_space<semaphore_mem>>)
        %dma_wait3A_133 = arith.constant 3 : i32
        %dma_wait3A_134 = arith.constant 0 : i32
        %dma_wait3A_135 = arith.constant 0 : i32
        %dma_wait3A_136 = tpu.memref_slice %arg6[%dma_wait3A_133, %dma_wait3A_134, %dma_wait3A_135] : memref<16x2x128xi32, #tpu.memory_space<vmem>> -> memref<1x1x128xi32, #tpu.memory_space<vmem>>
        %dma_wait3A_137 = tpu.memref_squeeze %dma_wait3A_136 : memref<1x1x128xi32, #tpu.memory_space<vmem>> -> memref<128xi32, #tpu.memory_space<vmem>>
        %dma_wait3A_138 = arith.constant 0 : i32
        %dma_wait3A_139 = arith.constant 0 : i32
        %dma_wait3A_140 = tpu.memref_slice %arg2[%dma_wait3A_138, %dma_wait3A_139] : memref<10240x128xf32, #tpu.memory_space<hbm>> -> memref<10240x128xf32, #tpu.memory_space<hbm>>
        tpu.wait_indirect_dma semaphore(%arg11 : memref<!tpu.dma_semaphore, #tpu.memory_space<semaphore_mem>>) src(%dma_wait3A_140 : memref<10240x128xf32, #tpu.memory_space<hbm>>) dst(%arg8 : memref<128x128xf32, #tpu.memory_space<vmem>>)
        %dma_start3A_141 = arith.constant 3 : i32
        %dma_start3A_142 = arith.constant 1 : i32
        %dma_start3A_143 = arith.constant 0 : i32
        %dma_start3A_144 = tpu.memref_slice %arg6[%dma_start3A_141, %dma_start3A_142, %dma_start3A_143] : memref<16x2x128xi32, #tpu.memory_space<vmem>> -> memref<1x1x128xi32, #tpu.memory_space<vmem>>
        %dma_start3A_145 = tpu.memref_squeeze %dma_start3A_144 : memref<1x1x128xi32, #tpu.memory_space<vmem>> -> memref<128xi32, #tpu.memory_space<vmem>>
        %dma_start3A_146 = arith.constant 0 : i32
        %dma_start3A_147 = arith.constant 0 : i32
        %dma_start3A_148 = tpu.memref_slice %arg9[%dma_start3A_146, %dma_start3A_147] : memref<10240x128xf32, #tpu.memory_space<vmem_shared>> -> memref<10240x128xf32, #tpu.memory_space<vmem_shared>>
        tpu.enqueue_indirect_dma source(%arg8 : memref<128x128xf32, #tpu.memory_space<vmem>>) target(%dma_start3A_148 : memref<10240x128xf32, #tpu.memory_space<vmem_shared>>) offsets(%dma_start3A_145 : memref<128xi32, #tpu.memory_space<vmem>>) semaphore(%arg13 : memref<!tpu.dma_semaphore, #tpu.memory_space<semaphore_mem>>) {add = true}
        %dma_wait3A_149 = arith.constant 3 : i32
        %dma_wait3A_150 = arith.constant 1 : i32
        %dma_wait3A_151 = arith.constant 0 : i32
        %dma_wait3A_152 = tpu.memref_slice %arg6[%dma_wait3A_149, %dma_wait3A_150, %dma_wait3A_151] : memref<16x2x128xi32, #tpu.memory_space<vmem>> -> memref<1x1x128xi32, #tpu.memory_space<vmem>>
        %dma_wait3A_153 = tpu.memref_squeeze %dma_wait3A_152 : memref<1x1x128xi32, #tpu.memory_space<vmem>> -> memref<128xi32, #tpu.memory_space<vmem>>
        %dma_wait3A_154 = arith.constant 0 : i32
        %dma_wait3A_155 = arith.constant 0 : i32
        %dma_wait3A_156 = tpu.memref_slice %arg9[%dma_wait3A_154, %dma_wait3A_155] : memref<10240x128xf32, #tpu.memory_space<vmem_shared>> -> memref<10240x128xf32, #tpu.memory_space<vmem_shared>>
        tpu.wait_indirect_dma semaphore(%arg13 : memref<!tpu.dma_semaphore, #tpu.memory_space<semaphore_mem>>) src(%arg8 : memref<128x128xf32, #tpu.memory_space<vmem>>) dst(%dma_wait3A_156 : memref<10240x128xf32, #tpu.memory_space<vmem_shared>>)
        %dma_start3A_157 = arith.constant 5 : i32
        %dma_start3A_158 = arith.constant 0 : i32
        %dma_start3A_159 = arith.constant 0 : i32
        %dma_start3A_160 = tpu.memref_slice %arg6[%dma_start3A_157, %dma_start3A_158, %dma_start3A_159] : memref<16x2x128xi32, #tpu.memory_space<vmem>> -> memref<1x1x128xi32, #tpu.memory_space<vmem>>
        %dma_start3A_161 = tpu.memref_squeeze %dma_start3A_160 : memref<1x1x128xi32, #tpu.memory_space<vmem>> -> memref<128xi32, #tpu.memory_space<vmem>>
        %dma_start3A_162 = arith.constant 0 : i32
        %dma_start3A_163 = arith.constant 0 : i32
        %dma_start3A_164 = tpu.memref_slice %arg2[%dma_start3A_162, %dma_start3A_163] : memref<10240x128xf32, #tpu.memory_space<hbm>> -> memref<10240x128xf32, #tpu.memory_space<hbm>>
        tpu.enqueue_indirect_dma source(%dma_start3A_164 : memref<10240x128xf32, #tpu.memory_space<hbm>>) target(%arg8 : memref<128x128xf32, #tpu.memory_space<vmem>>) offsets(%dma_start3A_161 : memref<128xi32, #tpu.memory_space<vmem>>) semaphore(%arg11 : memref<!tpu.dma_semaphore, #tpu.memory_space<semaphore_mem>>)
        %dma_wait3A_165 = arith.constant 4 : i32
        %dma_wait3A_166 = arith.constant 0 : i32
        %dma_wait3A_167 = arith.constant 0 : i32
        %dma_wait3A_168 = tpu.memref_slice %arg6[%dma_wait3A_165, %dma_wait3A_166, %dma_wait3A_167] : memref<16x2x128xi32, #tpu.memory_space<vmem>> -> memref<1x1x128xi32, #tpu.memory_space<vmem>>
        %dma_wait3A_169 = tpu.memref_squeeze %dma_wait3A_168 : memref<1x1x128xi32, #tpu.memory_space<vmem>> -> memref<128xi32, #tpu.memory_space<vmem>>
        %dma_wait3A_170 = arith.constant 0 : i32
        %dma_wait3A_171 = arith.constant 0 : i32
        %dma_wait3A_172 = tpu.memref_slice %arg2[%dma_wait3A_170, %dma_wait3A_171] : memref<10240x128xf32, #tpu.memory_space<hbm>> -> memref<10240x128xf32, #tpu.memory_space<hbm>>
        tpu.wait_indirect_dma semaphore(%arg10 : memref<!tpu.dma_semaphore, #tpu.memory_space<semaphore_mem>>) src(%dma_wait3A_172 : memref<10240x128xf32, #tpu.memory_space<hbm>>) dst(%arg7 : memref<128x128xf32, #tpu.memory_space<vmem>>)
        %dma_start3A_173 = arith.constant 4 : i32
        %dma_start3A_174 = arith.constant 1 : i32
        %dma_start3A_175 = arith.constant 0 : i32
        %dma_start3A_176 = tpu.memref_slice %arg6[%dma_start3A_173, %dma_start3A_174, %dma_start3A_175] : memref<16x2x128xi32, #tpu.memory_space<vmem>> -> memref<1x1x128xi32, #tpu.memory_space<vmem>>
        %dma_start3A_177 = tpu.memref_squeeze %dma_start3A_176 : memref<1x1x128xi32, #tpu.memory_space<vmem>> -> memref<128xi32, #tpu.memory_space<vmem>>
        %dma_start3A_178 = arith.constant 0 : i32
        %dma_start3A_179 = arith.constant 0 : i32
        %dma_start3A_180 = tpu.memref_slice %arg9[%dma_start3A_178, %dma_start3A_179] : memref<10240x128xf32, #tpu.memory_space<vmem_shared>> -> memref<10240x128xf32, #tpu.memory_space<vmem_shared>>
        tpu.enqueue_indirect_dma source(%arg7 : memref<128x128xf32, #tpu.memory_space<vmem>>) target(%dma_start3A_180 : memref<10240x128xf32, #tpu.memory_space<vmem_shared>>) offsets(%dma_start3A_177 : memref<128xi32, #tpu.memory_space<vmem>>) semaphore(%arg12 : memref<!tpu.dma_semaphore, #tpu.memory_space<semaphore_mem>>) {add = true}
        %dma_wait3A_181 = arith.constant 4 : i32
        %dma_wait3A_182 = arith.constant 1 : i32
        %dma_wait3A_183 = arith.constant 0 : i32
        %dma_wait3A_184 = tpu.memref_slice %arg6[%dma_wait3A_181, %dma_wait3A_182, %dma_wait3A_183] : memref<16x2x128xi32, #tpu.memory_space<vmem>> -> memref<1x1x128xi32, #tpu.memory_space<vmem>>
        %dma_wait3A_185 = tpu.memref_squeeze %dma_wait3A_184 : memref<1x1x128xi32, #tpu.memory_space<vmem>> -> memref<128xi32, #tpu.memory_space<vmem>>
        %dma_wait3A_186 = arith.constant 0 : i32
        %dma_wait3A_187 = arith.constant 0 : i32
        %dma_wait3A_188 = tpu.memref_slice %arg9[%dma_wait3A_186, %dma_wait3A_187] : memref<10240x128xf32, #tpu.memory_space<vmem_shared>> -> memref<10240x128xf32, #tpu.memory_space<vmem_shared>>
        tpu.wait_indirect_dma semaphore(%arg12 : memref<!tpu.dma_semaphore, #tpu.memory_space<semaphore_mem>>) src(%arg7 : memref<128x128xf32, #tpu.memory_space<vmem>>) dst(%dma_wait3A_188 : memref<10240x128xf32, #tpu.memory_space<vmem_shared>>)
        %dma_start3A_189 = arith.constant 6 : i32
        %dma_start3A_190 = arith.constant 0 : i32
        %dma_start3A_191 = arith.constant 0 : i32
        %dma_start3A_192 = tpu.memref_slice %arg6[%dma_start3A_189, %dma_start3A_190, %dma_start3A_191] : memref<16x2x128xi32, #tpu.memory_space<vmem>> -> memref<1x1x128xi32, #tpu.memory_space<vmem>>
        %dma_start3A_193 = tpu.memref_squeeze %dma_start3A_192 : memref<1x1x128xi32, #tpu.memory_space<vmem>> -> memref<128xi32, #tpu.memory_space<vmem>>
        %dma_start3A_194 = arith.constant 0 : i32
        %dma_start3A_195 = arith.constant 0 : i32
        %dma_start3A_196 = tpu.memref_slice %arg2[%dma_start3A_194, %dma_start3A_195] : memref<10240x128xf32, #tpu.memory_space<hbm>> -> memref<10240x128xf32, #tpu.memory_space<hbm>>
        tpu.enqueue_indirect_dma source(%dma_start3A_196 : memref<10240x128xf32, #tpu.memory_space<hbm>>) target(%arg7 : memref<128x128xf32, #tpu.memory_space<vmem>>) offsets(%dma_start3A_193 : memref<128xi32, #tpu.memory_space<vmem>>) semaphore(%arg10 : memref<!tpu.dma_semaphore, #tpu.memory_space<semaphore_mem>>)
        %dma_wait3A_197 = arith.constant 5 : i32
        %dma_wait3A_198 = arith.constant 0 : i32
        %dma_wait3A_199 = arith.constant 0 : i32
        %dma_wait3A_200 = tpu.memref_slice %arg6[%dma_wait3A_197, %dma_wait3A_198, %dma_wait3A_199] : memref<16x2x128xi32, #tpu.memory_space<vmem>> -> memref<1x1x128xi32, #tpu.memory_space<vmem>>
        %dma_wait3A_201 = tpu.memref_squeeze %dma_wait3A_200 : memref<1x1x128xi32, #tpu.memory_space<vmem>> -> memref<128xi32, #tpu.memory_space<vmem>>
        %dma_wait3A_202 = arith.constant 0 : i32
        %dma_wait3A_203 = arith.constant 0 : i32
        %dma_wait3A_204 = tpu.memref_slice %arg2[%dma_wait3A_202, %dma_wait3A_203] : memref<10240x128xf32, #tpu.memory_space<hbm>> -> memref<10240x128xf32, #tpu.memory_space<hbm>>
        tpu.wait_indirect_dma semaphore(%arg11 : memref<!tpu.dma_semaphore, #tpu.memory_space<semaphore_mem>>) src(%dma_wait3A_204 : memref<10240x128xf32, #tpu.memory_space<hbm>>) dst(%arg8 : memref<128x128xf32, #tpu.memory_space<vmem>>)
        %dma_start3A_205 = arith.constant 5 : i32
        %dma_start3A_206 = arith.constant 1 : i32
        %dma_start3A_207 = arith.constant 0 : i32
        %dma_start3A_208 = tpu.memref_slice %arg6[%dma_start3A_205, %dma_start3A_206, %dma_start3A_207] : memref<16x2x128xi32, #tpu.memory_space<vmem>> -> memref<1x1x128xi32, #tpu.memory_space<vmem>>
        %dma_start3A_209 = tpu.memref_squeeze %dma_start3A_208 : memref<1x1x128xi32, #tpu.memory_space<vmem>> -> memref<128xi32, #tpu.memory_space<vmem>>
        %dma_start3A_210 = arith.constant 0 : i32
        %dma_start3A_211 = arith.constant 0 : i32
        %dma_start3A_212 = tpu.memref_slice %arg9[%dma_start3A_210, %dma_start3A_211] : memref<10240x128xf32, #tpu.memory_space<vmem_shared>> -> memref<10240x128xf32, #tpu.memory_space<vmem_shared>>
        tpu.enqueue_indirect_dma source(%arg8 : memref<128x128xf32, #tpu.memory_space<vmem>>) target(%dma_start3A_212 : memref<10240x128xf32, #tpu.memory_space<vmem_shared>>) offsets(%dma_start3A_209 : memref<128xi32, #tpu.memory_space<vmem>>) semaphore(%arg13 : memref<!tpu.dma_semaphore, #tpu.memory_space<semaphore_mem>>) {add = true}
        %dma_wait3A_213 = arith.constant 5 : i32
        %dma_wait3A_214 = arith.constant 1 : i32
        %dma_wait3A_215 = arith.constant 0 : i32
        %dma_wait3A_216 = tpu.memref_slice %arg6[%dma_wait3A_213, %dma_wait3A_214, %dma_wait3A_215] : memref<16x2x128xi32, #tpu.memory_space<vmem>> -> memref<1x1x128xi32, #tpu.memory_space<vmem>>
        %dma_wait3A_217 = tpu.memref_squeeze %dma_wait3A_216 : memref<1x1x128xi32, #tpu.memory_space<vmem>> -> memref<128xi32, #tpu.memory_space<vmem>>
        %dma_wait3A_218 = arith.constant 0 : i32
        %dma_wait3A_219 = arith.constant 0 : i32
        %dma_wait3A_220 = tpu.memref_slice %arg9[%dma_wait3A_218, %dma_wait3A_219] : memref<10240x128xf32, #tpu.memory_space<vmem_shared>> -> memref<10240x128xf32, #tpu.memory_space<vmem_shared>>
        tpu.wait_indirect_dma semaphore(%arg13 : memref<!tpu.dma_semaphore, #tpu.memory_space<semaphore_mem>>) src(%arg8 : memref<128x128xf32, #tpu.memory_space<vmem>>) dst(%dma_wait3A_220 : memref<10240x128xf32, #tpu.memory_space<vmem_shared>>)
        %dma_start3A_221 = arith.constant 7 : i32
        %dma_start3A_222 = arith.constant 0 : i32
        %dma_start3A_223 = arith.constant 0 : i32
        %dma_start3A_224 = tpu.memref_slice %arg6[%dma_start3A_221, %dma_start3A_222, %dma_start3A_223] : memref<16x2x128xi32, #tpu.memory_space<vmem>> -> memref<1x1x128xi32, #tpu.memory_space<vmem>>
        %dma_start3A_225 = tpu.memref_squeeze %dma_start3A_224 : memref<1x1x128xi32, #tpu.memory_space<vmem>> -> memref<128xi32, #tpu.memory_space<vmem>>
        %dma_start3A_226 = arith.constant 0 : i32
        %dma_start3A_227 = arith.constant 0 : i32
        %dma_start3A_228 = tpu.memref_slice %arg2[%dma_start3A_226, %dma_start3A_227] : memref<10240x128xf32, #tpu.memory_space<hbm>> -> memref<10240x128xf32, #tpu.memory_space<hbm>>
        tpu.enqueue_indirect_dma source(%dma_start3A_228 : memref<10240x128xf32, #tpu.memory_space<hbm>>) target(%arg8 : memref<128x128xf32, #tpu.memory_space<vmem>>) offsets(%dma_start3A_225 : memref<128xi32, #tpu.memory_space<vmem>>) semaphore(%arg11 : memref<!tpu.dma_semaphore, #tpu.memory_space<semaphore_mem>>)
        %dma_wait3A_229 = arith.constant 6 : i32
        %dma_wait3A_230 = arith.constant 0 : i32
        %dma_wait3A_231 = arith.constant 0 : i32
        %dma_wait3A_232 = tpu.memref_slice %arg6[%dma_wait3A_229, %dma_wait3A_230, %dma_wait3A_231] : memref<16x2x128xi32, #tpu.memory_space<vmem>> -> memref<1x1x128xi32, #tpu.memory_space<vmem>>
        %dma_wait3A_233 = tpu.memref_squeeze %dma_wait3A_232 : memref<1x1x128xi32, #tpu.memory_space<vmem>> -> memref<128xi32, #tpu.memory_space<vmem>>
        %dma_wait3A_234 = arith.constant 0 : i32
        %dma_wait3A_235 = arith.constant 0 : i32
        %dma_wait3A_236 = tpu.memref_slice %arg2[%dma_wait3A_234, %dma_wait3A_235] : memref<10240x128xf32, #tpu.memory_space<hbm>> -> memref<10240x128xf32, #tpu.memory_space<hbm>>
        tpu.wait_indirect_dma semaphore(%arg10 : memref<!tpu.dma_semaphore, #tpu.memory_space<semaphore_mem>>) src(%dma_wait3A_236 : memref<10240x128xf32, #tpu.memory_space<hbm>>) dst(%arg7 : memref<128x128xf32, #tpu.memory_space<vmem>>)
        %dma_start3A_237 = arith.constant 6 : i32
        %dma_start3A_238 = arith.constant 1 : i32
        %dma_start3A_239 = arith.constant 0 : i32
        %dma_start3A_240 = tpu.memref_slice %arg6[%dma_start3A_237, %dma_start3A_238, %dma_start3A_239] : memref<16x2x128xi32, #tpu.memory_space<vmem>> -> memref<1x1x128xi32, #tpu.memory_space<vmem>>
        %dma_start3A_241 = tpu.memref_squeeze %dma_start3A_240 : memref<1x1x128xi32, #tpu.memory_space<vmem>> -> memref<128xi32, #tpu.memory_space<vmem>>
        %dma_start3A_242 = arith.constant 0 : i32
        %dma_start3A_243 = arith.constant 0 : i32
        %dma_start3A_244 = tpu.memref_slice %arg9[%dma_start3A_242, %dma_start3A_243] : memref<10240x128xf32, #tpu.memory_space<vmem_shared>> -> memref<10240x128xf32, #tpu.memory_space<vmem_shared>>
        tpu.enqueue_indirect_dma source(%arg7 : memref<128x128xf32, #tpu.memory_space<vmem>>) target(%dma_start3A_244 : memref<10240x128xf32, #tpu.memory_space<vmem_shared>>) offsets(%dma_start3A_241 : memref<128xi32, #tpu.memory_space<vmem>>) semaphore(%arg12 : memref<!tpu.dma_semaphore, #tpu.memory_space<semaphore_mem>>) {add = true}
        %dma_wait3A_245 = arith.constant 6 : i32
        %dma_wait3A_246 = arith.constant 1 : i32
        %dma_wait3A_247 = arith.constant 0 : i32
        %dma_wait3A_248 = tpu.memref_slice %arg6[%dma_wait3A_245, %dma_wait3A_246, %dma_wait3A_247] : memref<16x2x128xi32, #tpu.memory_space<vmem>> -> memref<1x1x128xi32, #tpu.memory_space<vmem>>
        %dma_wait3A_249 = tpu.memref_squeeze %dma_wait3A_248 : memref<1x1x128xi32, #tpu.memory_space<vmem>> -> memref<128xi32, #tpu.memory_space<vmem>>
        %dma_wait3A_250 = arith.constant 0 : i32
        %dma_wait3A_251 = arith.constant 0 : i32
        %dma_wait3A_252 = tpu.memref_slice %arg9[%dma_wait3A_250, %dma_wait3A_251] : memref<10240x128xf32, #tpu.memory_space<vmem_shared>> -> memref<10240x128xf32, #tpu.memory_space<vmem_shared>>
        tpu.wait_indirect_dma semaphore(%arg12 : memref<!tpu.dma_semaphore, #tpu.memory_space<semaphore_mem>>) src(%arg7 : memref<128x128xf32, #tpu.memory_space<vmem>>) dst(%dma_wait3A_252 : memref<10240x128xf32, #tpu.memory_space<vmem_shared>>)
        %dma_start3A_253 = arith.constant 8 : i32
        %dma_start3A_254 = arith.constant 0 : i32
        %dma_start3A_255 = arith.constant 0 : i32
        %dma_start3A_256 = tpu.memref_slice %arg6[%dma_start3A_253, %dma_start3A_254, %dma_start3A_255] : memref<16x2x128xi32, #tpu.memory_space<vmem>> -> memref<1x1x128xi32, #tpu.memory_space<vmem>>
        %dma_start3A_257 = tpu.memref_squeeze %dma_start3A_256 : memref<1x1x128xi32, #tpu.memory_space<vmem>> -> memref<128xi32, #tpu.memory_space<vmem>>
        %dma_start3A_258 = arith.constant 0 : i32
        %dma_start3A_259 = arith.constant 0 : i32
        %dma_start3A_260 = tpu.memref_slice %arg2[%dma_start3A_258, %dma_start3A_259] : memref<10240x128xf32, #tpu.memory_space<hbm>> -> memref<10240x128xf32, #tpu.memory_space<hbm>>
        tpu.enqueue_indirect_dma source(%dma_start3A_260 : memref<10240x128xf32, #tpu.memory_space<hbm>>) target(%arg7 : memref<128x128xf32, #tpu.memory_space<vmem>>) offsets(%dma_start3A_257 : memref<128xi32, #tpu.memory_space<vmem>>) semaphore(%arg10 : memref<!tpu.dma_semaphore, #tpu.memory_space<semaphore_mem>>)
        %dma_wait3A_261 = arith.constant 7 : i32
        %dma_wait3A_262 = arith.constant 0 : i32
        %dma_wait3A_263 = arith.constant 0 : i32
        %dma_wait3A_264 = tpu.memref_slice %arg6[%dma_wait3A_261, %dma_wait3A_262, %dma_wait3A_263] : memref<16x2x128xi32, #tpu.memory_space<vmem>> -> memref<1x1x128xi32, #tpu.memory_space<vmem>>
        %dma_wait3A_265 = tpu.memref_squeeze %dma_wait3A_264 : memref<1x1x128xi32, #tpu.memory_space<vmem>> -> memref<128xi32, #tpu.memory_space<vmem>>
        %dma_wait3A_266 = arith.constant 0 : i32
        %dma_wait3A_267 = arith.constant 0 : i32
        %dma_wait3A_268 = tpu.memref_slice %arg2[%dma_wait3A_266, %dma_wait3A_267] : memref<10240x128xf32, #tpu.memory_space<hbm>> -> memref<10240x128xf32, #tpu.memory_space<hbm>>
        tpu.wait_indirect_dma semaphore(%arg11 : memref<!tpu.dma_semaphore, #tpu.memory_space<semaphore_mem>>) src(%dma_wait3A_268 : memref<10240x128xf32, #tpu.memory_space<hbm>>) dst(%arg8 : memref<128x128xf32, #tpu.memory_space<vmem>>)
        %dma_start3A_269 = arith.constant 7 : i32
        %dma_start3A_270 = arith.constant 1 : i32
        %dma_start3A_271 = arith.constant 0 : i32
        %dma_start3A_272 = tpu.memref_slice %arg6[%dma_start3A_269, %dma_start3A_270, %dma_start3A_271] : memref<16x2x128xi32, #tpu.memory_space<vmem>> -> memref<1x1x128xi32, #tpu.memory_space<vmem>>
        %dma_start3A_273 = tpu.memref_squeeze %dma_start3A_272 : memref<1x1x128xi32, #tpu.memory_space<vmem>> -> memref<128xi32, #tpu.memory_space<vmem>>
        %dma_start3A_274 = arith.constant 0 : i32
        %dma_start3A_275 = arith.constant 0 : i32
        %dma_start3A_276 = tpu.memref_slice %arg9[%dma_start3A_274, %dma_start3A_275] : memref<10240x128xf32, #tpu.memory_space<vmem_shared>> -> memref<10240x128xf32, #tpu.memory_space<vmem_shared>>
        tpu.enqueue_indirect_dma source(%arg8 : memref<128x128xf32, #tpu.memory_space<vmem>>) target(%dma_start3A_276 : memref<10240x128xf32, #tpu.memory_space<vmem_shared>>) offsets(%dma_start3A_273 : memref<128xi32, #tpu.memory_space<vmem>>) semaphore(%arg13 : memref<!tpu.dma_semaphore, #tpu.memory_space<semaphore_mem>>) {add = true}
        %dma_wait3A_277 = arith.constant 7 : i32
        %dma_wait3A_278 = arith.constant 1 : i32
        %dma_wait3A_279 = arith.constant 0 : i32
        %dma_wait3A_280 = tpu.memref_slice %arg6[%dma_wait3A_277, %dma_wait3A_278, %dma_wait3A_279] : memref<16x2x128xi32, #tpu.memory_space<vmem>> -> memref<1x1x128xi32, #tpu.memory_space<vmem>>
        %dma_wait3A_281 = tpu.memref_squeeze %dma_wait3A_280 : memref<1x1x128xi32, #tpu.memory_space<vmem>> -> memref<128xi32, #tpu.memory_space<vmem>>
        %dma_wait3A_282 = arith.constant 0 : i32
        %dma_wait3A_283 = arith.constant 0 : i32
        %dma_wait3A_284 = tpu.memref_slice %arg9[%dma_wait3A_282, %dma_wait3A_283] : memref<10240x128xf32, #tpu.memory_space<vmem_shared>> -> memref<10240x128xf32, #tpu.memory_space<vmem_shared>>
        tpu.wait_indirect_dma semaphore(%arg13 : memref<!tpu.dma_semaphore, #tpu.memory_space<semaphore_mem>>) src(%arg8 : memref<128x128xf32, #tpu.memory_space<vmem>>) dst(%dma_wait3A_284 : memref<10240x128xf32, #tpu.memory_space<vmem_shared>>)
        %dma_start3A_285 = arith.constant 9 : i32
        %dma_start3A_286 = arith.constant 0 : i32
        %dma_start3A_287 = arith.constant 0 : i32
        %dma_start3A_288 = tpu.memref_slice %arg6[%dma_start3A_285, %dma_start3A_286, %dma_start3A_287] : memref<16x2x128xi32, #tpu.memory_space<vmem>> -> memref<1x1x128xi32, #tpu.memory_space<vmem>>
        %dma_start3A_289 = tpu.memref_squeeze %dma_start3A_288 : memref<1x1x128xi32, #tpu.memory_space<vmem>> -> memref<128xi32, #tpu.memory_space<vmem>>
        %dma_start3A_290 = arith.constant 0 : i32
        %dma_start3A_291 = arith.constant 0 : i32
        %dma_start3A_292 = tpu.memref_slice %arg2[%dma_start3A_290, %dma_start3A_291] : memref<10240x128xf32, #tpu.memory_space<hbm>> -> memref<10240x128xf32, #tpu.memory_space<hbm>>
        tpu.enqueue_indirect_dma source(%dma_start3A_292 : memref<10240x128xf32, #tpu.memory_space<hbm>>) target(%arg8 : memref<128x128xf32, #tpu.memory_space<vmem>>) offsets(%dma_start3A_289 : memref<128xi32, #tpu.memory_space<vmem>>) semaphore(%arg11 : memref<!tpu.dma_semaphore, #tpu.memory_space<semaphore_mem>>)
        %dma_wait3A_293 = arith.constant 8 : i32
        %dma_wait3A_294 = arith.constant 0 : i32
        %dma_wait3A_295 = arith.constant 0 : i32
        %dma_wait3A_296 = tpu.memref_slice %arg6[%dma_wait3A_293, %dma_wait3A_294, %dma_wait3A_295] : memref<16x2x128xi32, #tpu.memory_space<vmem>> -> memref<1x1x128xi32, #tpu.memory_space<vmem>>
        %dma_wait3A_297 = tpu.memref_squeeze %dma_wait3A_296 : memref<1x1x128xi32, #tpu.memory_space<vmem>> -> memref<128xi32, #tpu.memory_space<vmem>>
        %dma_wait3A_298 = arith.constant 0 : i32
        %dma_wait3A_299 = arith.constant 0 : i32
        %dma_wait3A_300 = tpu.memref_slice %arg2[%dma_wait3A_298, %dma_wait3A_299] : memref<10240x128xf32, #tpu.memory_space<hbm>> -> memref<10240x128xf32, #tpu.memory_space<hbm>>
        tpu.wait_indirect_dma semaphore(%arg10 : memref<!tpu.dma_semaphore, #tpu.memory_space<semaphore_mem>>) src(%dma_wait3A_300 : memref<10240x128xf32, #tpu.memory_space<hbm>>) dst(%arg7 : memref<128x128xf32, #tpu.memory_space<vmem>>)
        %dma_start3A_301 = arith.constant 8 : i32
        %dma_start3A_302 = arith.constant 1 : i32
        %dma_start3A_303 = arith.constant 0 : i32
        %dma_start3A_304 = tpu.memref_slice %arg6[%dma_start3A_301, %dma_start3A_302, %dma_start3A_303] : memref<16x2x128xi32, #tpu.memory_space<vmem>> -> memref<1x1x128xi32, #tpu.memory_space<vmem>>
        %dma_start3A_305 = tpu.memref_squeeze %dma_start3A_304 : memref<1x1x128xi32, #tpu.memory_space<vmem>> -> memref<128xi32, #tpu.memory_space<vmem>>
        %dma_start3A_306 = arith.constant 0 : i32
        %dma_start3A_307 = arith.constant 0 : i32
        %dma_start3A_308 = tpu.memref_slice %arg9[%dma_start3A_306, %dma_start3A_307] : memref<10240x128xf32, #tpu.memory_space<vmem_shared>> -> memref<10240x128xf32, #tpu.memory_space<vmem_shared>>
        tpu.enqueue_indirect_dma source(%arg7 : memref<128x128xf32, #tpu.memory_space<vmem>>) target(%dma_start3A_308 : memref<10240x128xf32, #tpu.memory_space<vmem_shared>>) offsets(%dma_start3A_305 : memref<128xi32, #tpu.memory_space<vmem>>) semaphore(%arg12 : memref<!tpu.dma_semaphore, #tpu.memory_space<semaphore_mem>>) {add = true}
        %dma_wait3A_309 = arith.constant 8 : i32
        %dma_wait3A_310 = arith.constant 1 : i32
        %dma_wait3A_311 = arith.constant 0 : i32
        %dma_wait3A_312 = tpu.memref_slice %arg6[%dma_wait3A_309, %dma_wait3A_310, %dma_wait3A_311] : memref<16x2x128xi32, #tpu.memory_space<vmem>> -> memref<1x1x128xi32, #tpu.memory_space<vmem>>
        %dma_wait3A_313 = tpu.memref_squeeze %dma_wait3A_312 : memref<1x1x128xi32, #tpu.memory_space<vmem>> -> memref<128xi32, #tpu.memory_space<vmem>>
        %dma_wait3A_314 = arith.constant 0 : i32
        %dma_wait3A_315 = arith.constant 0 : i32
        %dma_wait3A_316 = tpu.memref_slice %arg9[%dma_wait3A_314, %dma_wait3A_315] : memref<10240x128xf32, #tpu.memory_space<vmem_shared>> -> memref<10240x128xf32, #tpu.memory_space<vmem_shared>>
        tpu.wait_indirect_dma semaphore(%arg12 : memref<!tpu.dma_semaphore, #tpu.memory_space<semaphore_mem>>) src(%arg7 : memref<128x128xf32, #tpu.memory_space<vmem>>) dst(%dma_wait3A_316 : memref<10240x128xf32, #tpu.memory_space<vmem_shared>>)
        %dma_start3A_317 = arith.constant 10 : i32
        %dma_start3A_318 = arith.constant 0 : i32
        %dma_start3A_319 = arith.constant 0 : i32
        %dma_start3A_320 = tpu.memref_slice %arg6[%dma_start3A_317, %dma_start3A_318, %dma_start3A_319] : memref<16x2x128xi32, #tpu.memory_space<vmem>> -> memref<1x1x128xi32, #tpu.memory_space<vmem>>
        %dma_start3A_321 = tpu.memref_squeeze %dma_start3A_320 : memref<1x1x128xi32, #tpu.memory_space<vmem>> -> memref<128xi32, #tpu.memory_space<vmem>>
        %dma_start3A_322 = arith.constant 0 : i32
        %dma_start3A_323 = arith.constant 0 : i32
        %dma_start3A_324 = tpu.memref_slice %arg2[%dma_start3A_322, %dma_start3A_323] : memref<10240x128xf32, #tpu.memory_space<hbm>> -> memref<10240x128xf32, #tpu.memory_space<hbm>>
        tpu.enqueue_indirect_dma source(%dma_start3A_324 : memref<10240x128xf32, #tpu.memory_space<hbm>>) target(%arg7 : memref<128x128xf32, #tpu.memory_space<vmem>>) offsets(%dma_start3A_321 : memref<128xi32, #tpu.memory_space<vmem>>) semaphore(%arg10 : memref<!tpu.dma_semaphore, #tpu.memory_space<semaphore_mem>>)
        %dma_wait3A_325 = arith.constant 9 : i32
        %dma_wait3A_326 = arith.constant 0 : i32
        %dma_wait3A_327 = arith.constant 0 : i32
        %dma_wait3A_328 = tpu.memref_slice %arg6[%dma_wait3A_325, %dma_wait3A_326, %dma_wait3A_327] : memref<16x2x128xi32, #tpu.memory_space<vmem>> -> memref<1x1x128xi32, #tpu.memory_space<vmem>>
        %dma_wait3A_329 = tpu.memref_squeeze %dma_wait3A_328 : memref<1x1x128xi32, #tpu.memory_space<vmem>> -> memref<128xi32, #tpu.memory_space<vmem>>
        %dma_wait3A_330 = arith.constant 0 : i32
        %dma_wait3A_331 = arith.constant 0 : i32
        %dma_wait3A_332 = tpu.memref_slice %arg2[%dma_wait3A_330, %dma_wait3A_331] : memref<10240x128xf32, #tpu.memory_space<hbm>> -> memref<10240x128xf32, #tpu.memory_space<hbm>>
        tpu.wait_indirect_dma semaphore(%arg11 : memref<!tpu.dma_semaphore, #tpu.memory_space<semaphore_mem>>) src(%dma_wait3A_332 : memref<10240x128xf32, #tpu.memory_space<hbm>>) dst(%arg8 : memref<128x128xf32, #tpu.memory_space<vmem>>)
        %dma_start3A_333 = arith.constant 9 : i32
        %dma_start3A_334 = arith.constant 1 : i32
        %dma_start3A_335 = arith.constant 0 : i32
        %dma_start3A_336 = tpu.memref_slice %arg6[%dma_start3A_333, %dma_start3A_334, %dma_start3A_335] : memref<16x2x128xi32, #tpu.memory_space<vmem>> -> memref<1x1x128xi32, #tpu.memory_space<vmem>>
        %dma_start3A_337 = tpu.memref_squeeze %dma_start3A_336 : memref<1x1x128xi32, #tpu.memory_space<vmem>> -> memref<128xi32, #tpu.memory_space<vmem>>
        %dma_start3A_338 = arith.constant 0 : i32
        %dma_start3A_339 = arith.constant 0 : i32
        %dma_start3A_340 = tpu.memref_slice %arg9[%dma_start3A_338, %dma_start3A_339] : memref<10240x128xf32, #tpu.memory_space<vmem_shared>> -> memref<10240x128xf32, #tpu.memory_space<vmem_shared>>
        tpu.enqueue_indirect_dma source(%arg8 : memref<128x128xf32, #tpu.memory_space<vmem>>) target(%dma_start3A_340 : memref<10240x128xf32, #tpu.memory_space<vmem_shared>>) offsets(%dma_start3A_337 : memref<128xi32, #tpu.memory_space<vmem>>) semaphore(%arg13 : memref<!tpu.dma_semaphore, #tpu.memory_space<semaphore_mem>>) {add = true}
        %dma_wait3A_341 = arith.constant 9 : i32
        %dma_wait3A_342 = arith.constant 1 : i32
        %dma_wait3A_343 = arith.constant 0 : i32
        %dma_wait3A_344 = tpu.memref_slice %arg6[%dma_wait3A_341, %dma_wait3A_342, %dma_wait3A_343] : memref<16x2x128xi32, #tpu.memory_space<vmem>> -> memref<1x1x128xi32, #tpu.memory_space<vmem>>
        %dma_wait3A_345 = tpu.memref_squeeze %dma_wait3A_344 : memref<1x1x128xi32, #tpu.memory_space<vmem>> -> memref<128xi32, #tpu.memory_space<vmem>>
        %dma_wait3A_346 = arith.constant 0 : i32
        %dma_wait3A_347 = arith.constant 0 : i32
        %dma_wait3A_348 = tpu.memref_slice %arg9[%dma_wait3A_346, %dma_wait3A_347] : memref<10240x128xf32, #tpu.memory_space<vmem_shared>> -> memref<10240x128xf32, #tpu.memory_space<vmem_shared>>
        tpu.wait_indirect_dma semaphore(%arg13 : memref<!tpu.dma_semaphore, #tpu.memory_space<semaphore_mem>>) src(%arg8 : memref<128x128xf32, #tpu.memory_space<vmem>>) dst(%dma_wait3A_348 : memref<10240x128xf32, #tpu.memory_space<vmem_shared>>)
        %dma_start3A_349 = arith.constant 11 : i32
        %dma_start3A_350 = arith.constant 0 : i32
        %dma_start3A_351 = arith.constant 0 : i32
        %dma_start3A_352 = tpu.memref_slice %arg6[%dma_start3A_349, %dma_start3A_350, %dma_start3A_351] : memref<16x2x128xi32, #tpu.memory_space<vmem>> -> memref<1x1x128xi32, #tpu.memory_space<vmem>>
        %dma_start3A_353 = tpu.memref_squeeze %dma_start3A_352 : memref<1x1x128xi32, #tpu.memory_space<vmem>> -> memref<128xi32, #tpu.memory_space<vmem>>
        %dma_start3A_354 = arith.constant 0 : i32
        %dma_start3A_355 = arith.constant 0 : i32
        %dma_start3A_356 = tpu.memref_slice %arg2[%dma_start3A_354, %dma_start3A_355] : memref<10240x128xf32, #tpu.memory_space<hbm>> -> memref<10240x128xf32, #tpu.memory_space<hbm>>
        tpu.enqueue_indirect_dma source(%dma_start3A_356 : memref<10240x128xf32, #tpu.memory_space<hbm>>) target(%arg8 : memref<128x128xf32, #tpu.memory_space<vmem>>) offsets(%dma_start3A_353 : memref<128xi32, #tpu.memory_space<vmem>>) semaphore(%arg11 : memref<!tpu.dma_semaphore, #tpu.memory_space<semaphore_mem>>)
        %dma_wait3A_357 = arith.constant 10 : i32
        %dma_wait3A_358 = arith.constant 0 : i32
        %dma_wait3A_359 = arith.constant 0 : i32
        %dma_wait3A_360 = tpu.memref_slice %arg6[%dma_wait3A_357, %dma_wait3A_358, %dma_wait3A_359] : memref<16x2x128xi32, #tpu.memory_space<vmem>> -> memref<1x1x128xi32, #tpu.memory_space<vmem>>
        %dma_wait3A_361 = tpu.memref_squeeze %dma_wait3A_360 : memref<1x1x128xi32, #tpu.memory_space<vmem>> -> memref<128xi32, #tpu.memory_space<vmem>>
        %dma_wait3A_362 = arith.constant 0 : i32
        %dma_wait3A_363 = arith.constant 0 : i32
        %dma_wait3A_364 = tpu.memref_slice %arg2[%dma_wait3A_362, %dma_wait3A_363] : memref<10240x128xf32, #tpu.memory_space<hbm>> -> memref<10240x128xf32, #tpu.memory_space<hbm>>
        tpu.wait_indirect_dma semaphore(%arg10 : memref<!tpu.dma_semaphore, #tpu.memory_space<semaphore_mem>>) src(%dma_wait3A_364 : memref<10240x128xf32, #tpu.memory_space<hbm>>) dst(%arg7 : memref<128x128xf32, #tpu.memory_space<vmem>>)
        %dma_start3A_365 = arith.constant 10 : i32
        %dma_start3A_366 = arith.constant 1 : i32
        %dma_start3A_367 = arith.constant 0 : i32
        %dma_start3A_368 = tpu.memref_slice %arg6[%dma_start3A_365, %dma_start3A_366, %dma_start3A_367] : memref<16x2x128xi32, #tpu.memory_space<vmem>> -> memref<1x1x128xi32, #tpu.memory_space<vmem>>
        %dma_start3A_369 = tpu.memref_squeeze %dma_start3A_368 : memref<1x1x128xi32, #tpu.memory_space<vmem>> -> memref<128xi32, #tpu.memory_space<vmem>>
        %dma_start3A_370 = arith.constant 0 : i32
        %dma_start3A_371 = arith.constant 0 : i32
        %dma_start3A_372 = tpu.memref_slice %arg9[%dma_start3A_370, %dma_start3A_371] : memref<10240x128xf32, #tpu.memory_space<vmem_shared>> -> memref<10240x128xf32, #tpu.memory_space<vmem_shared>>
        tpu.enqueue_indirect_dma source(%arg7 : memref<128x128xf32, #tpu.memory_space<vmem>>) target(%dma_start3A_372 : memref<10240x128xf32, #tpu.memory_space<vmem_shared>>) offsets(%dma_start3A_369 : memref<128xi32, #tpu.memory_space<vmem>>) semaphore(%arg12 : memref<!tpu.dma_semaphore, #tpu.memory_space<semaphore_mem>>) {add = true}
        %dma_wait3A_373 = arith.constant 10 : i32
        %dma_wait3A_374 = arith.constant 1 : i32
        %dma_wait3A_375 = arith.constant 0 : i32
        %dma_wait3A_376 = tpu.memref_slice %arg6[%dma_wait3A_373, %dma_wait3A_374, %dma_wait3A_375] : memref<16x2x128xi32, #tpu.memory_space<vmem>> -> memref<1x1x128xi32, #tpu.memory_space<vmem>>
        %dma_wait3A_377 = tpu.memref_squeeze %dma_wait3A_376 : memref<1x1x128xi32, #tpu.memory_space<vmem>> -> memref<128xi32, #tpu.memory_space<vmem>>
        %dma_wait3A_378 = arith.constant 0 : i32
        %dma_wait3A_379 = arith.constant 0 : i32
        %dma_wait3A_380 = tpu.memref_slice %arg9[%dma_wait3A_378, %dma_wait3A_379] : memref<10240x128xf32, #tpu.memory_space<vmem_shared>> -> memref<10240x128xf32, #tpu.memory_space<vmem_shared>>
        tpu.wait_indirect_dma semaphore(%arg12 : memref<!tpu.dma_semaphore, #tpu.memory_space<semaphore_mem>>) src(%arg7 : memref<128x128xf32, #tpu.memory_space<vmem>>) dst(%dma_wait3A_380 : memref<10240x128xf32, #tpu.memory_space<vmem_shared>>)
        %dma_start3A_381 = arith.constant 12 : i32
        %dma_start3A_382 = arith.constant 0 : i32
        %dma_start3A_383 = arith.constant 0 : i32
        %dma_start3A_384 = tpu.memref_slice %arg6[%dma_start3A_381, %dma_start3A_382, %dma_start3A_383] : memref<16x2x128xi32, #tpu.memory_space<vmem>> -> memref<1x1x128xi32, #tpu.memory_space<vmem>>
        %dma_start3A_385 = tpu.memref_squeeze %dma_start3A_384 : memref<1x1x128xi32, #tpu.memory_space<vmem>> -> memref<128xi32, #tpu.memory_space<vmem>>
        %dma_start3A_386 = arith.constant 0 : i32
        %dma_start3A_387 = arith.constant 0 : i32
        %dma_start3A_388 = tpu.memref_slice %arg2[%dma_start3A_386, %dma_start3A_387] : memref<10240x128xf32, #tpu.memory_space<hbm>> -> memref<10240x128xf32, #tpu.memory_space<hbm>>
        tpu.enqueue_indirect_dma source(%dma_start3A_388 : memref<10240x128xf32, #tpu.memory_space<hbm>>) target(%arg7 : memref<128x128xf32, #tpu.memory_space<vmem>>) offsets(%dma_start3A_385 : memref<128xi32, #tpu.memory_space<vmem>>) semaphore(%arg10 : memref<!tpu.dma_semaphore, #tpu.memory_space<semaphore_mem>>)
        %dma_wait3A_389 = arith.constant 11 : i32
        %dma_wait3A_390 = arith.constant 0 : i32
        %dma_wait3A_391 = arith.constant 0 : i32
        %dma_wait3A_392 = tpu.memref_slice %arg6[%dma_wait3A_389, %dma_wait3A_390, %dma_wait3A_391] : memref<16x2x128xi32, #tpu.memory_space<vmem>> -> memref<1x1x128xi32, #tpu.memory_space<vmem>>
        %dma_wait3A_393 = tpu.memref_squeeze %dma_wait3A_392 : memref<1x1x128xi32, #tpu.memory_space<vmem>> -> memref<128xi32, #tpu.memory_space<vmem>>
        %dma_wait3A_394 = arith.constant 0 : i32
        %dma_wait3A_395 = arith.constant 0 : i32
        %dma_wait3A_396 = tpu.memref_slice %arg2[%dma_wait3A_394, %dma_wait3A_395] : memref<10240x128xf32, #tpu.memory_space<hbm>> -> memref<10240x128xf32, #tpu.memory_space<hbm>>
        tpu.wait_indirect_dma semaphore(%arg11 : memref<!tpu.dma_semaphore, #tpu.memory_space<semaphore_mem>>) src(%dma_wait3A_396 : memref<10240x128xf32, #tpu.memory_space<hbm>>) dst(%arg8 : memref<128x128xf32, #tpu.memory_space<vmem>>)
        %dma_start3A_397 = arith.constant 11 : i32
        %dma_start3A_398 = arith.constant 1 : i32
        %dma_start3A_399 = arith.constant 0 : i32
        %dma_start3A_400 = tpu.memref_slice %arg6[%dma_start3A_397, %dma_start3A_398, %dma_start3A_399] : memref<16x2x128xi32, #tpu.memory_space<vmem>> -> memref<1x1x128xi32, #tpu.memory_space<vmem>>
        %dma_start3A_401 = tpu.memref_squeeze %dma_start3A_400 : memref<1x1x128xi32, #tpu.memory_space<vmem>> -> memref<128xi32, #tpu.memory_space<vmem>>
        %dma_start3A_402 = arith.constant 0 : i32
        %dma_start3A_403 = arith.constant 0 : i32
        %dma_start3A_404 = tpu.memref_slice %arg9[%dma_start3A_402, %dma_start3A_403] : memref<10240x128xf32, #tpu.memory_space<vmem_shared>> -> memref<10240x128xf32, #tpu.memory_space<vmem_shared>>
        tpu.enqueue_indirect_dma source(%arg8 : memref<128x128xf32, #tpu.memory_space<vmem>>) target(%dma_start3A_404 : memref<10240x128xf32, #tpu.memory_space<vmem_shared>>) offsets(%dma_start3A_401 : memref<128xi32, #tpu.memory_space<vmem>>) semaphore(%arg13 : memref<!tpu.dma_semaphore, #tpu.memory_space<semaphore_mem>>) {add = true}
        %dma_wait3A_405 = arith.constant 11 : i32
        %dma_wait3A_406 = arith.constant 1 : i32
        %dma_wait3A_407 = arith.constant 0 : i32
        %dma_wait3A_408 = tpu.memref_slice %arg6[%dma_wait3A_405, %dma_wait3A_406, %dma_wait3A_407] : memref<16x2x128xi32, #tpu.memory_space<vmem>> -> memref<1x1x128xi32, #tpu.memory_space<vmem>>
        %dma_wait3A_409 = tpu.memref_squeeze %dma_wait3A_408 : memref<1x1x128xi32, #tpu.memory_space<vmem>> -> memref<128xi32, #tpu.memory_space<vmem>>
        %dma_wait3A_410 = arith.constant 0 : i32
        %dma_wait3A_411 = arith.constant 0 : i32
        %dma_wait3A_412 = tpu.memref_slice %arg9[%dma_wait3A_410, %dma_wait3A_411] : memref<10240x128xf32, #tpu.memory_space<vmem_shared>> -> memref<10240x128xf32, #tpu.memory_space<vmem_shared>>
        tpu.wait_indirect_dma semaphore(%arg13 : memref<!tpu.dma_semaphore, #tpu.memory_space<semaphore_mem>>) src(%arg8 : memref<128x128xf32, #tpu.memory_space<vmem>>) dst(%dma_wait3A_412 : memref<10240x128xf32, #tpu.memory_space<vmem_shared>>)
        %dma_start3A_413 = arith.constant 13 : i32
        %dma_start3A_414 = arith.constant 0 : i32
        %dma_start3A_415 = arith.constant 0 : i32
        %dma_start3A_416 = tpu.memref_slice %arg6[%dma_start3A_413, %dma_start3A_414, %dma_start3A_415] : memref<16x2x128xi32, #tpu.memory_space<vmem>> -> memref<1x1x128xi32, #tpu.memory_space<vmem>>
        %dma_start3A_417 = tpu.memref_squeeze %dma_start3A_416 : memref<1x1x128xi32, #tpu.memory_space<vmem>> -> memref<128xi32, #tpu.memory_space<vmem>>
        %dma_start3A_418 = arith.constant 0 : i32
        %dma_start3A_419 = arith.constant 0 : i32
        %dma_start3A_420 = tpu.memref_slice %arg2[%dma_start3A_418, %dma_start3A_419] : memref<10240x128xf32, #tpu.memory_space<hbm>> -> memref<10240x128xf32, #tpu.memory_space<hbm>>
        tpu.enqueue_indirect_dma source(%dma_start3A_420 : memref<10240x128xf32, #tpu.memory_space<hbm>>) target(%arg8 : memref<128x128xf32, #tpu.memory_space<vmem>>) offsets(%dma_start3A_417 : memref<128xi32, #tpu.memory_space<vmem>>) semaphore(%arg11 : memref<!tpu.dma_semaphore, #tpu.memory_space<semaphore_mem>>)
        %dma_wait3A_421 = arith.constant 12 : i32
        %dma_wait3A_422 = arith.constant 0 : i32
        %dma_wait3A_423 = arith.constant 0 : i32
        %dma_wait3A_424 = tpu.memref_slice %arg6[%dma_wait3A_421, %dma_wait3A_422, %dma_wait3A_423] : memref<16x2x128xi32, #tpu.memory_space<vmem>> -> memref<1x1x128xi32, #tpu.memory_space<vmem>>
        %dma_wait3A_425 = tpu.memref_squeeze %dma_wait3A_424 : memref<1x1x128xi32, #tpu.memory_space<vmem>> -> memref<128xi32, #tpu.memory_space<vmem>>
        %dma_wait3A_426 = arith.constant 0 : i32
        %dma_wait3A_427 = arith.constant 0 : i32
        %dma_wait3A_428 = tpu.memref_slice %arg2[%dma_wait3A_426, %dma_wait3A_427] : memref<10240x128xf32, #tpu.memory_space<hbm>> -> memref<10240x128xf32, #tpu.memory_space<hbm>>
        tpu.wait_indirect_dma semaphore(%arg10 : memref<!tpu.dma_semaphore, #tpu.memory_space<semaphore_mem>>) src(%dma_wait3A_428 : memref<10240x128xf32, #tpu.memory_space<hbm>>) dst(%arg7 : memref<128x128xf32, #tpu.memory_space<vmem>>)
        %dma_start3A_429 = arith.constant 12 : i32
        %dma_start3A_430 = arith.constant 1 : i32
        %dma_start3A_431 = arith.constant 0 : i32
        %dma_start3A_432 = tpu.memref_slice %arg6[%dma_start3A_429, %dma_start3A_430, %dma_start3A_431] : memref<16x2x128xi32, #tpu.memory_space<vmem>> -> memref<1x1x128xi32, #tpu.memory_space<vmem>>
        %dma_start3A_433 = tpu.memref_squeeze %dma_start3A_432 : memref<1x1x128xi32, #tpu.memory_space<vmem>> -> memref<128xi32, #tpu.memory_space<vmem>>
        %dma_start3A_434 = arith.constant 0 : i32
        %dma_start3A_435 = arith.constant 0 : i32
        %dma_start3A_436 = tpu.memref_slice %arg9[%dma_start3A_434, %dma_start3A_435] : memref<10240x128xf32, #tpu.memory_space<vmem_shared>> -> memref<10240x128xf32, #tpu.memory_space<vmem_shared>>
        tpu.enqueue_indirect_dma source(%arg7 : memref<128x128xf32, #tpu.memory_space<vmem>>) target(%dma_start3A_436 : memref<10240x128xf32, #tpu.memory_space<vmem_shared>>) offsets(%dma_start3A_433 : memref<128xi32, #tpu.memory_space<vmem>>) semaphore(%arg12 : memref<!tpu.dma_semaphore, #tpu.memory_space<semaphore_mem>>) {add = true}
        %dma_wait3A_437 = arith.constant 12 : i32
        %dma_wait3A_438 = arith.constant 1 : i32
        %dma_wait3A_439 = arith.constant 0 : i32
        %dma_wait3A_440 = tpu.memref_slice %arg6[%dma_wait3A_437, %dma_wait3A_438, %dma_wait3A_439] : memref<16x2x128xi32, #tpu.memory_space<vmem>> -> memref<1x1x128xi32, #tpu.memory_space<vmem>>
        %dma_wait3A_441 = tpu.memref_squeeze %dma_wait3A_440 : memref<1x1x128xi32, #tpu.memory_space<vmem>> -> memref<128xi32, #tpu.memory_space<vmem>>
        %dma_wait3A_442 = arith.constant 0 : i32
        %dma_wait3A_443 = arith.constant 0 : i32
        %dma_wait3A_444 = tpu.memref_slice %arg9[%dma_wait3A_442, %dma_wait3A_443] : memref<10240x128xf32, #tpu.memory_space<vmem_shared>> -> memref<10240x128xf32, #tpu.memory_space<vmem_shared>>
        tpu.wait_indirect_dma semaphore(%arg12 : memref<!tpu.dma_semaphore, #tpu.memory_space<semaphore_mem>>) src(%arg7 : memref<128x128xf32, #tpu.memory_space<vmem>>) dst(%dma_wait3A_444 : memref<10240x128xf32, #tpu.memory_space<vmem_shared>>)
        %dma_start3A_445 = arith.constant 14 : i32
        %dma_start3A_446 = arith.constant 0 : i32
        %dma_start3A_447 = arith.constant 0 : i32
        %dma_start3A_448 = tpu.memref_slice %arg6[%dma_start3A_445, %dma_start3A_446, %dma_start3A_447] : memref<16x2x128xi32, #tpu.memory_space<vmem>> -> memref<1x1x128xi32, #tpu.memory_space<vmem>>
        %dma_start3A_449 = tpu.memref_squeeze %dma_start3A_448 : memref<1x1x128xi32, #tpu.memory_space<vmem>> -> memref<128xi32, #tpu.memory_space<vmem>>
        %dma_start3A_450 = arith.constant 0 : i32
        %dma_start3A_451 = arith.constant 0 : i32
        %dma_start3A_452 = tpu.memref_slice %arg2[%dma_start3A_450, %dma_start3A_451] : memref<10240x128xf32, #tpu.memory_space<hbm>> -> memref<10240x128xf32, #tpu.memory_space<hbm>>
        tpu.enqueue_indirect_dma source(%dma_start3A_452 : memref<10240x128xf32, #tpu.memory_space<hbm>>) target(%arg7 : memref<128x128xf32, #tpu.memory_space<vmem>>) offsets(%dma_start3A_449 : memref<128xi32, #tpu.memory_space<vmem>>) semaphore(%arg10 : memref<!tpu.dma_semaphore, #tpu.memory_space<semaphore_mem>>)
        %dma_wait3A_453 = arith.constant 13 : i32
        %dma_wait3A_454 = arith.constant 0 : i32
        %dma_wait3A_455 = arith.constant 0 : i32
        %dma_wait3A_456 = tpu.memref_slice %arg6[%dma_wait3A_453, %dma_wait3A_454, %dma_wait3A_455] : memref<16x2x128xi32, #tpu.memory_space<vmem>> -> memref<1x1x128xi32, #tpu.memory_space<vmem>>
        %dma_wait3A_457 = tpu.memref_squeeze %dma_wait3A_456 : memref<1x1x128xi32, #tpu.memory_space<vmem>> -> memref<128xi32, #tpu.memory_space<vmem>>
        %dma_wait3A_458 = arith.constant 0 : i32
        %dma_wait3A_459 = arith.constant 0 : i32
        %dma_wait3A_460 = tpu.memref_slice %arg2[%dma_wait3A_458, %dma_wait3A_459] : memref<10240x128xf32, #tpu.memory_space<hbm>> -> memref<10240x128xf32, #tpu.memory_space<hbm>>
        tpu.wait_indirect_dma semaphore(%arg11 : memref<!tpu.dma_semaphore, #tpu.memory_space<semaphore_mem>>) src(%dma_wait3A_460 : memref<10240x128xf32, #tpu.memory_space<hbm>>) dst(%arg8 : memref<128x128xf32, #tpu.memory_space<vmem>>)
        %dma_start3A_461 = arith.constant 13 : i32
        %dma_start3A_462 = arith.constant 1 : i32
        %dma_start3A_463 = arith.constant 0 : i32
        %dma_start3A_464 = tpu.memref_slice %arg6[%dma_start3A_461, %dma_start3A_462, %dma_start3A_463] : memref<16x2x128xi32, #tpu.memory_space<vmem>> -> memref<1x1x128xi32, #tpu.memory_space<vmem>>
        %dma_start3A_465 = tpu.memref_squeeze %dma_start3A_464 : memref<1x1x128xi32, #tpu.memory_space<vmem>> -> memref<128xi32, #tpu.memory_space<vmem>>
        %dma_start3A_466 = arith.constant 0 : i32
        %dma_start3A_467 = arith.constant 0 : i32
        %dma_start3A_468 = tpu.memref_slice %arg9[%dma_start3A_466, %dma_start3A_467] : memref<10240x128xf32, #tpu.memory_space<vmem_shared>> -> memref<10240x128xf32, #tpu.memory_space<vmem_shared>>
        tpu.enqueue_indirect_dma source(%arg8 : memref<128x128xf32, #tpu.memory_space<vmem>>) target(%dma_start3A_468 : memref<10240x128xf32, #tpu.memory_space<vmem_shared>>) offsets(%dma_start3A_465 : memref<128xi32, #tpu.memory_space<vmem>>) semaphore(%arg13 : memref<!tpu.dma_semaphore, #tpu.memory_space<semaphore_mem>>) {add = true}
        %dma_wait3A_469 = arith.constant 13 : i32
        %dma_wait3A_470 = arith.constant 1 : i32
        %dma_wait3A_471 = arith.constant 0 : i32
        %dma_wait3A_472 = tpu.memref_slice %arg6[%dma_wait3A_469, %dma_wait3A_470, %dma_wait3A_471] : memref<16x2x128xi32, #tpu.memory_space<vmem>> -> memref<1x1x128xi32, #tpu.memory_space<vmem>>
        %dma_wait3A_473 = tpu.memref_squeeze %dma_wait3A_472 : memref<1x1x128xi32, #tpu.memory_space<vmem>> -> memref<128xi32, #tpu.memory_space<vmem>>
        %dma_wait3A_474 = arith.constant 0 : i32
        %dma_wait3A_475 = arith.constant 0 : i32
        %dma_wait3A_476 = tpu.memref_slice %arg9[%dma_wait3A_474, %dma_wait3A_475] : memref<10240x128xf32, #tpu.memory_space<vmem_shared>> -> memref<10240x128xf32, #tpu.memory_space<vmem_shared>>
        tpu.wait_indirect_dma semaphore(%arg13 : memref<!tpu.dma_semaphore, #tpu.memory_space<semaphore_mem>>) src(%arg8 : memref<128x128xf32, #tpu.memory_space<vmem>>) dst(%dma_wait3A_476 : memref<10240x128xf32, #tpu.memory_space<vmem_shared>>)
        %dma_start3A_477 = arith.constant 15 : i32
        %dma_start3A_478 = arith.constant 0 : i32
        %dma_start3A_479 = arith.constant 0 : i32
        %dma_start3A_480 = tpu.memref_slice %arg6[%dma_start3A_477, %dma_start3A_478, %dma_start3A_479] : memref<16x2x128xi32, #tpu.memory_space<vmem>> -> memref<1x1x128xi32, #tpu.memory_space<vmem>>
        %dma_start3A_481 = tpu.memref_squeeze %dma_start3A_480 : memref<1x1x128xi32, #tpu.memory_space<vmem>> -> memref<128xi32, #tpu.memory_space<vmem>>
        %dma_start3A_482 = arith.constant 0 : i32
        %dma_start3A_483 = arith.constant 0 : i32
        %dma_start3A_484 = tpu.memref_slice %arg2[%dma_start3A_482, %dma_start3A_483] : memref<10240x128xf32, #tpu.memory_space<hbm>> -> memref<10240x128xf32, #tpu.memory_space<hbm>>
        tpu.enqueue_indirect_dma source(%dma_start3A_484 : memref<10240x128xf32, #tpu.memory_space<hbm>>) target(%arg8 : memref<128x128xf32, #tpu.memory_space<vmem>>) offsets(%dma_start3A_481 : memref<128xi32, #tpu.memory_space<vmem>>) semaphore(%arg11 : memref<!tpu.dma_semaphore, #tpu.memory_space<semaphore_mem>>)
        %dma_wait3A_485 = arith.constant 14 : i32
        %dma_wait3A_486 = arith.constant 0 : i32
        %dma_wait3A_487 = arith.constant 0 : i32
        %dma_wait3A_488 = tpu.memref_slice %arg6[%dma_wait3A_485, %dma_wait3A_486, %dma_wait3A_487] : memref<16x2x128xi32, #tpu.memory_space<vmem>> -> memref<1x1x128xi32, #tpu.memory_space<vmem>>
        %dma_wait3A_489 = tpu.memref_squeeze %dma_wait3A_488 : memref<1x1x128xi32, #tpu.memory_space<vmem>> -> memref<128xi32, #tpu.memory_space<vmem>>
        %dma_wait3A_490 = arith.constant 0 : i32
        %dma_wait3A_491 = arith.constant 0 : i32
        %dma_wait3A_492 = tpu.memref_slice %arg2[%dma_wait3A_490, %dma_wait3A_491] : memref<10240x128xf32, #tpu.memory_space<hbm>> -> memref<10240x128xf32, #tpu.memory_space<hbm>>
        tpu.wait_indirect_dma semaphore(%arg10 : memref<!tpu.dma_semaphore, #tpu.memory_space<semaphore_mem>>) src(%dma_wait3A_492 : memref<10240x128xf32, #tpu.memory_space<hbm>>) dst(%arg7 : memref<128x128xf32, #tpu.memory_space<vmem>>)
        %dma_start3A_493 = arith.constant 14 : i32
        %dma_start3A_494 = arith.constant 1 : i32
        %dma_start3A_495 = arith.constant 0 : i32
        %dma_start3A_496 = tpu.memref_slice %arg6[%dma_start3A_493, %dma_start3A_494, %dma_start3A_495] : memref<16x2x128xi32, #tpu.memory_space<vmem>> -> memref<1x1x128xi32, #tpu.memory_space<vmem>>
        %dma_start3A_497 = tpu.memref_squeeze %dma_start3A_496 : memref<1x1x128xi32, #tpu.memory_space<vmem>> -> memref<128xi32, #tpu.memory_space<vmem>>
        %dma_start3A_498 = arith.constant 0 : i32
        %dma_start3A_499 = arith.constant 0 : i32
        %dma_start3A_500 = tpu.memref_slice %arg9[%dma_start3A_498, %dma_start3A_499] : memref<10240x128xf32, #tpu.memory_space<vmem_shared>> -> memref<10240x128xf32, #tpu.memory_space<vmem_shared>>
        tpu.enqueue_indirect_dma source(%arg7 : memref<128x128xf32, #tpu.memory_space<vmem>>) target(%dma_start3A_500 : memref<10240x128xf32, #tpu.memory_space<vmem_shared>>) offsets(%dma_start3A_497 : memref<128xi32, #tpu.memory_space<vmem>>) semaphore(%arg12 : memref<!tpu.dma_semaphore, #tpu.memory_space<semaphore_mem>>) {add = true}
        %dma_wait3A_501 = arith.constant 15 : i32
        %dma_wait3A_502 = arith.constant 0 : i32
        %dma_wait3A_503 = arith.constant 0 : i32
        %dma_wait3A_504 = tpu.memref_slice %arg6[%dma_wait3A_501, %dma_wait3A_502, %dma_wait3A_503] : memref<16x2x128xi32, #tpu.memory_space<vmem>> -> memref<1x1x128xi32, #tpu.memory_space<vmem>>
        %dma_wait3A_505 = tpu.memref_squeeze %dma_wait3A_504 : memref<1x1x128xi32, #tpu.memory_space<vmem>> -> memref<128xi32, #tpu.memory_space<vmem>>
        %dma_wait3A_506 = arith.constant 0 : i32
        %dma_wait3A_507 = arith.constant 0 : i32
        %dma_wait3A_508 = tpu.memref_slice %arg2[%dma_wait3A_506, %dma_wait3A_507] : memref<10240x128xf32, #tpu.memory_space<hbm>> -> memref<10240x128xf32, #tpu.memory_space<hbm>>
        tpu.wait_indirect_dma semaphore(%arg11 : memref<!tpu.dma_semaphore, #tpu.memory_space<semaphore_mem>>) src(%dma_wait3A_508 : memref<10240x128xf32, #tpu.memory_space<hbm>>) dst(%arg8 : memref<128x128xf32, #tpu.memory_space<vmem>>)
        %dma_start3A_509 = arith.constant 15 : i32
        %dma_start3A_510 = arith.constant 1 : i32
        %dma_start3A_511 = arith.constant 0 : i32
        %dma_start3A_512 = tpu.memref_slice %arg6[%dma_start3A_509, %dma_start3A_510, %dma_start3A_511] : memref<16x2x128xi32, #tpu.memory_space<vmem>> -> memref<1x1x128xi32, #tpu.memory_space<vmem>>
        %dma_start3A_513 = tpu.memref_squeeze %dma_start3A_512 : memref<1x1x128xi32, #tpu.memory_space<vmem>> -> memref<128xi32, #tpu.memory_space<vmem>>
        %dma_start3A_514 = arith.constant 0 : i32
        %dma_start3A_515 = arith.constant 0 : i32
        %dma_start3A_516 = tpu.memref_slice %arg9[%dma_start3A_514, %dma_start3A_515] : memref<10240x128xf32, #tpu.memory_space<vmem_shared>> -> memref<10240x128xf32, #tpu.memory_space<vmem_shared>>
        tpu.enqueue_indirect_dma source(%arg8 : memref<128x128xf32, #tpu.memory_space<vmem>>) target(%dma_start3A_516 : memref<10240x128xf32, #tpu.memory_space<vmem_shared>>) offsets(%dma_start3A_513 : memref<128xi32, #tpu.memory_space<vmem>>) semaphore(%arg13 : memref<!tpu.dma_semaphore, #tpu.memory_space<semaphore_mem>>) {add = true}
        %dma_wait3A_517 = arith.constant 14 : i32
        %dma_wait3A_518 = arith.constant 1 : i32
        %dma_wait3A_519 = arith.constant 0 : i32
        %dma_wait3A_520 = tpu.memref_slice %arg6[%dma_wait3A_517, %dma_wait3A_518, %dma_wait3A_519] : memref<16x2x128xi32, #tpu.memory_space<vmem>> -> memref<1x1x128xi32, #tpu.memory_space<vmem>>
        %dma_wait3A_521 = tpu.memref_squeeze %dma_wait3A_520 : memref<1x1x128xi32, #tpu.memory_space<vmem>> -> memref<128xi32, #tpu.memory_space<vmem>>
        %dma_wait3A_522 = arith.constant 0 : i32
        %dma_wait3A_523 = arith.constant 0 : i32
        %dma_wait3A_524 = tpu.memref_slice %arg9[%dma_wait3A_522, %dma_wait3A_523] : memref<10240x128xf32, #tpu.memory_space<vmem_shared>> -> memref<10240x128xf32, #tpu.memory_space<vmem_shared>>
        tpu.wait_indirect_dma semaphore(%arg12 : memref<!tpu.dma_semaphore, #tpu.memory_space<semaphore_mem>>) src(%arg7 : memref<128x128xf32, #tpu.memory_space<vmem>>) dst(%dma_wait3A_524 : memref<10240x128xf32, #tpu.memory_space<vmem_shared>>)
        %dma_wait3A_525 = arith.constant 15 : i32
        %dma_wait3A_526 = arith.constant 1 : i32
        %dma_wait3A_527 = arith.constant 0 : i32
        %dma_wait3A_528 = tpu.memref_slice %arg6[%dma_wait3A_525, %dma_wait3A_526, %dma_wait3A_527] : memref<16x2x128xi32, #tpu.memory_space<vmem>> -> memref<1x1x128xi32, #tpu.memory_space<vmem>>
        %dma_wait3A_529 = tpu.memref_squeeze %dma_wait3A_528 : memref<1x1x128xi32, #tpu.memory_space<vmem>> -> memref<128xi32, #tpu.memory_space<vmem>>
        %dma_wait3A_530 = arith.constant 0 : i32
        %dma_wait3A_531 = arith.constant 0 : i32
        %dma_wait3A_532 = tpu.memref_slice %arg9[%dma_wait3A_530, %dma_wait3A_531] : memref<10240x128xf32, #tpu.memory_space<vmem_shared>> -> memref<10240x128xf32, #tpu.memory_space<vmem_shared>>
        tpu.wait_indirect_dma semaphore(%arg13 : memref<!tpu.dma_semaphore, #tpu.memory_space<semaphore_mem>>) src(%arg8 : memref<128x128xf32, #tpu.memory_space<vmem>>) dst(%dma_wait3A_532 : memref<10240x128xf32, #tpu.memory_space<vmem_shared>>)
      } else {
      }
    }
    %scan3A_14 = arith.constant 5 : i32
    %barrier3A_15 = arith.constant 0 : index
    tpu.barrier barrier_id(%barrier3A_15)
    "tpu.region"() ({
      %run_scoped3A = tpu.sem_alloc : memref<!tpu.dma_semaphore, #tpu.memory_space<semaphore_mem>>
      %dma_start3A = arith.constant 0 : i32
      %dma_start3A_16 = tpu.memref_slice %arg5[%arg0, %mul3A_10, %dma_start3A] : memref<2x10240x128xf32, #tpu.memory_space<hbm>> -> memref<1x640x128xf32, #tpu.memory_space<hbm>>
      %dma_start3A_17 = tpu.memref_squeeze %dma_start3A_16 : memref<1x640x128xf32, #tpu.memory_space<hbm>> -> memref<640x128xf32, #tpu.memory_space<hbm>>
      %dma_start3A_18 = arith.constant 0 : i32
      %dma_start3A_19 = tpu.memref_slice %arg9[%mul3A_10, %dma_start3A_18] : memref<10240x128xf32, #tpu.memory_space<vmem_shared>> -> memref<640x128xf32, #tpu.memory_space<vmem_shared>>
      tpu.enqueue_dma source(%dma_start3A_19 : memref<640x128xf32, #tpu.memory_space<vmem_shared>>) target(%dma_start3A_17 : memref<640x128xf32, #tpu.memory_space<hbm>>) target_semaphore(%run_scoped3A : memref<!tpu.dma_semaphore, #tpu.memory_space<semaphore_mem>>)
      %dma_wait3A = arith.constant 0 : i32
      %dma_wait3A_20 = tpu.memref_slice %arg5[%arg0, %mul3A_10, %dma_wait3A] : memref<2x10240x128xf32, #tpu.memory_space<hbm>> -> memref<1x640x128xf32, #tpu.memory_space<hbm>>
      %dma_wait3A_21 = tpu.memref_squeeze %dma_wait3A_20 : memref<1x640x128xf32, #tpu.memory_space<hbm>> -> memref<640x128xf32, #tpu.memory_space<hbm>>
      %dma_wait3A_22 = arith.constant 0 : i32
      %dma_wait3A_23 = tpu.memref_slice %arg9[%mul3A_10, %dma_wait3A_22] : memref<10240x128xf32, #tpu.memory_space<vmem_shared>> -> memref<640x128xf32, #tpu.memory_space<vmem_shared>>
      tpu.wait_dma2 semaphore(%run_scoped3A : memref<!tpu.dma_semaphore, #tpu.memory_space<semaphore_mem>>) src(%dma_wait3A_23 : memref<640x128xf32, #tpu.memory_space<vmem_shared>>) dst(%dma_wait3A_21 : memref<640x128xf32, #tpu.memory_space<hbm>>)
      tpu.yield
    }) : () -> ()
    return
  }
}

module attributes {stable_mosaic.version = 14 : i64} {
  func.func @_tc1_body(%arg0: memref<10240x128xf32, #tpu.memory_space<vmem>>, %arg1: memref<128x128xf32, #tpu.memory_space<vmem>>, %arg2: memref<128x128xf32, #tpu.memory_space<vmem>>, %arg3: memref<10240x128xf32, #tpu.memory_space<vmem>>, %arg4: memref<10240x128xf32, #tpu.memory_space<vmem>>) attributes {dimension_semantics = [], scalar_prefetch = 0 : i64, scratch_operands = 0 : i64, tpu.core_type = #tpu.core_type<tc>} {
    %get3A = arith.constant 0 : index
    %get3A_0 = arith.constant 0 : index
    %get3A_1 = vector.load %arg0[%get3A, %get3A_0] : memref<10240x128xf32, #tpu.memory_space<vmem>>, vector<10240x128xf32>
    %get3A_2 = arith.constant 0 : index
    %get3A_3 = arith.constant 0 : index
    %get3A_4 = vector.load %arg1[%get3A_2, %get3A_3] : memref<128x128xf32, #tpu.memory_space<vmem>>, vector<128x128xf32>
    %dot_general3A = arith.constant dense<0.000000e+00> : vector<10240x128xf32>
    %dot_general3A_5 = tpu.matmul %get3A_1, %get3A_4, %dot_general3A {dimension_numbers = #tpu.dot_dimension_numbers<[1], [0], [0], [1], [0, 0, 1, 1], [], []>, transpose_lhs_hint = false} : vector<10240x128xf32>, vector<128x128xf32>, vector<10240x128xf32> -> vector<10240x128xf32>
    %iota3A = tpu.iota {dimensions = array<i32: 1>} : vector<1x128xi32>
    %eq3A = arith.constant 127 : i32
    %eq3A_6 = vector.broadcast %eq3A : i32 to vector<1x128xi32>
    %eq3A_7 = arith.cmpi eq, %iota3A, %eq3A_6 : vector<1x128xi32>
    %convert_element_type3A = arith.extui %eq3A_7 : vector<1x128xi1> to vector<1x128xi32>
    %convert_element_type3A_8 = arith.sitofp %convert_element_type3A : vector<1x128xi32> to vector<1x128xf32>
    %mul3A = arith.constant 8.192000e+03 : f32
    %mul3A_9 = vector.broadcast %mul3A : f32 to vector<1x128xf32>
    %mul3A_10 = arith.mulf %mul3A_9, %convert_element_type3A_8 : vector<1x128xf32>
    %add3A = vector.broadcast %mul3A_10 : vector<1x128xf32> to vector<10240x128xf32>
    %add3A_11 = arith.addf %dot_general3A_5, %add3A : vector<10240x128xf32>
    %swap3A = arith.constant 0 : index
    %swap3A_12 = arith.constant 0 : index
    %swap3A_13 = vector.load %arg3[%swap3A, %swap3A_12] : memref<10240x128xf32, #tpu.memory_space<vmem>>, vector<10240x128xf32>
    tpu.vector_store %arg3[%swap3A, %swap3A_12], %add3A_11 {strides = array<i32>} : memref<10240x128xf32, #tpu.memory_space<vmem>>, vector<10240x128xf32>,
    %get3A_14 = arith.constant 0 : index
    %get3A_15 = arith.constant 0 : index
    %get3A_16 = vector.load %arg2[%get3A_14, %get3A_15] : memref<128x128xf32, #tpu.memory_space<vmem>>, vector<128x128xf32>
    %dot_general3A_17 = arith.constant dense<0.000000e+00> : vector<10240x128xf32>
    %dot_general3A_18 = tpu.matmul %get3A_1, %get3A_16, %dot_general3A_17 {dimension_numbers = #tpu.dot_dimension_numbers<[1], [0], [0], [1], [0, 0, 1, 1], [], []>, transpose_lhs_hint = false} : vector<10240x128xf32>, vector<128x128xf32>, vector<10240x128xf32> -> vector<10240x128xf32>
    %swap3A_19 = arith.constant 0 : index
    %swap3A_20 = arith.constant 0 : index
    %swap3A_21 = vector.load %arg4[%swap3A_19, %swap3A_20] : memref<10240x128xf32, #tpu.memory_space<vmem>>, vector<10240x128xf32>
    tpu.vector_store %arg4[%swap3A_19, %swap3A_20], %dot_general3A_18 {strides = array<i32>} : memref<10240x128xf32, #tpu.memory_space<vmem>>, vector<10240x128xf32>,
    return
  }
}

module attributes {stable_mosaic.version = 14 : i64} {
  func.func @_tc2_body(%arg0: memref<2x10240x128xf32, #tpu.memory_space<vmem>>, %arg1: memref<10240x128xf32, #tpu.memory_space<vmem>>, %arg2: memref<1x128xf32, #tpu.memory_space<vmem>>, %arg3: memref<128x128xf32, #tpu.memory_space<vmem>>, %arg4: memref<128x128xf32, #tpu.memory_space<vmem>>, %arg5: memref<10240x128xf32, #tpu.memory_space<vmem>>, %arg6: memref<10240x128xf32, #tpu.memory_space<vmem>>, %arg7: memref<10240x128xf32, #tpu.memory_space<vmem>>, %arg8: memref<10240x1xf32, #tpu.memory_space<vmem>>) attributes {dimension_semantics = [], scalar_prefetch = 0 : i64, scratch_operands = 0 : i64, tpu.core_type = #tpu.core_type<tc>} {
    %get3A = arith.constant 0 : index
    %get3A_0 = arith.constant 0 : index
    %get3A_1 = arith.constant 0 : index
    %get3A_2 = vector.load %arg0[%get3A, %get3A_0, %get3A_1] : memref<2x10240x128xf32, #tpu.memory_space<vmem>>, vector<1x10240x128xf32>
    %get3A_3 = vector.shape_cast %get3A_2 : vector<1x10240x128xf32> to vector<10240x128xf32>
    %get3A_4 = arith.constant 1 : index
    %get3A_5 = arith.constant 0 : index
    %get3A_6 = arith.constant 0 : index
    %get3A_7 = vector.load %arg0[%get3A_4, %get3A_5, %get3A_6] : memref<2x10240x128xf32, #tpu.memory_space<vmem>>, vector<1x10240x128xf32>
    %get3A_8 = vector.shape_cast %get3A_7 : vector<1x10240x128xf32> to vector<10240x128xf32>
    %add3A = arith.addf %get3A_3, %get3A_8 : vector<10240x128xf32>
    %slice3A = vector.extract_strided_slice %add3A {offsets = [0, 127], sizes = [10240, 1], strides = [1, 1]} : vector<10240x128xf32> to vector<10240x1xf32>
    %mul3A = arith.constant 1.22070313E-4 : f32
    %mul3A_9 = vector.broadcast %mul3A : f32 to vector<10240x1xf32>
    %mul3A_10 = arith.mulf %slice3A, %mul3A_9 : vector<10240x1xf32>
    %round3A = math.roundeven %mul3A_10 : vector<10240x1xf32>
    %iota3A = tpu.iota {dimensions = array<i32: 1>} : vector<1x128xi32>
    %eq3A = arith.constant 127 : i32
    %eq3A_11 = vector.broadcast %eq3A : i32 to vector<1x128xi32>
    %eq3A_12 = arith.cmpi eq, %iota3A, %eq3A_11 : vector<1x128xi32>
    %convert_element_type3A = arith.extui %eq3A_12 : vector<1x128xi1> to vector<1x128xi32>
    %convert_element_type3A_13 = arith.sitofp %convert_element_type3A : vector<1x128xi32> to vector<1x128xf32>
    %mul3A_14 = arith.constant 8.192000e+03 : f32
    %mul3A_15 = vector.broadcast %mul3A_14 : f32 to vector<10240x1xf32>
    %mul3A_16 = arith.mulf %mul3A_15, %round3A : vector<10240x1xf32>
    %mul3A_17 = vector.broadcast %convert_element_type3A_13 : vector<1x128xf32> to vector<10240x128xf32>
    %mul3A_18 = vector.broadcast %mul3A_16 : vector<10240x1xf32> to vector<10240x128xf32>
    %mul3A_19 = arith.mulf %mul3A_17, %mul3A_18 : vector<10240x128xf32>
    %sub3A = arith.subf %add3A, %mul3A_19 : vector<10240x128xf32>
    %max3A = arith.constant 1.000000e+00 : f32
    %max3A_20 = vector.broadcast %max3A : f32 to vector<10240x1xf32>
    %max3A_21 = arith.maximumf %round3A, %max3A_20 : vector<10240x1xf32>
    %div3A = vector.broadcast %max3A_21 : vector<10240x1xf32> to vector<10240x128xf32>
    %div3A_22 = arith.divf %sub3A, %div3A : vector<10240x128xf32>
    %get3A_23 = arith.constant 0 : index
    %get3A_24 = arith.constant 0 : index
    %get3A_25 = vector.load %arg2[%get3A_23, %get3A_24] : memref<1x128xf32, #tpu.memory_space<vmem>>, vector<1x128xf32>
    %add3A_26 = vector.broadcast %get3A_25 : vector<1x128xf32> to vector<10240x128xf32>
    %add3A_27 = arith.addf %div3A_22, %add3A_26 : vector<10240x128xf32>
    %get3A_28 = arith.constant 0 : index
    %get3A_29 = arith.constant 0 : index
    %get3A_30 = vector.load %arg1[%get3A_28, %get3A_29] : memref<10240x128xf32, #tpu.memory_space<vmem>>, vector<10240x128xf32>
    %add3A_31 = arith.addf %add3A_27, %get3A_30 : vector<10240x128xf32>
    %max3A_32 = arith.constant 0.000000e+00 : f32
    %max3A_33 = vector.broadcast %max3A_32 : f32 to vector<10240x128xf32>
    %max3A_34 = arith.maximumf %add3A_31, %max3A_33 : vector<10240x128xf32>
    %swap3A = arith.constant 0 : index
    %swap3A_35 = arith.constant 0 : index
    %swap3A_36 = vector.load %arg5[%swap3A, %swap3A_35] : memref<10240x128xf32, #tpu.memory_space<vmem>>, vector<10240x128xf32>
    tpu.vector_store %arg5[%swap3A, %swap3A_35], %max3A_34 {strides = array<i32>} : memref<10240x128xf32, #tpu.memory_space<vmem>>, vector<10240x128xf32>,
    %get3A_37 = arith.constant 0 : index
    %get3A_38 = arith.constant 0 : index
    %get3A_39 = vector.load %arg3[%get3A_37, %get3A_38] : memref<128x128xf32, #tpu.memory_space<vmem>>, vector<128x128xf32>
    %dot_general3A = arith.constant dense<0.000000e+00> : vector<10240x128xf32>
    %dot_general3A_40 = tpu.matmul %max3A_34, %get3A_39, %dot_general3A {dimension_numbers = #tpu.dot_dimension_numbers<[1], [0], [0], [1], [0, 0, 1, 1], [], []>, transpose_lhs_hint = false} : vector<10240x128xf32>, vector<128x128xf32>, vector<10240x128xf32> -> vector<10240x128xf32>
    %swap3A_41 = arith.constant 0 : index
    %swap3A_42 = arith.constant 0 : index
    %swap3A_43 = vector.load %arg6[%swap3A_41, %swap3A_42] : memref<10240x128xf32, #tpu.memory_space<vmem>>, vector<10240x128xf32>
    tpu.vector_store %arg6[%swap3A_41, %swap3A_42], %dot_general3A_40 {strides = array<i32>} : memref<10240x128xf32, #tpu.memory_space<vmem>>, vector<10240x128xf32>,
    %get3A_44 = arith.constant 0 : index
    %get3A_45 = arith.constant 0 : index
    %get3A_46 = vector.load %arg4[%get3A_44, %get3A_45] : memref<128x128xf32, #tpu.memory_space<vmem>>, vector<128x128xf32>
    %dot_general3A_47 = arith.constant dense<0.000000e+00> : vector<10240x128xf32>
    %dot_general3A_48 = tpu.matmul %max3A_34, %get3A_46, %dot_general3A_47 {dimension_numbers = #tpu.dot_dimension_numbers<[1], [0], [0], [1], [0, 0, 1, 1], [], []>, transpose_lhs_hint = false} : vector<10240x128xf32>, vector<128x128xf32>, vector<10240x128xf32> -> vector<10240x128xf32>
    %swap3A_49 = arith.constant 0 : index
    %swap3A_50 = arith.constant 0 : index
    %swap3A_51 = vector.load %arg7[%swap3A_49, %swap3A_50] : memref<10240x128xf32, #tpu.memory_space<vmem>>, vector<10240x128xf32>
    tpu.vector_store %arg7[%swap3A_49, %swap3A_50], %dot_general3A_48 {strides = array<i32>} : memref<10240x128xf32, #tpu.memory_space<vmem>>, vector<10240x128xf32>,
    %swap3A_52 = arith.constant 0 : index
    %swap3A_53 = arith.constant 0 : index
    %swap3A_54 = vector.load %arg8[%swap3A_52, %swap3A_53] : memref<10240x1xf32, #tpu.memory_space<vmem>>, vector<10240x1xf32>
    tpu.vector_store %arg8[%swap3A_52, %swap3A_53], %round3A {strides = array<i32>} : memref<10240x1xf32, #tpu.memory_space<vmem>>, vector<10240x1xf32>,
    return
  }
}

module attributes {stable_mosaic.version = 14 : i64} {
  func.func @_tc3_body(%arg0: memref<2x10240x128xf32, #tpu.memory_space<vmem>>, %arg1: memref<10240x1xf32, #tpu.memory_space<vmem>>, %arg2: memref<10240x128xf32, #tpu.memory_space<vmem>>, %arg3: memref<1x128xf32, #tpu.memory_space<vmem>>, %arg4: memref<10240x128xf32, #tpu.memory_space<vmem>>, %arg5: memref<1x10240xi32, #tpu.memory_space<vmem>>, %arg6: memref<10240x1xf32, #tpu.memory_space<vmem>>, %arg7: memref<256x128xf32, #tpu.memory_space<vmem>>, %arg8: memref<1x128xf32, #tpu.memory_space<vmem>>, %arg9: memref<128x10xf32, #tpu.memory_space<vmem>>, %arg10: memref<1x10xf32, #tpu.memory_space<vmem>>, %arg11: memref<128x32xf32, #tpu.memory_space<vmem>>, %arg12: memref<1x32xf32, #tpu.memory_space<vmem>>, %arg13: memref<128x1xf32, #tpu.memory_space<vmem>>, %arg14: memref<1x1xf32, #tpu.memory_space<vmem>>, %arg15: memref<64x10xf32, #tpu.memory_space<vmem>>, %arg16: memref<64x32xf32, #tpu.memory_space<vmem>>, %arg17: memref<1x1xf32, #tpu.memory_space<vmem>>) attributes {dimension_semantics = [], scalar_prefetch = 0 : i64, scratch_operands = 0 : i64, tpu.core_type = #tpu.core_type<tc>} {
    %get3A = arith.constant 0 : index
    %get3A_0 = arith.constant 0 : index
    %get3A_1 = arith.constant 0 : index
    %get3A_2 = vector.load %arg0[%get3A, %get3A_0, %get3A_1] : memref<2x10240x128xf32, #tpu.memory_space<vmem>>, vector<1x10240x128xf32>
    %get3A_3 = vector.shape_cast %get3A_2 : vector<1x10240x128xf32> to vector<10240x128xf32>
    %get3A_4 = arith.constant 1 : index
    %get3A_5 = arith.constant 0 : index
    %get3A_6 = arith.constant 0 : index
    %get3A_7 = vector.load %arg0[%get3A_4, %get3A_5, %get3A_6] : memref<2x10240x128xf32, #tpu.memory_space<vmem>>, vector<1x10240x128xf32>
    %get3A_8 = vector.shape_cast %get3A_7 : vector<1x10240x128xf32> to vector<10240x128xf32>
    %add3A = arith.addf %get3A_3, %get3A_8 : vector<10240x128xf32>
    %get3A_9 = arith.constant 0 : index
    %get3A_10 = arith.constant 0 : index
    %get3A_11 = vector.load %arg1[%get3A_9, %get3A_10] : memref<10240x1xf32, #tpu.memory_space<vmem>>, vector<10240x1xf32>
    %max3A = arith.constant 1.000000e+00 : f32
    %max3A_12 = vector.broadcast %max3A : f32 to vector<10240x1xf32>
    %max3A_13 = arith.maximumf %get3A_11, %max3A_12 : vector<10240x1xf32>
    %div3A = vector.broadcast %max3A_13 : vector<10240x1xf32> to vector<10240x128xf32>
    %div3A_14 = arith.divf %add3A, %div3A : vector<10240x128xf32>
    %get3A_15 = arith.constant 0 : index
    %get3A_16 = arith.constant 0 : index
    %get3A_17 = vector.load %arg3[%get3A_15, %get3A_16] : memref<1x128xf32, #tpu.memory_space<vmem>>, vector<1x128xf32>
    %add3A_18 = vector.broadcast %get3A_17 : vector<1x128xf32> to vector<10240x128xf32>
    %add3A_19 = arith.addf %div3A_14, %add3A_18 : vector<10240x128xf32>
    %get3A_20 = arith.constant 0 : index
    %get3A_21 = arith.constant 0 : index
    %get3A_22 = vector.load %arg2[%get3A_20, %get3A_21] : memref<10240x128xf32, #tpu.memory_space<vmem>>, vector<10240x128xf32>
    %add3A_23 = arith.addf %add3A_19, %get3A_22 : vector<10240x128xf32>
    %max3A_24 = arith.constant 0.000000e+00 : f32
    %max3A_25 = vector.broadcast %max3A_24 : f32 to vector<10240x128xf32>
    %max3A_26 = arith.maximumf %add3A_23, %max3A_25 : vector<10240x128xf32>
    %get3A_27 = arith.constant 0 : index
    %get3A_28 = arith.constant 0 : index
    %get3A_29 = vector.load %arg4[%get3A_27, %get3A_28] : memref<10240x128xf32, #tpu.memory_space<vmem>>, vector<10240x128xf32>
    %iota3A = tpu.iota {dimensions = array<i32: 0>} : vector<64x10240xi32>
    %get3A_30 = arith.constant 0 : index
    %get3A_31 = arith.constant 0 : index
    %get3A_32 = vector.load %arg5[%get3A_30, %get3A_31] : memref<1x10240xi32, #tpu.memory_space<vmem>>, vector<1x10240xi32>
    %eq3A = vector.broadcast %get3A_32 : vector<1x10240xi32> to vector<64x10240xi32>
    %eq3A_33 = arith.cmpi eq, %iota3A, %eq3A : vector<64x10240xi32>
    %convert_element_type3A = arith.extui %eq3A_33 : vector<64x10240xi1> to vector<64x10240xi32>
    %convert_element_type3A_34 = arith.sitofp %convert_element_type3A : vector<64x10240xi32> to vector<64x10240xf32>
    %reduce_sum3A = arith.constant dense<0.000000e+00> : vector<64xf32>
    %reduce_sum3A_35 = vector.multi_reduction <add>, %convert_element_type3A_34, %reduce_sum3A [1] : vector<64x10240xf32> to vector<64xf32>
    %broadcast_in_dim3A = vector.shape_cast %reduce_sum3A_35 : vector<64xf32> to vector<64x1xf32>
    %max3A_36 = arith.constant 1.000000e+00 : f32
    %max3A_37 = vector.broadcast %max3A_36 : f32 to vector<64x1xf32>
    %max3A_38 = arith.maximumf %broadcast_in_dim3A, %max3A_37 : vector<64x1xf32>
    %dot_general3A = arith.constant dense<0.000000e+00> : vector<64x128xf32>
    %dot_general3A_39 = tpu.matmul %convert_element_type3A_34, %get3A_29, %dot_general3A {dimension_numbers = #tpu.dot_dimension_numbers<[1], [0], [0], [1], [0, 0, 1, 1], [], []>, transpose_lhs_hint = false} : vector<64x10240xf32>, vector<10240x128xf32>, vector<64x128xf32> -> vector<64x128xf32>
    %div3A_40 = vector.broadcast %max3A_38 : vector<64x1xf32> to vector<64x128xf32>
    %div3A_41 = arith.divf %dot_general3A_39, %div3A_40 : vector<64x128xf32>
    %dot_general3A_42 = arith.constant dense<0.000000e+00> : vector<64x128xf32>
    %dot_general3A_43 = tpu.matmul %convert_element_type3A_34, %max3A_26, %dot_general3A_42 {dimension_numbers = #tpu.dot_dimension_numbers<[1], [0], [0], [1], [0, 0, 1, 1], [], []>, transpose_lhs_hint = false} : vector<64x10240xf32>, vector<10240x128xf32>, vector<64x128xf32> -> vector<64x128xf32>
    %div3A_44 = vector.broadcast %max3A_38 : vector<64x1xf32> to vector<64x128xf32>
    %div3A_45 = arith.divf %dot_general3A_43, %div3A_44 : vector<64x128xf32>
    %concatenate3A = tpu.concatenate %div3A_41, %div3A_45 in 1 : vector<64x128xf32>, vector<64x128xf32> -> vector<64x256xf32>
    %get3A_46 = arith.constant 0 : index
    %get3A_47 = arith.constant 0 : index
    %get3A_48 = vector.load %arg7[%get3A_46, %get3A_47] : memref<256x128xf32, #tpu.memory_space<vmem>>, vector<256x128xf32>
    %dot_general3A_49 = arith.constant dense<0.000000e+00> : vector<64x128xf32>
    %dot_general3A_50 = tpu.matmul %concatenate3A, %get3A_48, %dot_general3A_49 {dimension_numbers = #tpu.dot_dimension_numbers<[1], [0], [0], [1], [0, 0, 1, 1], [], []>, transpose_lhs_hint = false} : vector<64x256xf32>, vector<256x128xf32>, vector<64x128xf32> -> vector<64x128xf32>
    %get3A_51 = arith.constant 0 : index
    %get3A_52 = arith.constant 0 : index
    %get3A_53 = vector.load %arg8[%get3A_51, %get3A_52] : memref<1x128xf32, #tpu.memory_space<vmem>>, vector<1x128xf32>
    %add3A_54 = vector.broadcast %get3A_53 : vector<1x128xf32> to vector<64x128xf32>
    %add3A_55 = arith.addf %dot_general3A_50, %add3A_54 : vector<64x128xf32>
    %max3A_56 = arith.constant 0.000000e+00 : f32
    %max3A_57 = vector.broadcast %max3A_56 : f32 to vector<64x128xf32>
    %max3A_58 = arith.maximumf %add3A_55, %max3A_57 : vector<64x128xf32>
    %get3A_59 = arith.constant 0 : index
    %get3A_60 = arith.constant 0 : index
    %get3A_61 = vector.load %arg9[%get3A_59, %get3A_60] : memref<128x10xf32, #tpu.memory_space<vmem>>, vector<128x10xf32>
    %dot_general3A_62 = arith.constant dense<0.000000e+00> : vector<64x10xf32>
    %dot_general3A_63 = tpu.matmul %max3A_58, %get3A_61, %dot_general3A_62 {dimension_numbers = #tpu.dot_dimension_numbers<[1], [0], [0], [1], [0, 0, 1, 1], [], []>, transpose_lhs_hint = false} : vector<64x128xf32>, vector<128x10xf32>, vector<64x10xf32> -> vector<64x10xf32>
    %get3A_64 = arith.constant 0 : index
    %get3A_65 = arith.constant 0 : index
    %get3A_66 = vector.load %arg10[%get3A_64, %get3A_65] : memref<1x10xf32, #tpu.memory_space<vmem>>, vector<1x10xf32>
    %add3A_67 = vector.broadcast %get3A_66 : vector<1x10xf32> to vector<64x10xf32>
    %add3A_68 = arith.addf %dot_general3A_63, %add3A_67 : vector<64x10xf32>
    %reduce_max3A = arith.constant dense<0xFF800000> : vector<64xf32>
    %reduce_max3A_69 = vector.multi_reduction <maximumf>, %add3A_68, %reduce_max3A [1] : vector<64x10xf32> to vector<64xf32>
    %broadcast_in_dim3A_70 = vector.shape_cast %reduce_max3A_69 : vector<64xf32> to vector<64x1xf32>
    %sub3A = vector.broadcast %broadcast_in_dim3A_70 : vector<64x1xf32> to vector<64x10xf32>
    %sub3A_71 = arith.subf %add3A_68, %sub3A : vector<64x10xf32>
    %exp3A = math.exp %sub3A_71 : vector<64x10xf32>
    %reduce_sum3A_72 = arith.constant dense<0.000000e+00> : vector<64xf32>
    %reduce_sum3A_73 = vector.multi_reduction <add>, %exp3A, %reduce_sum3A_72 [1] : vector<64x10xf32> to vector<64xf32>
    %broadcast_in_dim3A_74 = vector.shape_cast %reduce_sum3A_73 : vector<64xf32> to vector<64x1xf32>
    %log3A = math.log %broadcast_in_dim3A_74 : vector<64x1xf32>
    %sub3A_75 = vector.broadcast %log3A : vector<64x1xf32> to vector<64x10xf32>
    %sub3A_76 = arith.subf %sub3A_71, %sub3A_75 : vector<64x10xf32>
    %swap3A = arith.constant 0 : index
    %swap3A_77 = arith.constant 0 : index
    %swap3A_78 = vector.load %arg15[%swap3A, %swap3A_77] : memref<64x10xf32, #tpu.memory_space<vmem>>, vector<64x10xf32>
    tpu.vector_store %arg15[%swap3A, %swap3A_77], %sub3A_76 {strides = array<i32>} : memref<64x10xf32, #tpu.memory_space<vmem>>, vector<64x10xf32>,
    %get3A_79 = arith.constant 0 : index
    %get3A_80 = arith.constant 0 : index
    %get3A_81 = vector.load %arg11[%get3A_79, %get3A_80] : memref<128x32xf32, #tpu.memory_space<vmem>>, vector<128x32xf32>
    %dot_general3A_82 = arith.constant dense<0.000000e+00> : vector<64x32xf32>
    %dot_general3A_83 = tpu.matmul %max3A_58, %get3A_81, %dot_general3A_82 {dimension_numbers = #tpu.dot_dimension_numbers<[1], [0], [0], [1], [0, 0, 1, 1], [], []>, transpose_lhs_hint = false} : vector<64x128xf32>, vector<128x32xf32>, vector<64x32xf32> -> vector<64x32xf32>
    %get3A_84 = arith.constant 0 : index
    %get3A_85 = arith.constant 0 : index
    %get3A_86 = vector.load %arg12[%get3A_84, %get3A_85] : memref<1x32xf32, #tpu.memory_space<vmem>>, vector<1x32xf32>
    %add3A_87 = vector.broadcast %get3A_86 : vector<1x32xf32> to vector<64x32xf32>
    %add3A_88 = arith.addf %dot_general3A_83, %add3A_87 : vector<64x32xf32>
    %swap3A_89 = arith.constant 0 : index
    %swap3A_90 = arith.constant 0 : index
    %swap3A_91 = vector.load %arg16[%swap3A_89, %swap3A_90] : memref<64x32xf32, #tpu.memory_space<vmem>>, vector<64x32xf32>
    tpu.vector_store %arg16[%swap3A_89, %swap3A_90], %add3A_88 {strides = array<i32>} : memref<64x32xf32, #tpu.memory_space<vmem>>, vector<64x32xf32>,
    %get3A_92 = arith.constant 0 : index
    %get3A_93 = arith.constant 0 : index
    %get3A_94 = vector.load %arg13[%get3A_92, %get3A_93] : memref<128x1xf32, #tpu.memory_space<vmem>>, vector<128x1xf32>
    %dot_general3A_95 = arith.constant dense<0.000000e+00> : vector<10240x1xf32>
    %dot_general3A_96 = tpu.matmul %max3A_26, %get3A_94, %dot_general3A_95 {dimension_numbers = #tpu.dot_dimension_numbers<[1], [0], [0], [1], [0, 0, 1, 1], [], []>, transpose_lhs_hint = false} : vector<10240x128xf32>, vector<128x1xf32>, vector<10240x1xf32> -> vector<10240x1xf32>
    %get3A_97 = arith.constant 0 : index
    %get3A_98 = arith.constant 0 : index
    %get3A_99 = vector.load %arg14[%get3A_97, %get3A_98] : memref<1x1xf32, #tpu.memory_space<vmem>>, vector<1x1xf32>
    %add3A_100 = vector.broadcast %get3A_99 : vector<1x1xf32> to vector<10240x1xf32>
    %add3A_101 = arith.addf %dot_general3A_96, %add3A_100 : vector<10240x1xf32>
    %iota3A_102 = tpu.iota {dimensions = array<i32: 0>} : vector<10240x1xi32>
    %lt3A = arith.constant 10000 : i32
    %lt3A_103 = vector.broadcast %lt3A : i32 to vector<10240x1xi32>
    %lt3A_104 = arith.cmpi slt, %iota3A_102, %lt3A_103 : vector<10240x1xi32>
    %get3A_105 = arith.constant 0 : index
    %get3A_106 = arith.constant 0 : index
    %get3A_107 = vector.load %arg6[%get3A_105, %get3A_106] : memref<10240x1xf32, #tpu.memory_space<vmem>>, vector<10240x1xf32>
    %sub3A_108 = arith.subf %add3A_101, %get3A_107 : vector<10240x1xf32>
    %jit3A = arith.constant 0.000000e+00 : f32
    %broadcast_in_dim3A_109 = vector.broadcast %jit3A : f32 to vector<10240x1xf32>
    %select_n3A = arith.select %lt3A_104, %sub3A_108, %broadcast_in_dim3A_109 : vector<10240x1xi1>, vector<10240x1xf32>
    %mul3A = arith.mulf %select_n3A, %select_n3A : vector<10240x1xf32>
    %reduce_sum3A_110 = vector.shape_cast %mul3A : vector<10240x1xf32> to vector<1x10240x1xf32>
    %reduce_sum3A_111 = arith.constant dense<0.000000e+00> : vector<1xf32>
    %reduce_sum3A_112 = vector.multi_reduction <add>, %reduce_sum3A_110, %reduce_sum3A_111 [1, 2] : vector<1x10240x1xf32> to vector<1xf32>
    %reduce_sum3A_113 = vector.shape_cast %reduce_sum3A_112 : vector<1xf32> to vector<1x1x1xf32>
    %reduce_sum3A_114 = vector.extract %reduce_sum3A_113[0, 0, 0] : f32 from vector<1x1x1xf32>
    %broadcast_in_dim3A_115 = vector.broadcast %reduce_sum3A_114 : f32 to vector<1x1xf32>
    %div3A_116 = arith.constant 1.000000e+04 : f32
    %div3A_117 = vector.broadcast %div3A_116 : f32 to vector<1x1xf32>
    %div3A_118 = arith.divf %broadcast_in_dim3A_115, %div3A_117 : vector<1x1xf32>
    %swap3A_119 = arith.constant 0 : index
    %swap3A_120 = arith.constant 0 : index
    %swap3A_121 = vector.load %arg17[%swap3A_119, %swap3A_120] : memref<1x1xf32, #tpu.memory_space<vmem>>, vector<1x1xf32>
    tpu.vector_store %arg17[%swap3A_119, %swap3A_120], %div3A_118 {strides = array<i32>} : memref<1x1xf32, #tpu.memory_space<vmem>>, vector<1x1xf32>,
    return
  }
}

</mosaic_0001>

<sc_bundles>
// kernel: kernel.10.cloned.1.call-start
scs
__scs_entry_jumppad:
0x0: {  	(pc) =	sbr.rel $0x88, $3  }
0x1: {  	(tag) =	ssettag $0x0;
	lr =	simm.s32 $0x1  }
0x2: {  	[smem:$0x3F8F] =	sst lr;
	_ =	strace $0xD0000000  }
0x3: {  	_ = 	snop  }
0x4: {  	_ = 	snop  }
0x5: {  	_ = 	snop  }
0x6: {  	_ = 	snop  }
0x7: {  	_ = 	snop  }
__scs_overlays_trampoline_lowered:
0x8: {  	[smem:$0x3F9E] =	sst s0  }
0x9: {  	[smem:$0x3F9F] =	sst s1  }
0xa: {  	[smem:$0x3FA0] =	sst s2  }
0xb: {  	[smem:$0x3FA1] =	sst s3  }
0xc: {  	[smem:$0x3FA2] =	sst s4  }
0xd: {  	[smem:$0x3FA3] =	sst s5  }
0xe: {  	[smem:$0x3FA4] =	sst s6  }
0xf: {  	[smem:$0x3FA5] =	sst s7  }
0x10: {  	[smem:$0x3FA6] =	sst s8  }
0x11: {  	[smem:$0x3FA7] =	sst s9;
	s0 =	simm.s32 @!p0 $0x0  }
0x12: {  	s1 =	sld [smem:$0x3F8D];
	s0 =	simm.s32 @p0 $0x1  }
0x13: {  	[smem:$0x3FA8] =	sst s0;
	s0 =	simm.s32 @!p1 $0x0  }
0x14: {  	s2 =	sld [smem:$0x3F8C];
	s0 =	simm.s32 @p1 $0x1  }
0x15: {  	[smem:$0x3FA9] =	sst s0;
	s0 =	simm.s32 @!p2 $0x0  }
0x16: {  	s3 =	sld [smem:$0x3FDB];
	s0 =	simm.s32 @p2 $0x1  }
0x17: {  	s4 =	simm.s32 $0x1BF5;
	[smem:$0x3FAB] =	sst s0  }
0x18: {  	s0 =	sld [smem:$0x3F8E];
	_ =	swait.ge [sflag:s4], $0x0  }
0x19: {  	s7 =	sld [smem:$0x3F8F]  }
0x1a: {  	s8 =	sadd.s32 $0xFFFFE003, lr  }
0x1b: {  	s9 =	sadd.s32 $0xFFFFFEF7, lr;
	s5 =	simm.s32 $0xFFFFFFFF;
	p2 =	slt.u32 s8, $0xFFFFF086  }
0x1c: {  	p1 =	slt.u32 s9, $0xF7A;
	s5 =	simm.s32 @!p2 $0x0  }
0x1d: {  	s5 =	simm.s32 @p1 $0x1;
	p0 =	seq.s32 s7, s2  }
0x1e: {  	s7 =	smul.u32 @!p0 $0xF7A, s2;
	p2 =	seq.s32 @!p0 s5, $0x0  }
0x1f: {  	s9 =	smul.u32 $0xF7A, s1;
	s8 =	simm.s32 @!p0 $0x1BF5;
	p2 =	por !p2, p0  }
0x20: {  	[sflag:s8] =	ssyncset.s32 @!p0 $0xFFFFF086;
	s6 =	sadd.s32 @!p0 s3, s7;
	s7 =	simm.s32 @!p0 $0x108  }
0x21: {  	s3 =	sadd.s32 s3, s9;
	s6 =	sadd.s32 @!p0 $0x88, s6;
	s7 =	simm.s32 @p2 $0x1082  }
0x22: {  	[simem:s7], [sflag:s8] =	dma.local @!p0 [hbm:s6], $0xF7A  }
0x23: {  	s9 =	sor.u32 $0xD0000000, s2;
	s6 =	simm.s32 $0x108;
	_ =	swait.ge @!p0 [sflag:s8], $0x0  }
0x24: {  	s3 =	sadd.s32 $0x88, s3;
	s6 =	simm.s32 @!p1 $0x1082;
	[sflag:s4] =	ssyncset.s32 $0xFFFFF086  }
0x25: {  	[simem:s6], [sflag:s4] =	dma.local [hbm:s3], $0xF7A  }
0x26: {  	[smem:$0x3F8F] =	sst s1;
	(tag) =	ssettag s2;
	_ =	strace s9  }
0x27: {  	s1 =	sld [smem:$0x3F9F]  }
0x28: {  	s2 =	sld [smem:$0x3FA0]  }
0x29: {  	s4 =	sld [smem:$0x3FA2]  }
0x2a: {  	p0 =	seq.s32 s5, $0x0;
	s5 =	sld [smem:$0x3FA3]  }
0x2b: {  	s6 =	sld [smem:$0x3FA4]  }
0x2c: {  	s7 =	sld [smem:$0x3FA5]  }
0x2d: {  	s3 =	simm.s32 $0x108;
	s8 =	sld [smem:$0x3FA6]  }
0x2e: {  	s3 =	simm.s32 @!p0 $0x1082;
	s9 =	sld [smem:$0x3FA7]  }
0x2f: {  	lr =	sadd.s32 s0, s3;
	s0 =	sld [smem:$0x3F9E]  }
0x30: {  	s3 =	sld [smem:$0x3FA1]  }
0x31: {  	[smem:$0x3FAA] =	sst s10  }
0x32: {  	s10 =	sld [smem:$0x3FA8];
	_ =	sdelay $0x3  }
0x33: {  	p0 =	seq.s32 s10, $0x1;
	s10 =	sld [smem:$0x3FAA];
	_ =	sdelay $0x3  }
0x34: {  	[smem:$0x3FAA] =	sst s10  }
0x35: {  	s10 =	sld [smem:$0x3FA9];
	_ =	sdelay $0x3  }
0x36: {  	p1 =	seq.s32 s10, $0x1;
	s10 =	sld [smem:$0x3FAA];
	_ =	sdelay $0x3  }
0x37: {  	[smem:$0x3FAA] =	sst s10  }
0x38: {  	s10 =	sld [smem:$0x3FAB]  }
0x39: {  	_ = 	snop;
	(pc) =	sbr.ind lr, $3  }
0x3a: {  	_ = 	snop  }
0x3b: {  	_ = 	snop  }
0x3c: {  	p2 =	seq.s32 s10, $0x1;
	s10 =	sld [smem:$0x3FAA]  }
0x3d: {  	_ =	shalt  }
0x3e: {  	_ =	shalt  }
0x3f: {  	_ =	shalt  }
0x40: {  	_ =	shalt  }
0x41: {  	_ =	shalt  }
0x42: {  	_ =	shalt  }
0x43: {  	_ =	shalt  }
0x44: {  	_ =	shalt  }
0x45: {  	_ =	shalt  }
0x46: {  	_ =	shalt  }
0x47: {  	_ =	shalt  }
0x48: {  	_ =	shalt  }
0x49: {  	_ =	shalt  }
0x4a: {  	_ =	shalt  }
0x4b: {  	_ =	shalt  }
0x4c: {  	_ =	shalt  }
0x4d: {  	_ =	shalt  }
0x4e: {  	_ =	shalt  }
0x4f: {  	_ =	shalt  }
0x50: {  	_ =	shalt  }
0x51: {  	_ =	shalt  }
0x52: {  	_ =	shalt  }
0x53: {  	_ =	shalt  }
0x54: {  	_ =	shalt  }
0x55: {  	_ =	shalt  }
0x56: {  	_ =	shalt  }
0x57: {  	_ =	shalt  }
0x58: {  	_ =	shalt  }
0x59: {  	_ =	shalt  }
0x5a: {  	_ =	shalt  }
0x5b: {  	_ =	shalt  }
0x5c: {  	_ =	shalt  }
0x5d: {  	_ =	shalt  }
0x5e: {  	_ =	shalt  }
0x5f: {  	_ =	shalt  }
0x60: {  	_ =	shalt  }
0x61: {  	_ =	shalt  }
0x62: {  	_ =	shalt  }
0x63: {  	_ =	shalt  }
0x64: {  	_ =	shalt  }
0x65: {  	_ =	shalt  }
0x66: {  	_ =	shalt  }
0x67: {  	_ =	shalt  }
0x68: {  	_ =	shalt  }
0x69: {  	_ =	shalt  }
0x6a: {  	_ =	shalt  }
0x6b: {  	_ =	shalt  }
0x6c: {  	_ =	shalt  }
0x6d: {  	_ =	shalt  }
0x6e: {  	_ =	shalt  }
0x6f: {  	_ =	shalt  }
0x70: {  	_ =	shalt  }
0x71: {  	_ =	shalt  }
0x72: {  	_ =	shalt  }
0x73: {  	_ =	shalt  }
0x74: {  	_ =	shalt  }
0x75: {  	_ =	shalt  }
0x76: {  	_ =	shalt  }
0x77: {  	_ =	shalt  }
0x78: {  	_ =	shalt  }
0x79: {  	_ =	shalt  }
0x7a: {  	_ =	shalt  }
0x7b: {  	_ =	shalt  }
0x7c: {  	_ =	shalt  }
0x7d: {  	_ =	shalt  }
0x7e: {  	_ =	shalt  }
0x7f: {  	_ =	shalt  }
0x80: {  	_ =	shalt  }
0x81: {  	_ =	shalt  }
0x82: {  	_ =	shalt  }
0x83: {  	_ =	shalt  }
0x84: {  	_ =	shalt  }
0x85: {  	_ =	shalt  }
0x86: {  	_ =	shalt  }
0x87: {  	_ =	shalt  }
.Lfunc_end0:
.L_simem_size_0:
called_computation.1_lowered:
.L_overlay_start_0:
0x88: {  	s2 =	sld [smem:$0x3FD9]  }
0x89: {  	s3 =	sld [smem:$0x3FFE];
	_ =	sdelay $0x1  }
0x8a: {  	s1 =	srdreg.scid  }
0x8b: {  	s0 =	sand.u32 $0x1, s1  }
0x8c: {  	s16 =	sshll.u32 s0, $0xA;
	s2 =	sadd.s32 s3, s2  }
0x8d: {  	s2 =	sadd.s32 s2, s16  }
0x8e: {  	[smem:$0x3FB6] =	sst s2  }
0x8f: {  	_ = 	snop  }
0x90: {  	(tm) =	ssettm $0x1  }
0x91: {  	s17 =	sld [smem:$0x3FFB];
	_ =	sdelay $0x3  }
0x92: {  	_ =	strace s17  }
0x93: {  	s2 =	sld [smem:$0x3FFC];
	_ =	sdelay $0x3  }
0x94: {  	_ =	strace s2  }
0x95: {  	s2 =	sld [smem:$0x3FFD];
	_ =	sdelay $0x3  }
0x96: {  	_ =	strace s2  }
0x97: {  	_ =	strace $0x8FFFFFFF  }
0x98: {  	s18 =	sld [smem:$0x3FDB];
	_ =	sdelay $0x1  }
0x99: {  	s19 =	simm.s32 $_scs_section_size  }
0x9a: {  	s4 =	simm.s32 $_size__tile_overlayer_lowered;
	s5 =	simm.s32 $_tile_overlayer_lowered  }
0x9b: {  	s22 =	simm.s32 $0x1BFF;
	s21 =	sshll.u32 s5, $0x1;
	s2 =	sadd.s32 s19, s18  }
0x9c: {  	s6 =	simm.s32 $0x0;
	s20 =	sshll.u32 s4, $0x1;
	s4 =	sadd.s32 s21, s2  }
0x9d: {  	[timem:s6], [sflag:s22] =	dma.local [hbm:s4], s20  }
0x9e: {  	_ =	swait.ge [sflag:s22], s20  }
0x9f: {  	s3 =	ssub.s32 $0x0, s20;
	[sflag:s22] =	ssyncset.done $0x0  }
0xa0: {  	[sflag:s22] =	ssyncadd.s32 s3;
	_ =	sdelay $0x1  }
0xa1: {  	s23 =	simm.s32 $0x1B8B  }
0xa2: {  	_ =	swait.ge [sflag:s23], $0x1  }
0xa3: {  	[sflag:s23] =	ssyncset.done $0x0  }
0xa4: {  	s25 =	simm.s32 $0x1B8E;
	s24 =	sld [smem:$0x3FFE];
	[sflag:s23] =	ssyncadd.s32 $0xFFFFFFFF  }
0xa5: {  	s26 =	simm.s32 $execute0_lowered;
	[smem:$0x3FD2] =	sst s25  }
0xa6: {  	s4 =	sshll.u32 s26, $0x1;
	_ =	strace $0x80000049;
	[dreg:$0x1] =	wrdreg $0xFFFFFFFF  }
0xa7: {  	s28 =	simm.s32 $_size_execute0_lowered;
	s2 =	sadd.s32 s2, s4;
	[dreg:$0x0] =	wrdreg $0x0  }
0xa8: {  	s4 =	sshll.u32 s28, $0x1;
	[dreg:$0x2] =	wrdreg s2  }
0xa9: {  	[dreg:$0x3] =	wrdreg s4  }
0xaa: {  	[dreg:$0x4] =	wrdreg $0xC0  }
0xab: {  	_ =	task [dreg:s6], $0x5FFFF  }
0xac: {  	[dreg:$0x1] =	wrdreg $0xFFFFFFFF  }
0xad: {  	[dreg:$0x0] =	wrdreg $0x60  }
0xae: {  	[dreg:$0x2] =	wrdreg s24  }
0xaf: {  	[dreg:$0x3] =	wrdreg $0x90000  }
0xb0: {  	[dreg:$0x4] =	wrdreg $0x9  }
0xb1: {  	_ =	task.clear_ibuf [dreg:s6], $0x5FFFF;
	_ =	strace $0x90000049  }
0xb2: {  	s29 =	simm.s32 $0x9;
	_ =	strace $0x8000004B  }
0xb3: {  	_ =	swait.ge [sflag:s29], $0x1  }
0xb4: {  	[sflag:s29] =	ssyncadd.s32 $0xFFFFFFFF  }
0xb5: {  	_ =	strace $0x9000004B  }
0xb6: {  	_ =	sfence  }
0xb7: {  	s30 =	sld [smem:$0x0];
	_ =	sdelay $0x2  }
0xb8: {  	s31 =	sshll.u32 s1, $0xD;
	s1 =	sshrl.u32 s1, $0x2  }
0xb9: {  	s3 =	sand.u32 $0x4000, s31;
	s1 =	sadd.s32 s1, s30  }
0xba: {  	s0 =	sor.u32 s3, s0;
	s1 =	sshll.u32 s1, $0x11  }
0xbb: {  	s0 =	sor.u32 s1, s0  }
0xbc: {  	s0 =	sadd.s32 $0x8F2B, s0  }
0xbd: {  	[sflag:s0] =	ssyncadd.remote.s32 $0x1  }
0xbe: {  	_ =	sfence.sel $0xFFFF  }
0xbf: {  	[dreg:$0x0] =	wrdreg $0xFFFFFFFF;
	(pc) =	sbr.abs _section_cstart, $3  }
0xc0: {  	[dreg:$0x1] =	wrdreg $0xFFFFFFFF  }
0xc1: {  	_ =	task.clear_ibuf [dreg:s6], $0x2FFFF;
	_ =	strace $0x9FFFFFFF  }
0xc2: {  	(tm) =	ssettm $0x7FFFFFFF  }
0xc3: {  	_ =	shalt  }
tec
execute0_lowered:
.L_overlay_start_1:
0x0: {  	(tag) =	ssettag $0x1  }
0x1: {  	s0 =	rddreg [dreg:$0x0]  }
0x2: {  	s2 =	rddreg [dreg:$0x1];
	s9 =	stileid.u32;
	s3 =	simm.s32 $0x0  }
0x3: {  	s1 =	srdreg.scid;
	s13 =	simm.s32 $0x100;
	s14 =	simm.s32 $0x200  }
0x4: {  	s16 =	simm.s32 $0x180;
	s17 =	simm.s32 $0x300;
	[smem:$0x7FF] =	sst s3  }
0x5: {  	s18 =	simm.s32 $0x280;
	_ =	strace $0x8000004A;
	[dreg:$0x4] =	wrdreg s13  }
0x6: {  	s19 =	simm.s32 $0x400;
	s20 =	simm.s32 $0x380;
	[dreg:$0x5] =	wrdreg s14  }
0x7: {  	s21 =	simm.s32 $0x500;
	s22 =	simm.s32 $0x480;
	[dreg:$0x6] =	wrdreg s16  }
0x8: {  	s23 =	simm.s32 $0x600;
	s24 =	simm.s32 $0x580;
	[dreg:$0x7] =	wrdreg s17  }
0x9: {  	s25 =	simm.s32 $0x700;
	s28 =	simm.s32 $0xB80;
	[dreg:$0x8] =	wrdreg s18  }
0xa: {  	s29 =	simm.s32 $0xD00;
	s30 =	simm.s32 $0xC80;
	[dreg:$0x9] =	wrdreg s19  }
0xb: {  	s31 =	simm.s32 $0xE00;
	s5 =	smul.u32 $0xA00, s9;
	[dreg:$0xa] =	wrdreg s20  }
0xc: {  	s1 =	sand.u32 $0x1, s1;
	s6 =	smul.u32 $0x14000, s9;
	[dreg:$0xb] =	wrdreg s21  }
0xd: {  	s4 =	sadd.s32 $0x17400, s0;
	s10 =	smul.u32 $0x50000, s9;
	[dreg:$0xc] =	wrdreg s22  }
0xe: {  	s15 =	sshll.u32 s9, $0x6;
	p0 =	seq.s32 s1, $0x0;
	[dreg:$0xd] =	wrdreg s23  }
0xf: {  	s8 =	smul.u32 $0x140000, s1;
	s1 =	ssub.s32 $0x2, s1;
	[dreg:$0xe] =	wrdreg s24  }
0x10: {  	s13 =	simm.s32 $0x5000;
	s14 =	simm.s32 $0x1;
	[dreg:$0xf] =	wrdreg s25  }
0x11: {  	s16 =	simm.s32 $0x2;
	s17 =	simm.s32 $0x4;
	s19 =	simm.s32 $0x780  }
0x12: {  	s20 =	simm.s32 $0x900;
	s21 =	simm.s32 $0x880;
	s22 =	simm.s32 $0xA00  }
0x13: {  	s23 =	simm.s32 $0x980;
	s24 =	simm.s32 $0xB00;
	s25 =	simm.s32 $0xA80  }
0x14: {  	s18 =	simm.s32 $0x0;
	s7 =	sadd.s32 $0xA000, s5;
	s26 =	sshrl.u32 s6, $0x3  }
0x15: {  	s11 =	sshrl.u32 s1, $0x1;
	s12 =	sshrl.u32 s10, $0x2;
	s10 =	simm.s32 $0x5  }
0x16: {  	s7 =	smov.u32 @p0 s5;
	s6 =	sadd.s32 s6, s8;
	s1 =	ssub.s32 s1, s11  }
0x17: {  	s8 =	sor.u32 $0x1C05, s15;
	s11 =	simm.s32 $0x80;
	s15 =	simm.s32 $0x3  }
0x18: {  	s5 =	sadd.s32 s7, s0;
	s6 =	sshrl.u32 s6, $0x3;
	s7 =	sadd.s32 s26, s0  }
0x19: {  	s1 =	smax.u32 s1, $0x1;
	s26 =	simm.s32 $0x680;
	[dreg:$0x12] =	wrdreg s8  }
0x1a: {  	s0 =	sadd.s32 s6, s0;
	s5 =	sadd.s32 $0x3400, s5;
	[dreg:$0x14] =	wrdreg s1  }
0x1b: {  	s6 =	sadd.s32 s12, s2;
	s7 =	sadd.s32 $0x67400, s7;
	[dreg:$0x10] =	wrdreg s26  }
0x1c: {  	s12 =	simm.s32 $0x1000;
	s26 =	simm.s32 $0xC00;
	[dreg:$0x3] =	wrdreg s5  }
0x1d: {  	s1 =	simm.s32 $0xF00;
	[dreg:$0x11] =	wrdreg s7;
	s0 =	sadd.s32 $0x8F400, s0  }
0x1e: {  	s9 =	sshrl.u32 s6, $0x3;
	s5 =	simm.s32 $0xE80;
	[dreg:$0x13] =	wrdreg s0  }
0x1f: {  	s7 =	simm.s32 $0xF80;
	s0 =	simm.s32 $0xD80;
	[dreg:$0x15] =	wrdreg s9  }
.LBB2_1:
0x20: {  	[dreg:$0x16] =	wrdreg s18  }
0x21: {  	s6 =	rddreg [dreg:$0x11]  }
0x22: {  	[spmem:s9], [sflag:s8] =	dma.local [hbm:s6], $0x2800  }
0x23: {  	_ =	swait.ge [sflag:s10], $0x2800  }
0x24: {  	[sflag:s10] =	ssyncset.done $0x0  }
0x25: {  	[sflag:s10] =	ssyncadd.s32 $0xFFFFD800  }
0x26: {  	[bflag:$0x0] =	sbarrier.arrive $0xFFFF  }
0x27: {  	s8 =	rddreg [dreg:$0x3]  }
0x28: {  	s6 =	sadd.s32 $0x0, s8  }
0x29: {  	[tilespmem:s3], [sflag:$0x5] =	stream.linear.gather [hbm4b:s6+s3], $0x1000, $0x38;
	[tilespmem:$0x1D000] =	vst v63  }
0x2a: {  	_ =	swait.ge [sflag:s10], $0x1000  }
0x2b: {  	[sflag:s10] =	ssyncset.done $0x0  }
0x2c: {  	[sflag:s10] =	ssyncadd.s32 $0xFFFFF000  }
0x2d: {  	[tilespmem:s12], [sflag:$0x1] =	stream.indirect.gather [hbm4b:s4+s11], $0x80, s3, s11, $0xb8;
	[tilespmem:$0x1D000] =	vst v63  }
0x2e: {  	s9 =	rddreg [dreg:$0x4]  }
0x2f: {  	[tilespmem:s13], [sflag:$0x2] =	stream.indirect.gather [hbm4b:s4+s11], $0x80, s9, s11, $0xb8;
	[tilespmem:$0x1D000] =	vst v63  }
0x30: {  	_ =	swait.ge [sflag:s14], $0x4000  }
0x31: {  	[sflag:s14] =	ssyncset.done $0x0  }
0x32: {  	[sflag:s14] =	ssyncadd.s32 $0xFFFFC000  }
0x33: {  	[spmem:s2] =	stream.indirect.scatter.add.f32 [tilespmem:s12], [sflag:$0x3], $0x80, s11, s11, $0xb8;
	[tilespmem:$0x1D000] =	vst v63  }
0x34: {  	_ =	swait.ge [sflag:s15], $0x4000  }
0x35: {  	[sflag:s15] =	ssyncset.done $0x0  }
0x36: {  	s18 =	rddreg [dreg:$0x5];
	[sflag:s15] =	ssyncadd.s32 $0xFFFFC000  }
0x37: {  	[tilespmem:s12], [sflag:$0x1] =	stream.indirect.gather [hbm4b:s4+s11], $0x80, s18, s11, $0xb8;
	[tilespmem:$0x1D000] =	vst v63  }
0x38: {  	_ =	swait.ge [sflag:s16], $0x4000  }
0x39: {  	[sflag:s16] =	ssyncset.done $0x0  }
0x3a: {  	s8 =	rddreg [dreg:$0x6];
	[sflag:s16] =	ssyncadd.s32 $0xFFFFC000  }
0x3b: {  	[spmem:s2] =	stream.indirect.scatter.add.f32 [tilespmem:s13], [sflag:$0x4], $0x80, s8, s11, $0xb8;
	[tilespmem:$0x1D000] =	vst v63  }
0x3c: {  	_ =	swait.ge [sflag:s17], $0x4000  }
0x3d: {  	[sflag:s17] =	ssyncset.done $0x0  }
0x3e: {  	s9 =	rddreg [dreg:$0x7];
	[sflag:s17] =	ssyncadd.s32 $0xFFFFC000  }
0x3f: {  	[tilespmem:s13], [sflag:$0x2] =	stream.indirect.gather [hbm4b:s4+s11], $0x80, s9, s11, $0xb8;
	[tilespmem:$0x1D000] =	vst v63  }
0x40: {  	_ =	swait.ge [sflag:s14], $0x4000  }
0x41: {  	[sflag:s14] =	ssyncset.done $0x0  }
0x42: {  	s18 =	rddreg [dreg:$0x8];
	[sflag:s14] =	ssyncadd.s32 $0xFFFFC000  }
0x43: {  	[spmem:s2] =	stream.indirect.scatter.add.f32 [tilespmem:s12], [sflag:$0x3], $0x80, s18, s11, $0xb8;
	[tilespmem:$0x1D000] =	vst v63  }
0x44: {  	_ =	swait.ge [sflag:s15], $0x4000  }
0x45: {  	[sflag:s15] =	ssyncset.done $0x0  }
0x46: {  	s8 =	rddreg [dreg:$0x9];
	[sflag:s15] =	ssyncadd.s32 $0xFFFFC000  }
0x47: {  	[tilespmem:s12], [sflag:$0x1] =	stream.indirect.gather [hbm4b:s4+s11], $0x80, s8, s11, $0xb8;
	[tilespmem:$0x1D000] =	vst v63  }
0x48: {  	_ =	swait.ge [sflag:s16], $0x4000  }
0x49: {  	[sflag:s16] =	ssyncset.done $0x0  }
0x4a: {  	s9 =	rddreg [dreg:$0xa];
	[sflag:s16] =	ssyncadd.s32 $0xFFFFC000  }
0x4b: {  	[spmem:s2] =	stream.indirect.scatter.add.f32 [tilespmem:s13], [sflag:$0x4], $0x80, s9, s11, $0xb8;
	[tilespmem:$0x1D000] =	vst v63  }
0x4c: {  	_ =	swait.ge [sflag:s17], $0x4000  }
0x4d: {  	[sflag:s17] =	ssyncset.done $0x0  }
0x4e: {  	s18 =	rddreg [dreg:$0xb];
	[sflag:s17] =	ssyncadd.s32 $0xFFFFC000  }
0x4f: {  	[tilespmem:s13], [sflag:$0x2] =	stream.indirect.gather [hbm4b:s4+s11], $0x80, s18, s11, $0xb8;
	[tilespmem:$0x1D000] =	vst v63  }
0x50: {  	_ =	swait.ge [sflag:s14], $0x4000  }
0x51: {  	[sflag:s14] =	ssyncset.done $0x0  }
0x52: {  	s8 =	rddreg [dreg:$0xc];
	[sflag:s14] =	ssyncadd.s32 $0xFFFFC000  }
0x53: {  	[spmem:s2] =	stream.indirect.scatter.add.f32 [tilespmem:s12], [sflag:$0x3], $0x80, s8, s11, $0xb8;
	[tilespmem:$0x1D000] =	vst v63  }
0x54: {  	_ =	swait.ge [sflag:s15], $0x4000  }
0x55: {  	[sflag:s15] =	ssyncset.done $0x0  }
0x56: {  	s9 =	rddreg [dreg:$0xd];
	[sflag:s15] =	ssyncadd.s32 $0xFFFFC000  }
0x57: {  	[tilespmem:s12], [sflag:$0x1] =	stream.indirect.gather [hbm4b:s4+s11], $0x80, s9, s11, $0xb8;
	[tilespmem:$0x1D000] =	vst v63  }
0x58: {  	_ =	swait.ge [sflag:s16], $0x4000  }
0x59: {  	[sflag:s16] =	ssyncset.done $0x0  }
0x5a: {  	s18 =	rddreg [dreg:$0xe];
	[sflag:s16] =	ssyncadd.s32 $0xFFFFC000  }
0x5b: {  	[spmem:s2] =	stream.indirect.scatter.add.f32 [tilespmem:s13], [sflag:$0x4], $0x80, s18, s11, $0xb8;
	[tilespmem:$0x1D000] =	vst v63  }
0x5c: {  	_ =	swait.ge [sflag:s17], $0x4000  }
0x5d: {  	[sflag:s17] =	ssyncset.done $0x0  }
0x5e: {  	s8 =	rddreg [dreg:$0xf];
	[sflag:s17] =	ssyncadd.s32 $0xFFFFC000  }
0x5f: {  	[tilespmem:s13], [sflag:$0x2] =	stream.indirect.gather [hbm4b:s4+s11], $0x80, s8, s11, $0xb8;
	[tilespmem:$0x1D000] =	vst v63  }
0x60: {  	_ =	swait.ge [sflag:s14], $0x4000  }
0x61: {  	[sflag:s14] =	ssyncset.done $0x0  }
0x62: {  	s9 =	rddreg [dreg:$0x10];
	[sflag:s14] =	ssyncadd.s32 $0xFFFFC000  }
0x63: {  	[spmem:s2] =	stream.indirect.scatter.add.f32 [tilespmem:s12], [sflag:$0x3], $0x80, s9, s11, $0xb8;
	[tilespmem:$0x1D000] =	vst v63  }
0x64: {  	_ =	swait.ge [sflag:s15], $0x4000  }
0x65: {  	[sflag:s15] =	ssyncset.done $0x0  }
0x66: {  	s18 =	simm.s32 $0x800;
	[sflag:s15] =	ssyncadd.s32 $0xFFFFC000  }
0x67: {  	[tilespmem:s12], [sflag:$0x1] =	stream.indirect.gather [hbm4b:s4+s11], $0x80, s18, s11, $0xb8;
	[tilespmem:$0x1D000] =	vst v63  }
0x68: {  	_ =	swait.ge [sflag:s16], $0x4000  }
0x69: {  	[sflag:s16] =	ssyncset.done $0x0  }
0x6a: {  	[sflag:s16] =	ssyncadd.s32 $0xFFFFC000  }
0x6b: {  	[spmem:s2] =	stream.indirect.scatter.add.f32 [tilespmem:s13], [sflag:$0x4], $0x80, s19, s11, $0xb8;
	[tilespmem:$0x1D000] =	vst v63  }
0x6c: {  	_ =	swait.ge [sflag:s17], $0x4000  }
0x6d: {  	[sflag:s17] =	ssyncset.done $0x0  }
0x6e: {  	[sflag:s17] =	ssyncadd.s32 $0xFFFFC000  }
0x6f: {  	[tilespmem:s13], [sflag:$0x2] =	stream.indirect.gather [hbm4b:s4+s11], $0x80, s20, s11, $0xb8;
	[tilespmem:$0x1D000] =	vst v63  }
0x70: {  	_ =	swait.ge [sflag:s14], $0x4000  }
0x71: {  	[sflag:s14] =	ssyncset.done $0x0  }
0x72: {  	[sflag:s14] =	ssyncadd.s32 $0xFFFFC000  }
0x73: {  	[spmem:s2] =	stream.indirect.scatter.add.f32 [tilespmem:s12], [sflag:$0x3], $0x80, s21, s11, $0xb8;
	[tilespmem:$0x1D000] =	vst v63  }
0x74: {  	_ =	swait.ge [sflag:s15], $0x4000  }
0x75: {  	[sflag:s15] =	ssyncset.done $0x0  }
0x76: {  	[sflag:s15] =	ssyncadd.s32 $0xFFFFC000  }
0x77: {  	[tilespmem:s12], [sflag:$0x1] =	stream.indirect.gather [hbm4b:s4+s11], $0x80, s22, s11, $0xb8;
	[tilespmem:$0x1D000] =	vst v63  }
0x78: {  	_ =	swait.ge [sflag:s16], $0x4000  }
0x79: {  	[sflag:s16] =	ssyncset.done $0x0  }
0x7a: {  	[sflag:s16] =	ssyncadd.s32 $0xFFFFC000  }
0x7b: {  	[spmem:s2] =	stream.indirect.scatter.add.f32 [tilespmem:s13], [sflag:$0x4], $0x80, s23, s11, $0xb8;
	[tilespmem:$0x1D000] =	vst v63  }
0x7c: {  	_ =	swait.ge [sflag:s17], $0x4000  }
0x7d: {  	[sflag:s17] =	ssyncset.done $0x0  }
0x7e: {  	[sflag:s17] =	ssyncadd.s32 $0xFFFFC000  }
0x7f: {  	[tilespmem:s13], [sflag:$0x2] =	stream.indirect.gather [hbm4b:s4+s11], $0x80, s24, s11, $0xb8;
	[tilespmem:$0x1D000] =	vst v63  }
0x80: {  	_ =	swait.ge [sflag:s14], $0x4000  }
0x81: {  	[sflag:s14] =	ssyncset.done $0x0  }
0x82: {  	[sflag:s14] =	ssyncadd.s32 $0xFFFFC000  }
0x83: {  	[spmem:s2] =	stream.indirect.scatter.add.f32 [tilespmem:s12], [sflag:$0x3], $0x80, s25, s11, $0xb8;
	[tilespmem:$0x1D000] =	vst v63  }
0x84: {  	_ =	swait.ge [sflag:s15], $0x4000  }
0x85: {  	[sflag:s15] =	ssyncset.done $0x0  }
0x86: {  	[sflag:s15] =	ssyncadd.s32 $0xFFFFC000  }
0x87: {  	[tilespmem:s12], [sflag:$0x1] =	stream.indirect.gather [hbm4b:s4+s11], $0x80, s26, s11, $0xb8;
	[tilespmem:$0x1D000] =	vst v63  }
0x88: {  	_ =	swait.ge [sflag:s16], $0x4000  }
0x89: {  	[sflag:s16] =	ssyncset.done $0x0  }
0x8a: {  	[sflag:s16] =	ssyncadd.s32 $0xFFFFC000  }
0x8b: {  	[spmem:s2] =	stream.indirect.scatter.add.f32 [tilespmem:s13], [sflag:$0x4], $0x80, s28, s11, $0xb8;
	[tilespmem:$0x1D000] =	vst v63  }
0x8c: {  	_ =	swait.ge [sflag:s17], $0x4000  }
0x8d: {  	[sflag:s17] =	ssyncset.done $0x0  }
0x8e: {  	[sflag:s17] =	ssyncadd.s32 $0xFFFFC000  }
0x8f: {  	[tilespmem:s13], [sflag:$0x2] =	stream.indirect.gather [hbm4b:s4+s11], $0x80, s29, s11, $0xb8;
	[tilespmem:$0x1D000] =	vst v63  }
0x90: {  	_ =	swait.ge [sflag:s14], $0x4000  }
0x91: {  	[sflag:s14] =	ssyncset.done $0x0  }
0x92: {  	[sflag:s14] =	ssyncadd.s32 $0xFFFFC000  }
0x93: {  	[spmem:s2] =	stream.indirect.scatter.add.f32 [tilespmem:s12], [sflag:$0x3], $0x80, s30, s11, $0xb8;
	[tilespmem:$0x1D000] =	vst v63  }
0x94: {  	_ =	swait.ge [sflag:s15], $0x4000  }
0x95: {  	[sflag:s15] =	ssyncset.done $0x0  }
0x96: {  	[sflag:s15] =	ssyncadd.s32 $0xFFFFC000  }
0x97: {  	[tilespmem:s12], [sflag:$0x1] =	stream.indirect.gather [hbm4b:s4+s11], $0x80, s31, s11, $0xb8;
	[tilespmem:$0x1D000] =	vst v63  }
0x98: {  	_ =	swait.ge [sflag:s16], $0x4000  }
0x99: {  	[sflag:s16] =	ssyncset.done $0x0  }
0x9a: {  	[sflag:s16] =	ssyncadd.s32 $0xFFFFC000  }
0x9b: {  	[spmem:s2] =	stream.indirect.scatter.add.f32 [tilespmem:s13], [sflag:$0x4], $0x80, s0, s11, $0xb8;
	[tilespmem:$0x1D000] =	vst v63  }
0x9c: {  	_ =	swait.ge [sflag:s17], $0x4000  }
0x9d: {  	[sflag:s17] =	ssyncset.done $0x0  }
0x9e: {  	[sflag:s17] =	ssyncadd.s32 $0xFFFFC000  }
0x9f: {  	[tilespmem:s13], [sflag:$0x2] =	stream.indirect.gather [hbm4b:s4+s11], $0x80, s1, s11, $0xb8;
	[tilespmem:$0x1D000] =	vst v63  }
0xa0: {  	_ =	swait.ge [sflag:s14], $0x4000  }
0xa1: {  	[sflag:s14] =	ssyncset.done $0x0  }
0xa2: {  	[sflag:s14] =	ssyncadd.s32 $0xFFFFC000  }
0xa3: {  	[spmem:s2] =	stream.indirect.scatter.add.f32 [tilespmem:s12], [sflag:$0x3], $0x80, s5, s11, $0xb8;
	[tilespmem:$0x1D000] =	vst v63  }
0xa4: {  	_ =	swait.ge [sflag:s16], $0x4000  }
0xa5: {  	[sflag:s16] =	ssyncset.done $0x0  }
0xa6: {  	[sflag:s16] =	ssyncadd.s32 $0xFFFFC000  }
0xa7: {  	[spmem:s2] =	stream.indirect.scatter.add.f32 [tilespmem:s13], [sflag:$0x4], $0x80, s7, s11, $0xb8;
	[tilespmem:$0x1D000] =	vst v63  }
0xa8: {  	_ =	swait.ge [sflag:s15], $0x4000  }
0xa9: {  	[sflag:s15] =	ssyncset.done $0x0  }
0xaa: {  	[sflag:s15] =	ssyncadd.s32 $0xFFFFC000  }
0xab: {  	s6 =	simm.s32 $0x200;
	_ =	swait.ge [sflag:s17], $0x4000  }
0xac: {  	s9 =	simm.s32 $0x400;
	s8 =	rddreg [dreg:$0x3];
	[sflag:s17] =	ssyncset.done $0x0  }
.LBB2_2:
0xad: {  	[sflag:s17] =	ssyncadd.s32 $0xFFFFC000;
	s8 =	sadd.s32 s6, s8  }
0xae: {  	[tilespmem:s3], [sflag:$0x5] =	stream.linear.gather [hbm4b:s8+s3], $0x1000, $0x38;
	[tilespmem:$0x1D000] =	vst v63  }
0xaf: {  	_ =	swait.ge [sflag:s10], $0x1000  }
0xb0: {  	[sflag:s10] =	ssyncset.done $0x0  }
0xb1: {  	s18 =	smov.u32 s9;
	[sflag:s10] =	ssyncadd.s32 $0xFFFFF000  }
0xb2: {  	[tilespmem:s12], [sflag:$0x1] =	stream.indirect.gather [hbm4b:s4+s11], $0x80, s3, s11, $0xb8;
	[tilespmem:$0x1D000] =	vst v63  }
0xb3: {  	s6 =	smov.u32 s18;
	s18 =	rddreg [dreg:$0x4]  }
0xb4: {  	[tilespmem:s13], [sflag:$0x2] =	stream.indirect.gather [hbm4b:s4+s11], $0x80, s18, s11, $0xb8;
	[tilespmem:$0x1D000] =	vst v63  }
0xb5: {  	_ =	swait.ge [sflag:s14], $0x4000  }
0xb6: {  	[sflag:s14] =	ssyncset.done $0x0  }
0xb7: {  	[sflag:s14] =	ssyncadd.s32 $0xFFFFC000  }
0xb8: {  	[spmem:s2] =	stream.indirect.scatter.add.f32 [tilespmem:s12], [sflag:$0x3], $0x80, s11, s11, $0xb8;
	[tilespmem:$0x1D000] =	vst v63  }
0xb9: {  	_ =	swait.ge [sflag:s15], $0x4000  }
0xba: {  	[sflag:s15] =	ssyncset.done $0x0  }
0xbb: {  	s18 =	rddreg [dreg:$0x5];
	[sflag:s15] =	ssyncadd.s32 $0xFFFFC000  }
0xbc: {  	[tilespmem:s12], [sflag:$0x1] =	stream.indirect.gather [hbm4b:s4+s11], $0x80, s18, s11, $0xb8;
	[tilespmem:$0x1D000] =	vst v63  }
0xbd: {  	_ =	swait.ge [sflag:s16], $0x4000  }
0xbe: {  	[sflag:s16] =	ssyncset.done $0x0  }
0xbf: {  	s18 =	rddreg [dreg:$0x6];
	[sflag:s16] =	ssyncadd.s32 $0xFFFFC000  }
0xc0: {  	[spmem:s2] =	stream.indirect.scatter.add.f32 [tilespmem:s13], [sflag:$0x4], $0x80, s18, s11, $0xb8;
	[tilespmem:$0x1D000] =	vst v63  }
0xc1: {  	_ =	swait.ge [sflag:s17], $0x4000  }
0xc2: {  	[sflag:s17] =	ssyncset.done $0x0  }
0xc3: {  	s18 =	rddreg [dreg:$0x7];
	[sflag:s17] =	ssyncadd.s32 $0xFFFFC000  }
0xc4: {  	[tilespmem:s13], [sflag:$0x2] =	stream.indirect.gather [hbm4b:s4+s11], $0x80, s18, s11, $0xb8;
	[tilespmem:$0x1D000] =	vst v63  }
0xc5: {  	_ =	swait.ge [sflag:s14], $0x4000  }
0xc6: {  	[sflag:s14] =	ssyncset.done $0x0  }
0xc7: {  	s18 =	rddreg [dreg:$0x8];
	[sflag:s14] =	ssyncadd.s32 $0xFFFFC000  }
0xc8: {  	[spmem:s2] =	stream.indirect.scatter.add.f32 [tilespmem:s12], [sflag:$0x3], $0x80, s18, s11, $0xb8;
	[tilespmem:$0x1D000] =	vst v63  }
0xc9: {  	_ =	swait.ge [sflag:s15], $0x4000  }
0xca: {  	[sflag:s15] =	ssyncset.done $0x0  }
0xcb: {  	s18 =	rddreg [dreg:$0x9];
	[sflag:s15] =	ssyncadd.s32 $0xFFFFC000  }
0xcc: {  	[tilespmem:s12], [sflag:$0x1] =	stream.indirect.gather [hbm4b:s4+s11], $0x80, s18, s11, $0xb8;
	[tilespmem:$0x1D000] =	vst v63  }
0xcd: {  	_ =	swait.ge [sflag:s16], $0x4000  }
0xce: {  	[sflag:s16] =	ssyncset.done $0x0  }
0xcf: {  	s18 =	rddreg [dreg:$0xa];
	[sflag:s16] =	ssyncadd.s32 $0xFFFFC000  }
0xd0: {  	[spmem:s2] =	stream.indirect.scatter.add.f32 [tilespmem:s13], [sflag:$0x4], $0x80, s18, s11, $0xb8;
	[tilespmem:$0x1D000] =	vst v63  }
0xd1: {  	_ =	swait.ge [sflag:s17], $0x4000  }
0xd2: {  	[sflag:s17] =	ssyncset.done $0x0  }
0xd3: {  	s18 =	rddreg [dreg:$0xb];
	[sflag:s17] =	ssyncadd.s32 $0xFFFFC000  }
0xd4: {  	[tilespmem:s13], [sflag:$0x2] =	stream.indirect.gather [hbm4b:s4+s11], $0x80, s18, s11, $0xb8;
	[tilespmem:$0x1D000] =	vst v63  }
0xd5: {  	_ =	swait.ge [sflag:s14], $0x4000  }
0xd6: {  	[sflag:s14] =	ssyncset.done $0x0  }
0xd7: {  	s18 =	rddreg [dreg:$0xc];
	[sflag:s14] =	ssyncadd.s32 $0xFFFFC000  }
0xd8: {  	[spmem:s2] =	stream.indirect.scatter.add.f32 [tilespmem:s12], [sflag:$0x3], $0x80, s18, s11, $0xb8;
	[tilespmem:$0x1D000] =	vst v63  }
0xd9: {  	_ =	swait.ge [sflag:s15], $0x4000  }
0xda: {  	[sflag:s15] =	ssyncset.done $0x0  }
0xdb: {  	s18 =	rddreg [dreg:$0xd];
	[sflag:s15] =	ssyncadd.s32 $0xFFFFC000  }
0xdc: {  	[tilespmem:s12], [sflag:$0x1] =	stream.indirect.gather [hbm4b:s4+s11], $0x80, s18, s11, $0xb8;
	[tilespmem:$0x1D000] =	vst v63  }
0xdd: {  	_ =	swait.ge [sflag:s16], $0x4000  }
0xde: {  	[sflag:s16] =	ssyncset.done $0x0  }
0xdf: {  	s18 =	rddreg [dreg:$0xe];
	[sflag:s16] =	ssyncadd.s32 $0xFFFFC000  }
0xe0: {  	[spmem:s2] =	stream.indirect.scatter.add.f32 [tilespmem:s13], [sflag:$0x4], $0x80, s18, s11, $0xb8;
	[tilespmem:$0x1D000] =	vst v63  }
0xe1: {  	_ =	swait.ge [sflag:s17], $0x4000  }
0xe2: {  	[sflag:s17] =	ssyncset.done $0x0  }
0xe3: {  	s18 =	rddreg [dreg:$0xf];
	[sflag:s17] =	ssyncadd.s32 $0xFFFFC000  }
0xe4: {  	[tilespmem:s13], [sflag:$0x2] =	stream.indirect.gather [hbm4b:s4+s11], $0x80, s18, s11, $0xb8;
	[tilespmem:$0x1D000] =	vst v63  }
0xe5: {  	_ =	swait.ge [sflag:s14], $0x4000  }
0xe6: {  	[sflag:s14] =	ssyncset.done $0x0  }
0xe7: {  	s18 =	rddreg [dreg:$0x10];
	[sflag:s14] =	ssyncadd.s32 $0xFFFFC000  }
0xe8: {  	[spmem:s2] =	stream.indirect.scatter.add.f32 [tilespmem:s12], [sflag:$0x3], $0x80, s18, s11, $0xb8;
	[tilespmem:$0x1D000] =	vst v63  }
0xe9: {  	_ =	swait.ge [sflag:s15], $0x4000  }
0xea: {  	[sflag:s15] =	ssyncset.done $0x0  }
0xeb: {  	s18 =	simm.s32 $0x800;
	[sflag:s15] =	ssyncadd.s32 $0xFFFFC000  }
0xec: {  	[tilespmem:s12], [sflag:$0x1] =	stream.indirect.gather [hbm4b:s4+s11], $0x80, s18, s11, $0xb8;
	[tilespmem:$0x1D000] =	vst v63  }
0xed: {  	_ =	swait.ge [sflag:s16], $0x4000  }
0xee: {  	[sflag:s16] =	ssyncset.done $0x0  }
0xef: {  	[sflag:s16] =	ssyncadd.s32 $0xFFFFC000  }
0xf0: {  	[spmem:s2] =	stream.indirect.scatter.add.f32 [tilespmem:s13], [sflag:$0x4], $0x80, s19, s11, $0xb8;
	[tilespmem:$0x1D000] =	vst v63  }
0xf1: {  	_ =	swait.ge [sflag:s17], $0x4000  }
0xf2: {  	[sflag:s17] =	ssyncset.done $0x0  }
0xf3: {  	[sflag:s17] =	ssyncadd.s32 $0xFFFFC000  }
0xf4: {  	[tilespmem:s13], [sflag:$0x2] =	stream.indirect.gather [hbm4b:s4+s11], $0x80, s20, s11, $0xb8;
	[tilespmem:$0x1D000] =	vst v63  }
0xf5: {  	_ =	swait.ge [sflag:s14], $0x4000  }
0xf6: {  	[sflag:s14] =	ssyncset.done $0x0  }
0xf7: {  	[sflag:s14] =	ssyncadd.s32 $0xFFFFC000  }
0xf8: {  	[spmem:s2] =	stream.indirect.scatter.add.f32 [tilespmem:s12], [sflag:$0x3], $0x80, s21, s11, $0xb8;
	[tilespmem:$0x1D000] =	vst v63  }
0xf9: {  	_ =	swait.ge [sflag:s15], $0x4000  }
0xfa: {  	[sflag:s15] =	ssyncset.done $0x0  }
0xfb: {  	[sflag:s15] =	ssyncadd.s32 $0xFFFFC000  }
0xfc: {  	[tilespmem:s12], [sflag:$0x1] =	stream.indirect.gather [hbm4b:s4+s11], $0x80, s22, s11, $0xb8;
	[tilespmem:$0x1D000] =	vst v63  }
0xfd: {  	_ =	swait.ge [sflag:s16], $0x4000  }
0xfe: {  	[sflag:s16] =	ssyncset.done $0x0  }
0xff: {  	[sflag:s16] =	ssyncadd.s32 $0xFFFFC000  }
0x100: {  	[spmem:s2] =	stream.indirect.scatter.add.f32 [tilespmem:s13], [sflag:$0x4], $0x80, s23, s11, $0xb8;
	[tilespmem:$0x1D000] =	vst v63  }
0x101: {  	_ =	swait.ge [sflag:s17], $0x4000  }
0x102: {  	[sflag:s17] =	ssyncset.done $0x0  }
0x103: {  	[sflag:s17] =	ssyncadd.s32 $0xFFFFC000  }
0x104: {  	[tilespmem:s13], [sflag:$0x2] =	stream.indirect.gather [hbm4b:s4+s11], $0x80, s24, s11, $0xb8;
	[tilespmem:$0x1D000] =	vst v63  }
0x105: {  	_ =	swait.ge [sflag:s14], $0x4000  }
0x106: {  	[sflag:s14] =	ssyncset.done $0x0  }
0x107: {  	[sflag:s14] =	ssyncadd.s32 $0xFFFFC000  }
0x108: {  	[spmem:s2] =	stream.indirect.scatter.add.f32 [tilespmem:s12], [sflag:$0x3], $0x80, s25, s11, $0xb8;
	[tilespmem:$0x1D000] =	vst v63  }
0x109: {  	_ =	swait.ge [sflag:s15], $0x4000  }
0x10a: {  	[sflag:s15] =	ssyncset.done $0x0  }
0x10b: {  	[sflag:s15] =	ssyncadd.s32 $0xFFFFC000  }
0x10c: {  	[tilespmem:s12], [sflag:$0x1] =	stream.indirect.gather [hbm4b:s4+s11], $0x80, s26, s11, $0xb8;
	[tilespmem:$0x1D000] =	vst v63  }
0x10d: {  	_ =	swait.ge [sflag:s16], $0x4000  }
0x10e: {  	[sflag:s16] =	ssyncset.done $0x0  }
0x10f: {  	[sflag:s16] =	ssyncadd.s32 $0xFFFFC000  }
0x110: {  	[spmem:s2] =	stream.indirect.scatter.add.f32 [tilespmem:s13], [sflag:$0x4], $0x80, s28, s11, $0xb8;
	[tilespmem:$0x1D000] =	vst v63  }
0x111: {  	_ =	swait.ge [sflag:s17], $0x4000  }
0x112: {  	[sflag:s17] =	ssyncset.done $0x0  }
0x113: {  	[sflag:s17] =	ssyncadd.s32 $0xFFFFC000  }
0x114: {  	[tilespmem:s13], [sflag:$0x2] =	stream.indirect.gather [hbm4b:s4+s11], $0x80, s29, s11, $0xb8;
	[tilespmem:$0x1D000] =	vst v63  }
0x115: {  	_ =	swait.ge [sflag:s14], $0x4000  }
0x116: {  	[sflag:s14] =	ssyncset.done $0x0  }
0x117: {  	[sflag:s14] =	ssyncadd.s32 $0xFFFFC000  }
0x118: {  	[spmem:s2] =	stream.indirect.scatter.add.f32 [tilespmem:s12], [sflag:$0x3], $0x80, s30, s11, $0xb8;
	[tilespmem:$0x1D000] =	vst v63  }
0x119: {  	_ =	swait.ge [sflag:s15], $0x4000  }
0x11a: {  	[sflag:s15] =	ssyncset.done $0x0  }
0x11b: {  	[sflag:s15] =	ssyncadd.s32 $0xFFFFC000  }
0x11c: {  	[tilespmem:s12], [sflag:$0x1] =	stream.indirect.gather [hbm4b:s4+s11], $0x80, s31, s11, $0xb8;
	[tilespmem:$0x1D000] =	vst v63  }
0x11d: {  	_ =	swait.ge [sflag:s16], $0x4000  }
0x11e: {  	[sflag:s16] =	ssyncset.done $0x0  }
0x11f: {  	[sflag:s16] =	ssyncadd.s32 $0xFFFFC000  }
0x120: {  	[spmem:s2] =	stream.indirect.scatter.add.f32 [tilespmem:s13], [sflag:$0x4], $0x80, s0, s11, $0xb8;
	[tilespmem:$0x1D000] =	vst v63  }
0x121: {  	_ =	swait.ge [sflag:s17], $0x4000  }
0x122: {  	[sflag:s17] =	ssyncset.done $0x0  }
0x123: {  	[sflag:s17] =	ssyncadd.s32 $0xFFFFC000  }
0x124: {  	[tilespmem:s13], [sflag:$0x2] =	stream.indirect.gather [hbm4b:s4+s11], $0x80, s1, s11, $0xb8;
	[tilespmem:$0x1D000] =	vst v63  }
0x125: {  	_ =	swait.ge [sflag:s14], $0x4000  }
0x126: {  	[sflag:s14] =	ssyncset.done $0x0  }
0x127: {  	[sflag:s14] =	ssyncadd.s32 $0xFFFFC000  }
0x128: {  	[spmem:s2] =	stream.indirect.scatter.add.f32 [tilespmem:s12], [sflag:$0x3], $0x80, s5, s11, $0xb8;
	[tilespmem:$0x1D000] =	vst v63  }
0x129: {  	_ =	swait.ge [sflag:s16], $0x4000  }
0x12a: {  	[sflag:s16] =	ssyncset.done $0x0  }
0x12b: {  	p0 =	sne.s32 s9, $0x800;
	[sflag:s16] =	ssyncadd.s32 $0xFFFFC000  }
0x12c: {  	[spmem:s2] =	stream.indirect.scatter.add.f32 [tilespmem:s13], [sflag:$0x4], $0x80, s7, s11, $0xb8;
	[tilespmem:$0x1D000] =	vst v63  }
.Ltmp0:
0x12d: {  	_ =	swait.ge [sflag:s15], $0x4000;
	(pc) =	sbr.rel @p0 .LBB2_2-.Ltmp0, $4  }
0x12e: {  	[sflag:s15] =	ssyncset.done $0x0  }
0x12f: {  	[sflag:s15] =	ssyncadd.s32 $0xFFFFC000  }
0x130: {  	_ =	swait.ge [sflag:s17], $0x4000  }
0x131: {  	s9 =	sadd.s32 $0x200, s9;
	s8 =	rddreg [dreg:$0x3];
	[sflag:s17] =	ssyncset.done $0x0  }
0x132: {  	s6 =	sadd.s32 s6, s8;
	[sflag:s17] =	ssyncadd.s32 $0xFFFFC000  }
0x133: {  	[tilespmem:s3], [sflag:$0x5] =	stream.linear.gather [hbm4b:s6+s3], $0x1000, $0x38;
	[tilespmem:$0x1D000] =	vst v63  }
0x134: {  	_ =	swait.ge [sflag:s10], $0x1000  }
0x135: {  	[sflag:s10] =	ssyncset.done $0x0  }
0x136: {  	[sflag:s10] =	ssyncadd.s32 $0xFFFFF000  }
0x137: {  	[tilespmem:s12], [sflag:$0x1] =	stream.indirect.gather [hbm4b:s4+s11], $0x80, s3, s11, $0xb8;
	[tilespmem:$0x1D000] =	vst v63  }
0x138: {  	s8 =	rddreg [dreg:$0x4]  }
0x139: {  	[tilespmem:s13], [sflag:$0x2] =	stream.indirect.gather [hbm4b:s4+s11], $0x80, s8, s11, $0xb8;
	[tilespmem:$0x1D000] =	vst v63  }
0x13a: {  	_ =	swait.ge [sflag:s14], $0x4000  }
0x13b: {  	[sflag:s14] =	ssyncset.done $0x0  }
0x13c: {  	[sflag:s14] =	ssyncadd.s32 $0xFFFFC000  }
0x13d: {  	[spmem:s2] =	stream.indirect.scatter.add.f32 [tilespmem:s12], [sflag:$0x3], $0x80, s11, s11, $0xb8;
	[tilespmem:$0x1D000] =	vst v63  }
0x13e: {  	_ =	swait.ge [sflag:s15], $0x4000  }
0x13f: {  	[sflag:s15] =	ssyncset.done $0x0  }
0x140: {  	s9 =	rddreg [dreg:$0x5];
	[sflag:s15] =	ssyncadd.s32 $0xFFFFC000  }
0x141: {  	[tilespmem:s12], [sflag:$0x1] =	stream.indirect.gather [hbm4b:s4+s11], $0x80, s9, s11, $0xb8;
	[tilespmem:$0x1D000] =	vst v63  }
0x142: {  	_ =	swait.ge [sflag:s16], $0x4000  }
0x143: {  	[sflag:s16] =	ssyncset.done $0x0  }
0x144: {  	s18 =	rddreg [dreg:$0x6];
	[sflag:s16] =	ssyncadd.s32 $0xFFFFC000  }
0x145: {  	[spmem:s2] =	stream.indirect.scatter.add.f32 [tilespmem:s13], [sflag:$0x4], $0x80, s18, s11, $0xb8;
	[tilespmem:$0x1D000] =	vst v63  }
0x146: {  	_ =	swait.ge [sflag:s17], $0x4000  }
0x147: {  	[sflag:s17] =	ssyncset.done $0x0  }
0x148: {  	s8 =	rddreg [dreg:$0x7];
	[sflag:s17] =	ssyncadd.s32 $0xFFFFC000  }
0x149: {  	[tilespmem:s13], [sflag:$0x2] =	stream.indirect.gather [hbm4b:s4+s11], $0x80, s8, s11, $0xb8;
	[tilespmem:$0x1D000] =	vst v63  }
0x14a: {  	_ =	swait.ge [sflag:s14], $0x4000  }
0x14b: {  	[sflag:s14] =	ssyncset.done $0x0  }
0x14c: {  	s9 =	rddreg [dreg:$0x8];
	[sflag:s14] =	ssyncadd.s32 $0xFFFFC000  }
0x14d: {  	[spmem:s2] =	stream.indirect.scatter.add.f32 [tilespmem:s12], [sflag:$0x3], $0x80, s9, s11, $0xb8;
	[tilespmem:$0x1D000] =	vst v63  }
0x14e: {  	_ =	swait.ge [sflag:s15], $0x4000  }
0x14f: {  	[sflag:s15] =	ssyncset.done $0x0  }
0x150: {  	s18 =	rddreg [dreg:$0x9];
	[sflag:s15] =	ssyncadd.s32 $0xFFFFC000  }
0x151: {  	[tilespmem:s12], [sflag:$0x1] =	stream.indirect.gather [hbm4b:s4+s11], $0x80, s18, s11, $0xb8;
	[tilespmem:$0x1D000] =	vst v63  }
0x152: {  	_ =	swait.ge [sflag:s16], $0x4000  }
0x153: {  	[sflag:s16] =	ssyncset.done $0x0  }
0x154: {  	s8 =	rddreg [dreg:$0xa];
	[sflag:s16] =	ssyncadd.s32 $0xFFFFC000  }
0x155: {  	[spmem:s2] =	stream.indirect.scatter.add.f32 [tilespmem:s13], [sflag:$0x4], $0x80, s8, s11, $0xb8;
	[tilespmem:$0x1D000] =	vst v63  }
0x156: {  	_ =	swait.ge [sflag:s17], $0x4000  }
0x157: {  	[sflag:s17] =	ssyncset.done $0x0  }
0x158: {  	s9 =	rddreg [dreg:$0xb];
	[sflag:s17] =	ssyncadd.s32 $0xFFFFC000  }
0x159: {  	[tilespmem:s13], [sflag:$0x2] =	stream.indirect.gather [hbm4b:s4+s11], $0x80, s9, s11, $0xb8;
	[tilespmem:$0x1D000] =	vst v63  }
0x15a: {  	_ =	swait.ge [sflag:s14], $0x4000  }
0x15b: {  	[sflag:s14] =	ssyncset.done $0x0  }
0x15c: {  	s18 =	rddreg [dreg:$0xc];
	[sflag:s14] =	ssyncadd.s32 $0xFFFFC000  }
0x15d: {  	[spmem:s2] =	stream.indirect.scatter.add.f32 [tilespmem:s12], [sflag:$0x3], $0x80, s18, s11, $0xb8;
	[tilespmem:$0x1D000] =	vst v63  }
0x15e: {  	_ =	swait.ge [sflag:s15], $0x4000  }
0x15f: {  	[sflag:s15] =	ssyncset.done $0x0  }
0x160: {  	s8 =	rddreg [dreg:$0xd];
	[sflag:s15] =	ssyncadd.s32 $0xFFFFC000  }
0x161: {  	[tilespmem:s12], [sflag:$0x1] =	stream.indirect.gather [hbm4b:s4+s11], $0x80, s8, s11, $0xb8;
	[tilespmem:$0x1D000] =	vst v63  }
0x162: {  	_ =	swait.ge [sflag:s16], $0x4000  }
0x163: {  	[sflag:s16] =	ssyncset.done $0x0  }
0x164: {  	s9 =	rddreg [dreg:$0xe];
	[sflag:s16] =	ssyncadd.s32 $0xFFFFC000  }
0x165: {  	[spmem:s2] =	stream.indirect.scatter.add.f32 [tilespmem:s13], [sflag:$0x4], $0x80, s9, s11, $0xb8;
	[tilespmem:$0x1D000] =	vst v63  }
0x166: {  	_ =	swait.ge [sflag:s17], $0x4000  }
0x167: {  	[sflag:s17] =	ssyncset.done $0x0  }
0x168: {  	s18 =	rddreg [dreg:$0xf];
	[sflag:s17] =	ssyncadd.s32 $0xFFFFC000  }
0x169: {  	[tilespmem:s13], [sflag:$0x2] =	stream.indirect.gather [hbm4b:s4+s11], $0x80, s18, s11, $0xb8;
	[tilespmem:$0x1D000] =	vst v63  }
0x16a: {  	_ =	swait.ge [sflag:s14], $0x4000  }
0x16b: {  	[sflag:s14] =	ssyncset.done $0x0  }
0x16c: {  	s8 =	rddreg [dreg:$0x10];
	[sflag:s14] =	ssyncadd.s32 $0xFFFFC000  }
0x16d: {  	[spmem:s2] =	stream.indirect.scatter.add.f32 [tilespmem:s12], [sflag:$0x3], $0x80, s8, s11, $0xb8;
	[tilespmem:$0x1D000] =	vst v63  }
0x16e: {  	_ =	swait.ge [sflag:s15], $0x4000  }
0x16f: {  	[sflag:s15] =	ssyncset.done $0x0  }
0x170: {  	s9 =	simm.s32 $0x800;
	[sflag:s15] =	ssyncadd.s32 $0xFFFFC000  }
0x171: {  	[tilespmem:s12], [sflag:$0x1] =	stream.indirect.gather [hbm4b:s4+s11], $0x80, s9, s11, $0xb8;
	[tilespmem:$0x1D000] =	vst v63  }
0x172: {  	_ =	swait.ge [sflag:s16], $0x4000  }
0x173: {  	[sflag:s16] =	ssyncset.done $0x0  }
0x174: {  	[sflag:s16] =	ssyncadd.s32 $0xFFFFC000  }
0x175: {  	[spmem:s2] =	stream.indirect.scatter.add.f32 [tilespmem:s13], [sflag:$0x4], $0x80, s19, s11, $0xb8;
	[tilespmem:$0x1D000] =	vst v63  }
0x176: {  	_ =	swait.ge [sflag:s17], $0x4000  }
0x177: {  	[sflag:s17] =	ssyncset.done $0x0  }
0x178: {  	[sflag:s17] =	ssyncadd.s32 $0xFFFFC000  }
0x179: {  	[tilespmem:s13], [sflag:$0x2] =	stream.indirect.gather [hbm4b:s4+s11], $0x80, s20, s11, $0xb8;
	[tilespmem:$0x1D000] =	vst v63  }
0x17a: {  	_ =	swait.ge [sflag:s14], $0x4000  }
0x17b: {  	[sflag:s14] =	ssyncset.done $0x0  }
0x17c: {  	[sflag:s14] =	ssyncadd.s32 $0xFFFFC000  }
0x17d: {  	[spmem:s2] =	stream.indirect.scatter.add.f32 [tilespmem:s12], [sflag:$0x3], $0x80, s21, s11, $0xb8;
	[tilespmem:$0x1D000] =	vst v63  }
0x17e: {  	_ =	swait.ge [sflag:s15], $0x4000  }
0x17f: {  	[sflag:s15] =	ssyncset.done $0x0  }
0x180: {  	[sflag:s15] =	ssyncadd.s32 $0xFFFFC000  }
0x181: {  	[tilespmem:s12], [sflag:$0x1] =	stream.indirect.gather [hbm4b:s4+s11], $0x80, s22, s11, $0xb8;
	[tilespmem:$0x1D000] =	vst v63  }
0x182: {  	_ =	swait.ge [sflag:s16], $0x4000  }
0x183: {  	[sflag:s16] =	ssyncset.done $0x0  }
0x184: {  	[sflag:s16] =	ssyncadd.s32 $0xFFFFC000  }
0x185: {  	[spmem:s2] =	stream.indirect.scatter.add.f32 [tilespmem:s13], [sflag:$0x4], $0x80, s23, s11, $0xb8;
	[tilespmem:$0x1D000] =	vst v63  }
0x186: {  	_ =	swait.ge [sflag:s17], $0x4000  }
0x187: {  	[sflag:s17] =	ssyncset.done $0x0  }
0x188: {  	[sflag:s17] =	ssyncadd.s32 $0xFFFFC000  }
0x189: {  	[tilespmem:s13], [sflag:$0x2] =	stream.indirect.gather [hbm4b:s4+s11], $0x80, s24, s11, $0xb8;
	[tilespmem:$0x1D000] =	vst v63  }
0x18a: {  	_ =	swait.ge [sflag:s14], $0x4000  }
0x18b: {  	[sflag:s14] =	ssyncset.done $0x0  }
0x18c: {  	[sflag:s14] =	ssyncadd.s32 $0xFFFFC000  }
0x18d: {  	[spmem:s2] =	stream.indirect.scatter.add.f32 [tilespmem:s12], [sflag:$0x3], $0x80, s25, s11, $0xb8;
	[tilespmem:$0x1D000] =	vst v63  }
0x18e: {  	_ =	swait.ge [sflag:s15], $0x4000  }
0x18f: {  	[sflag:s15] =	ssyncset.done $0x0  }
0x190: {  	[sflag:s15] =	ssyncadd.s32 $0xFFFFC000  }
0x191: {  	[tilespmem:s12], [sflag:$0x1] =	stream.indirect.gather [hbm4b:s4+s11], $0x80, s26, s11, $0xb8;
	[tilespmem:$0x1D000] =	vst v63  }
0x192: {  	_ =	swait.ge [sflag:s16], $0x4000  }
0x193: {  	[sflag:s16] =	ssyncset.done $0x0  }
0x194: {  	[sflag:s16] =	ssyncadd.s32 $0xFFFFC000  }
0x195: {  	[spmem:s2] =	stream.indirect.scatter.add.f32 [tilespmem:s13], [sflag:$0x4], $0x80, s28, s11, $0xb8;
	[tilespmem:$0x1D000] =	vst v63  }
0x196: {  	_ =	swait.ge [sflag:s17], $0x4000  }
0x197: {  	[sflag:s17] =	ssyncset.done $0x0  }
0x198: {  	[sflag:s17] =	ssyncadd.s32 $0xFFFFC000  }
0x199: {  	[tilespmem:s13], [sflag:$0x2] =	stream.indirect.gather [hbm4b:s4+s11], $0x80, s29, s11, $0xb8;
	[tilespmem:$0x1D000] =	vst v63  }
0x19a: {  	_ =	swait.ge [sflag:s14], $0x4000  }
0x19b: {  	[sflag:s14] =	ssyncset.done $0x0  }
0x19c: {  	[sflag:s14] =	ssyncadd.s32 $0xFFFFC000  }
0x19d: {  	[spmem:s2] =	stream.indirect.scatter.add.f32 [tilespmem:s12], [sflag:$0x3], $0x80, s30, s11, $0xb8;
	[tilespmem:$0x1D000] =	vst v63  }
0x19e: {  	_ =	swait.ge [sflag:s15], $0x4000  }
0x19f: {  	[sflag:s15] =	ssyncset.done $0x0  }
0x1a0: {  	[sflag:s15] =	ssyncadd.s32 $0xFFFFC000  }
0x1a1: {  	[tilespmem:s12], [sflag:$0x1] =	stream.indirect.gather [hbm4b:s4+s11], $0x80, s31, s11, $0xb8;
	[tilespmem:$0x1D000] =	vst v63  }
0x1a2: {  	_ =	swait.ge [sflag:s16], $0x4000  }
0x1a3: {  	[sflag:s16] =	ssyncset.done $0x0  }
0x1a4: {  	[sflag:s16] =	ssyncadd.s32 $0xFFFFC000  }
0x1a5: {  	[spmem:s2] =	stream.indirect.scatter.add.f32 [tilespmem:s13], [sflag:$0x4], $0x80, s0, s11, $0xb8;
	[tilespmem:$0x1D000] =	vst v63  }
0x1a6: {  	_ =	swait.ge [sflag:s17], $0x4000  }
0x1a7: {  	[sflag:s17] =	ssyncset.done $0x0  }
0x1a8: {  	[sflag:s17] =	ssyncadd.s32 $0xFFFFC000  }
0x1a9: {  	[tilespmem:s13], [sflag:$0x2] =	stream.indirect.gather [hbm4b:s4+s11], $0x80, s1, s11, $0xb8;
	[tilespmem:$0x1D000] =	vst v63  }
0x1aa: {  	_ =	swait.ge [sflag:s14], $0x4000  }
0x1ab: {  	[sflag:s14] =	ssyncset.done $0x0  }
0x1ac: {  	[sflag:s14] =	ssyncadd.s32 $0xFFFFC000  }
0x1ad: {  	[spmem:s2] =	stream.indirect.scatter.add.f32 [tilespmem:s12], [sflag:$0x3], $0x80, s5, s11, $0xb8;
	[tilespmem:$0x1D000] =	vst v63  }
0x1ae: {  	_ =	swait.ge [sflag:s16], $0x4000  }
0x1af: {  	[sflag:s16] =	ssyncset.done $0x0  }
0x1b0: {  	[sflag:s16] =	ssyncadd.s32 $0xFFFFC000  }
0x1b1: {  	[spmem:s2] =	stream.indirect.scatter.add.f32 [tilespmem:s13], [sflag:$0x4], $0x80, s7, s11, $0xb8;
	[tilespmem:$0x1D000] =	vst v63  }
0x1b2: {  	_ =	swait.ge [sflag:s15], $0x4000  }
0x1b3: {  	[sflag:s15] =	ssyncset.done $0x0  }
0x1b4: {  	[sflag:s15] =	ssyncadd.s32 $0xFFFFC000  }
0x1b5: {  	_ =	swait.ge [sflag:s17], $0x4000  }
0x1b6: {  	[sflag:s17] =	ssyncset.done $0x0  }
0x1b7: {  	[sflag:s17] =	ssyncadd.s32 $0xFFFFC000  }
0x1b8: {  	[bflag:$0x0] =	sbarrier.arrive $0xFFFF  }
0x1b9: {  	s8 =	rddreg [dreg:$0x12]  }
0x1ba: {  	s18 =	rddreg [dreg:$0x13]  }
0x1bb: {  	s9 =	rddreg [dreg:$0x15]  }
0x1bc: {  	[hbm:s18], [sflag:s8] =	dma.local [spmem:s9], $0x2800  }
0x1bd: {  	_ =	swait.ge [sflag:s10], $0x2800  }
0x1be: {  	s18 =	rddreg [dreg:$0x16]  }
0x1bf: {  	s6 =	rddreg [dreg:$0x14];
	s18 =	sadd.s32 $0x1, s18  }
0x1c0: {  	p0 =	sne.s32 s18, s6  }
.Ltmp1:
0x1c1: {  	_ = 	snop;
	(pc) =	sbr.rel @p0 .LBB2_1-.Ltmp1, $3  }
0x1c2: {  	_ =	sdelay $0x1  }
0x1c3: {  	[sflag:s10] =	ssyncset.done $0x0  }
0x1c4: {  	[sflag:s10] =	ssyncadd.s32 $0xFFFFD800  }
0x1c5: {  	_ =	sfence.sel $0x180000  }
0x1c6: {  	[bflag:$0x0] =	sbarrier.arrive $0xFFFF  }
0x1c7: {  	_ =	strace $0x9000004A  }
0x1c8: {  	s0 =	stileid.u32;
	[bflag:$0x2] =	sbarrier.arrive $0xFFFF  }
0x1c9: {  	p0 =	sne.s32 s0, $0x0;
	s0 =	rddreg [dreg:$0x2]  }
0x1ca: {  	s0 =	sadd.s32 @!p0 $0x100000, s0  }
0x1cb: {  	[sflag:s0] =	ssyncadd.tile.s32 @!p0 $0x1;
	_ =	shalt  }
.Lfunc_end2:
_tile_overlayer_lowered:
.L_overlay_start_2:
0x1cc: {  	(tag) =	ssettag $0x2  }
0x1cd: {  	s0 =	rddreg [dreg:$0x0];
	s2 =	stileid.u32  }
0x1ce: {  	s1 =	rddreg [dreg:$0x1];
	p0 =	sne.s32 s2, $0x0  }
0x1cf: {  	s3 =	rddreg [dreg:$0x2];
	[bflag:$0x3] =	sbarrier.arrive $0xFFFF;
	s2 =	simm.s32 @!p0 $0x1C05  }
0x1d0: {  	[timem:s3], [sflag:s2] =	dma.local @!p0 [hbm:s0], s1  }
0x1d1: {  	s0 =	simm.s32 @!p0 $0x5  }
0x1d2: {  	_ =	swait.ge @!p0 [sflag:s0], s1  }
0x1d3: {  	s1 =	ssub.s32 @!p0 $0x0, s1;
	[sflag:s0] =	ssyncset.done @!p0 $0x0  }
0x1d4: {  	[sflag:s0] =	ssyncadd.s32 @!p0 s1  }
0x1d5: {  	[bflag:$0x3] =	sbarrier.arrive $0xFFFF  }
0x1d6: {  	_ =	shalt  }

// kernel: kernel.7.cloned.1.call-start
scs
__scs_entry_jumppad:
0x0: {  	(pc) =	sbr.rel $0x88, $3  }
0x1: {  	(tag) =	ssettag $0x0;
	lr =	simm.s32 $0x1  }
0x2: {  	[smem:$0x3F8F] =	sst lr;
	_ =	strace $0xD0000000  }
0x3: {  	_ = 	snop  }
0x4: {  	_ = 	snop  }
0x5: {  	_ = 	snop  }
0x6: {  	_ = 	snop  }
0x7: {  	_ = 	snop  }
__scs_overlays_trampoline_lowered:
0x8: {  	[smem:$0x3F9E] =	sst s0  }
0x9: {  	[smem:$0x3F9F] =	sst s1  }
0xa: {  	[smem:$0x3FA0] =	sst s2  }
0xb: {  	[smem:$0x3FA1] =	sst s3  }
0xc: {  	[smem:$0x3FA2] =	sst s4  }
0xd: {  	[smem:$0x3FA3] =	sst s5  }
0xe: {  	[smem:$0x3FA4] =	sst s6  }
0xf: {  	[smem:$0x3FA5] =	sst s7  }
0x10: {  	[smem:$0x3FA6] =	sst s8  }
0x11: {  	[smem:$0x3FA7] =	sst s9;
	s0 =	simm.s32 @!p0 $0x0  }
0x12: {  	s1 =	sld [smem:$0x3F8D];
	s0 =	simm.s32 @p0 $0x1  }
0x13: {  	[smem:$0x3FA8] =	sst s0;
	s0 =	simm.s32 @!p1 $0x0  }
0x14: {  	s2 =	sld [smem:$0x3F8C];
	s0 =	simm.s32 @p1 $0x1  }
0x15: {  	[smem:$0x3FA9] =	sst s0;
	s0 =	simm.s32 @!p2 $0x0  }
0x16: {  	s3 =	sld [smem:$0x3FDB];
	s0 =	simm.s32 @p2 $0x1  }
0x17: {  	s4 =	simm.s32 $0x1BF5;
	[smem:$0x3FAB] =	sst s0  }
0x18: {  	s0 =	sld [smem:$0x3F8E];
	_ =	swait.ge [sflag:s4], $0x0  }
0x19: {  	s7 =	sld [smem:$0x3F8F]  }
0x1a: {  	s8 =	sadd.s32 $0xFFFFE003, lr  }
0x1b: {  	s9 =	sadd.s32 $0xFFFFFEF7, lr;
	s5 =	simm.s32 $0xFFFFFFFF;
	p2 =	slt.u32 s8, $0xFFFFF086  }
0x1c: {  	p1 =	slt.u32 s9, $0xF7A;
	s5 =	simm.s32 @!p2 $0x0  }
0x1d: {  	s5 =	simm.s32 @p1 $0x1;
	p0 =	seq.s32 s7, s2  }
0x1e: {  	s7 =	smul.u32 @!p0 $0xF7A, s2;
	p2 =	seq.s32 @!p0 s5, $0x0  }
0x1f: {  	s9 =	smul.u32 $0xF7A, s1;
	s8 =	simm.s32 @!p0 $0x1BF5;
	p2 =	por !p2, p0  }
0x20: {  	[sflag:s8] =	ssyncset.s32 @!p0 $0xFFFFF086;
	s6 =	sadd.s32 @!p0 s3, s7;
	s7 =	simm.s32 @!p0 $0x108  }
0x21: {  	s3 =	sadd.s32 s3, s9;
	s6 =	sadd.s32 @!p0 $0x88, s6;
	s7 =	simm.s32 @p2 $0x1082  }
0x22: {  	[simem:s7], [sflag:s8] =	dma.local @!p0 [hbm:s6], $0xF7A  }
0x23: {  	s9 =	sor.u32 $0xD0000000, s2;
	s6 =	simm.s32 $0x108;
	_ =	swait.ge @!p0 [sflag:s8], $0x0  }
0x24: {  	s3 =	sadd.s32 $0x88, s3;
	s6 =	simm.s32 @!p1 $0x1082;
	[sflag:s4] =	ssyncset.s32 $0xFFFFF086  }
0x25: {  	[simem:s6], [sflag:s4] =	dma.local [hbm:s3], $0xF7A  }
0x26: {  	[smem:$0x3F8F] =	sst s1;
	(tag) =	ssettag s2;
	_ =	strace s9  }
0x27: {  	s1 =	sld [smem:$0x3F9F]  }
0x28: {  	s2 =	sld [smem:$0x3FA0]  }
0x29: {  	s4 =	sld [smem:$0x3FA2]  }
0x2a: {  	p0 =	seq.s32 s5, $0x0;
	s5 =	sld [smem:$0x3FA3]  }
0x2b: {  	s6 =	sld [smem:$0x3FA4]  }
0x2c: {  	s7 =	sld [smem:$0x3FA5]  }
0x2d: {  	s3 =	simm.s32 $0x108;
	s8 =	sld [smem:$0x3FA6]  }
0x2e: {  	s3 =	simm.s32 @!p0 $0x1082;
	s9 =	sld [smem:$0x3FA7]  }
0x2f: {  	lr =	sadd.s32 s0, s3;
	s0 =	sld [smem:$0x3F9E]  }
0x30: {  	s3 =	sld [smem:$0x3FA1]  }
0x31: {  	[smem:$0x3FAA] =	sst s10  }
0x32: {  	s10 =	sld [smem:$0x3FA8];
	_ =	sdelay $0x3  }
0x33: {  	p0 =	seq.s32 s10, $0x1;
	s10 =	sld [smem:$0x3FAA];
	_ =	sdelay $0x3  }
0x34: {  	[smem:$0x3FAA] =	sst s10  }
0x35: {  	s10 =	sld [smem:$0x3FA9];
	_ =	sdelay $0x3  }
0x36: {  	p1 =	seq.s32 s10, $0x1;
	s10 =	sld [smem:$0x3FAA];
	_ =	sdelay $0x3  }
0x37: {  	[smem:$0x3FAA] =	sst s10  }
0x38: {  	s10 =	sld [smem:$0x3FAB]  }
0x39: {  	_ = 	snop;
	(pc) =	sbr.ind lr, $3  }
0x3a: {  	_ = 	snop  }
0x3b: {  	_ = 	snop  }
0x3c: {  	p2 =	seq.s32 s10, $0x1;
	s10 =	sld [smem:$0x3FAA]  }
0x3d: {  	_ =	shalt  }
0x3e: {  	_ =	shalt  }
0x3f: {  	_ =	shalt  }
0x40: {  	_ =	shalt  }
0x41: {  	_ =	shalt  }
0x42: {  	_ =	shalt  }
0x43: {  	_ =	shalt  }
0x44: {  	_ =	shalt  }
0x45: {  	_ =	shalt  }
0x46: {  	_ =	shalt  }
0x47: {  	_ =	shalt  }
0x48: {  	_ =	shalt  }
0x49: {  	_ =	shalt  }
0x4a: {  	_ =	shalt  }
0x4b: {  	_ =	shalt  }
0x4c: {  	_ =	shalt  }
0x4d: {  	_ =	shalt  }
0x4e: {  	_ =	shalt  }
0x4f: {  	_ =	shalt  }
0x50: {  	_ =	shalt  }
0x51: {  	_ =	shalt  }
0x52: {  	_ =	shalt  }
0x53: {  	_ =	shalt  }
0x54: {  	_ =	shalt  }
0x55: {  	_ =	shalt  }
0x56: {  	_ =	shalt  }
0x57: {  	_ =	shalt  }
0x58: {  	_ =	shalt  }
0x59: {  	_ =	shalt  }
0x5a: {  	_ =	shalt  }
0x5b: {  	_ =	shalt  }
0x5c: {  	_ =	shalt  }
0x5d: {  	_ =	shalt  }
0x5e: {  	_ =	shalt  }
0x5f: {  	_ =	shalt  }
0x60: {  	_ =	shalt  }
0x61: {  	_ =	shalt  }
0x62: {  	_ =	shalt  }
0x63: {  	_ =	shalt  }
0x64: {  	_ =	shalt  }
0x65: {  	_ =	shalt  }
0x66: {  	_ =	shalt  }
0x67: {  	_ =	shalt  }
0x68: {  	_ =	shalt  }
0x69: {  	_ =	shalt  }
0x6a: {  	_ =	shalt  }
0x6b: {  	_ =	shalt  }
0x6c: {  	_ =	shalt  }
0x6d: {  	_ =	shalt  }
0x6e: {  	_ =	shalt  }
0x6f: {  	_ =	shalt  }
0x70: {  	_ =	shalt  }
0x71: {  	_ =	shalt  }
0x72: {  	_ =	shalt  }
0x73: {  	_ =	shalt  }
0x74: {  	_ =	shalt  }
0x75: {  	_ =	shalt  }
0x76: {  	_ =	shalt  }
0x77: {  	_ =	shalt  }
0x78: {  	_ =	shalt  }
0x79: {  	_ =	shalt  }
0x7a: {  	_ =	shalt  }
0x7b: {  	_ =	shalt  }
0x7c: {  	_ =	shalt  }
0x7d: {  	_ =	shalt  }
0x7e: {  	_ =	shalt  }
0x7f: {  	_ =	shalt  }
0x80: {  	_ =	shalt  }
0x81: {  	_ =	shalt  }
0x82: {  	_ =	shalt  }
0x83: {  	_ =	shalt  }
0x84: {  	_ =	shalt  }
0x85: {  	_ =	shalt  }
0x86: {  	_ =	shalt  }
0x87: {  	_ =	shalt  }
.Lfunc_end0:
.L_simem_size_0:
called_computation_lowered:
.L_overlay_start_0:
0x88: {  	s2 =	sld [smem:$0x3FD9]  }
0x89: {  	s3 =	sld [smem:$0x3FFE];
	_ =	sdelay $0x1  }
0x8a: {  	s1 =	srdreg.scid  }
0x8b: {  	s0 =	sand.u32 $0x1, s1  }
0x8c: {  	s16 =	sshll.u32 s0, $0xA;
	s2 =	sadd.s32 s3, s2  }
0x8d: {  	s2 =	sadd.s32 s2, s16  }
0x8e: {  	[smem:$0x3FB6] =	sst s2  }
0x8f: {  	_ = 	snop  }
0x90: {  	(tm) =	ssettm $0x1  }
0x91: {  	s17 =	sld [smem:$0x3FFB];
	_ =	sdelay $0x3  }
0x92: {  	_ =	strace s17  }
0x93: {  	s2 =	sld [smem:$0x3FFC];
	_ =	sdelay $0x3  }
0x94: {  	_ =	strace s2  }
0x95: {  	s2 =	sld [smem:$0x3FFD];
	_ =	sdelay $0x3  }
0x96: {  	_ =	strace s2  }
0x97: {  	_ =	strace $0x8FFFFFFF  }
0x98: {  	s18 =	sld [smem:$0x3FDB];
	_ =	sdelay $0x1  }
0x99: {  	s19 =	simm.s32 $_scs_section_size  }
0x9a: {  	s4 =	simm.s32 $_size__tile_overlayer_lowered;
	s5 =	simm.s32 $_tile_overlayer_lowered  }
0x9b: {  	s22 =	simm.s32 $0x1BFF;
	s21 =	sshll.u32 s5, $0x1;
	s2 =	sadd.s32 s19, s18  }
0x9c: {  	s6 =	simm.s32 $0x0;
	s20 =	sshll.u32 s4, $0x1;
	s4 =	sadd.s32 s21, s2  }
0x9d: {  	[timem:s6], [sflag:s22] =	dma.local [hbm:s4], s20  }
0x9e: {  	_ =	swait.ge [sflag:s22], s20  }
0x9f: {  	s3 =	ssub.s32 $0x0, s20;
	[sflag:s22] =	ssyncset.done $0x0  }
0xa0: {  	[sflag:s22] =	ssyncadd.s32 s3;
	_ =	sdelay $0x1  }
0xa1: {  	s23 =	simm.s32 $0x1B8B  }
0xa2: {  	_ =	swait.ge [sflag:s23], $0x1  }
0xa3: {  	[sflag:s23] =	ssyncset.done $0x0  }
0xa4: {  	s25 =	simm.s32 $0x1B8E;
	s24 =	sld [smem:$0x3FFE];
	[sflag:s23] =	ssyncadd.s32 $0xFFFFFFFF  }
0xa5: {  	s26 =	simm.s32 $execute0_lowered;
	[smem:$0x3FD2] =	sst s25  }
0xa6: {  	s4 =	sshll.u32 s26, $0x1;
	_ =	strace $0x80000046;
	[dreg:$0x1] =	wrdreg $0xFFFFFFFF  }
0xa7: {  	s28 =	simm.s32 $_size_execute0_lowered;
	s2 =	sadd.s32 s2, s4;
	[dreg:$0x0] =	wrdreg $0x0  }
0xa8: {  	s4 =	sshll.u32 s28, $0x1;
	[dreg:$0x2] =	wrdreg s2  }
0xa9: {  	[dreg:$0x3] =	wrdreg s4  }
0xaa: {  	[dreg:$0x4] =	wrdreg $0xC0  }
0xab: {  	_ =	task [dreg:s6], $0x5FFFF  }
0xac: {  	[dreg:$0x1] =	wrdreg $0xFFFFFFFF  }
0xad: {  	[dreg:$0x0] =	wrdreg $0x60  }
0xae: {  	[dreg:$0x2] =	wrdreg s24  }
0xaf: {  	[dreg:$0x3] =	wrdreg $0x90000  }
0xb0: {  	[dreg:$0x4] =	wrdreg $0x9  }
0xb1: {  	_ =	task.clear_ibuf [dreg:s6], $0x5FFFF;
	_ =	strace $0x90000046  }
0xb2: {  	s29 =	simm.s32 $0x9;
	_ =	strace $0x80000048  }
0xb3: {  	_ =	swait.ge [sflag:s29], $0x1  }
0xb4: {  	[sflag:s29] =	ssyncadd.s32 $0xFFFFFFFF  }
0xb5: {  	_ =	strace $0x90000048  }
0xb6: {  	_ =	sfence  }
0xb7: {  	s30 =	sld [smem:$0x0];
	_ =	sdelay $0x2  }
0xb8: {  	s31 =	sshll.u32 s1, $0xD;
	s1 =	sshrl.u32 s1, $0x2  }
0xb9: {  	s3 =	sand.u32 $0x4000, s31;
	s1 =	sadd.s32 s1, s30  }
0xba: {  	s0 =	sor.u32 s3, s0;
	s1 =	sshll.u32 s1, $0x11  }
0xbb: {  	s0 =	sor.u32 s1, s0  }
0xbc: {  	s0 =	sadd.s32 $0x8F2B, s0  }
0xbd: {  	[sflag:s0] =	ssyncadd.remote.s32 $0x1  }
0xbe: {  	_ =	sfence.sel $0xFFFF  }
0xbf: {  	[dreg:$0x0] =	wrdreg $0xFFFFFFFF;
	(pc) =	sbr.abs _section_cstart, $3  }
0xc0: {  	[dreg:$0x1] =	wrdreg $0xFFFFFFFF  }
0xc1: {  	_ =	task.clear_ibuf [dreg:s6], $0x2FFFF;
	_ =	strace $0x9FFFFFFF  }
0xc2: {  	(tm) =	ssettm $0x7FFFFFFF  }
0xc3: {  	_ =	shalt  }
tec
execute0_lowered:
.L_overlay_start_1:
0x0: {  	(tag) =	ssettag $0x1  }
0x1: {  	s0 =	rddreg [dreg:$0x0]  }
0x2: {  	s2 =	rddreg [dreg:$0x1];
	s9 =	stileid.u32;
	s3 =	simm.s32 $0x0  }
0x3: {  	s1 =	srdreg.scid;
	s13 =	simm.s32 $0x100;
	s14 =	simm.s32 $0x200  }
0x4: {  	s16 =	simm.s32 $0x180;
	s17 =	simm.s32 $0x300;
	[smem:$0x7FF] =	sst s3  }
0x5: {  	s18 =	simm.s32 $0x280;
	_ =	strace $0x80000047;
	[dreg:$0x4] =	wrdreg s13  }
0x6: {  	s19 =	simm.s32 $0x400;
	s20 =	simm.s32 $0x380;
	[dreg:$0x5] =	wrdreg s14  }
0x7: {  	s21 =	simm.s32 $0x500;
	s22 =	simm.s32 $0x480;
	[dreg:$0x6] =	wrdreg s16  }
0x8: {  	s23 =	simm.s32 $0x600;
	s24 =	simm.s32 $0x580;
	[dreg:$0x7] =	wrdreg s17  }
0x9: {  	s25 =	simm.s32 $0x700;
	s28 =	simm.s32 $0xB80;
	[dreg:$0x8] =	wrdreg s18  }
0xa: {  	s29 =	simm.s32 $0xD00;
	s30 =	simm.s32 $0xC80;
	[dreg:$0x9] =	wrdreg s19  }
0xb: {  	s31 =	simm.s32 $0xE00;
	s5 =	smul.u32 $0xA00, s9;
	[dreg:$0xa] =	wrdreg s20  }
0xc: {  	s1 =	sand.u32 $0x1, s1;
	s6 =	smul.u32 $0x14000, s9;
	[dreg:$0xb] =	wrdreg s21  }
0xd: {  	s4 =	sadd.s32 $0x3F400, s0;
	s10 =	smul.u32 $0x50000, s9;
	[dreg:$0xc] =	wrdreg s22  }
0xe: {  	s15 =	sshll.u32 s9, $0x6;
	p0 =	seq.s32 s1, $0x0;
	[dreg:$0xd] =	wrdreg s23  }
0xf: {  	s8 =	smul.u32 $0x140000, s1;
	s1 =	ssub.s32 $0x2, s1;
	[dreg:$0xe] =	wrdreg s24  }
0x10: {  	s13 =	simm.s32 $0x5000;
	s14 =	simm.s32 $0x1;
	[dreg:$0xf] =	wrdreg s25  }
0x11: {  	s16 =	simm.s32 $0x2;
	s17 =	simm.s32 $0x4;
	s19 =	simm.s32 $0x780  }
0x12: {  	s20 =	simm.s32 $0x900;
	s21 =	simm.s32 $0x880;
	s22 =	simm.s32 $0xA00  }
0x13: {  	s23 =	simm.s32 $0x980;
	s24 =	simm.s32 $0xB00;
	s25 =	simm.s32 $0xA80  }
0x14: {  	s18 =	simm.s32 $0x0;
	s7 =	sadd.s32 $0xA000, s5;
	s26 =	sshrl.u32 s6, $0x3  }
0x15: {  	s11 =	sshrl.u32 s1, $0x1;
	s12 =	sshrl.u32 s10, $0x2;
	s10 =	simm.s32 $0x5  }
0x16: {  	s7 =	smov.u32 @p0 s5;
	s6 =	sadd.s32 s6, s8;
	s1 =	ssub.s32 s1, s11  }
0x17: {  	s8 =	sor.u32 $0x1C05, s15;
	s11 =	simm.s32 $0x80;
	s15 =	simm.s32 $0x3  }
0x18: {  	s5 =	sadd.s32 s7, s0;
	s6 =	sshrl.u32 s6, $0x3;
	s7 =	sadd.s32 s26, s0  }
0x19: {  	s1 =	smax.u32 s1, $0x1;
	s26 =	simm.s32 $0x680;
	[dreg:$0x12] =	wrdreg s8  }
0x1a: {  	s0 =	sadd.s32 s6, s0;
	s5 =	sadd.s32 $0x3400, s5;
	[dreg:$0x14] =	wrdreg s1  }
0x1b: {  	s6 =	sadd.s32 s12, s2;
	s7 =	sadd.s32 $0x67400, s7;
	[dreg:$0x10] =	wrdreg s26  }
0x1c: {  	s12 =	simm.s32 $0x1000;
	s26 =	simm.s32 $0xC00;
	[dreg:$0x3] =	wrdreg s5  }
0x1d: {  	s1 =	simm.s32 $0xF00;
	[dreg:$0x11] =	wrdreg s7;
	s0 =	sadd.s32 $0x8F400, s0  }
0x1e: {  	s9 =	sshrl.u32 s6, $0x3;
	s5 =	simm.s32 $0xE80;
	[dreg:$0x13] =	wrdreg s0  }
0x1f: {  	s7 =	simm.s32 $0xF80;
	s0 =	simm.s32 $0xD80;
	[dreg:$0x15] =	wrdreg s9  }
.LBB2_1:
0x20: {  	[dreg:$0x16] =	wrdreg s18  }
0x21: {  	s6 =	rddreg [dreg:$0x11]  }
0x22: {  	[spmem:s9], [sflag:s8] =	dma.local [hbm:s6], $0x2800  }
0x23: {  	_ =	swait.ge [sflag:s10], $0x2800  }
0x24: {  	[sflag:s10] =	ssyncset.done $0x0  }
0x25: {  	[sflag:s10] =	ssyncadd.s32 $0xFFFFD800  }
0x26: {  	[bflag:$0x0] =	sbarrier.arrive $0xFFFF  }
0x27: {  	s8 =	rddreg [dreg:$0x3]  }
0x28: {  	s6 =	sadd.s32 $0x0, s8  }
0x29: {  	[tilespmem:s3], [sflag:$0x5] =	stream.linear.gather [hbm4b:s6+s3], $0x1000, $0x38;
	[tilespmem:$0x1D000] =	vst v63  }
0x2a: {  	_ =	swait.ge [sflag:s10], $0x1000  }
0x2b: {  	[sflag:s10] =	ssyncset.done $0x0  }
0x2c: {  	[sflag:s10] =	ssyncadd.s32 $0xFFFFF000  }
0x2d: {  	[tilespmem:s12], [sflag:$0x1] =	stream.indirect.gather [hbm4b:s4+s11], $0x80, s3, s11, $0xb8;
	[tilespmem:$0x1D000] =	vst v63  }
0x2e: {  	s9 =	rddreg [dreg:$0x4]  }
0x2f: {  	[tilespmem:s13], [sflag:$0x2] =	stream.indirect.gather [hbm4b:s4+s11], $0x80, s9, s11, $0xb8;
	[tilespmem:$0x1D000] =	vst v63  }
0x30: {  	_ =	swait.ge [sflag:s14], $0x4000  }
0x31: {  	[sflag:s14] =	ssyncset.done $0x0  }
0x32: {  	[sflag:s14] =	ssyncadd.s32 $0xFFFFC000  }
0x33: {  	[spmem:s2] =	stream.indirect.scatter.add.f32 [tilespmem:s12], [sflag:$0x3], $0x80, s11, s11, $0xb8;
	[tilespmem:$0x1D000] =	vst v63  }
0x34: {  	_ =	swait.ge [sflag:s15], $0x4000  }
0x35: {  	[sflag:s15] =	ssyncset.done $0x0  }
0x36: {  	s18 =	rddreg [dreg:$0x5];
	[sflag:s15] =	ssyncadd.s32 $0xFFFFC000  }
0x37: {  	[tilespmem:s12], [sflag:$0x1] =	stream.indirect.gather [hbm4b:s4+s11], $0x80, s18, s11, $0xb8;
	[tilespmem:$0x1D000] =	vst v63  }
0x38: {  	_ =	swait.ge [sflag:s16], $0x4000  }
0x39: {  	[sflag:s16] =	ssyncset.done $0x0  }
0x3a: {  	s8 =	rddreg [dreg:$0x6];
	[sflag:s16] =	ssyncadd.s32 $0xFFFFC000  }
0x3b: {  	[spmem:s2] =	stream.indirect.scatter.add.f32 [tilespmem:s13], [sflag:$0x4], $0x80, s8, s11, $0xb8;
	[tilespmem:$0x1D000] =	vst v63  }
0x3c: {  	_ =	swait.ge [sflag:s17], $0x4000  }
0x3d: {  	[sflag:s17] =	ssyncset.done $0x0  }
0x3e: {  	s9 =	rddreg [dreg:$0x7];
	[sflag:s17] =	ssyncadd.s32 $0xFFFFC000  }
0x3f: {  	[tilespmem:s13], [sflag:$0x2] =	stream.indirect.gather [hbm4b:s4+s11], $0x80, s9, s11, $0xb8;
	[tilespmem:$0x1D000] =	vst v63  }
0x40: {  	_ =	swait.ge [sflag:s14], $0x4000  }
0x41: {  	[sflag:s14] =	ssyncset.done $0x0  }
0x42: {  	s18 =	rddreg [dreg:$0x8];
	[sflag:s14] =	ssyncadd.s32 $0xFFFFC000  }
0x43: {  	[spmem:s2] =	stream.indirect.scatter.add.f32 [tilespmem:s12], [sflag:$0x3], $0x80, s18, s11, $0xb8;
	[tilespmem:$0x1D000] =	vst v63  }
0x44: {  	_ =	swait.ge [sflag:s15], $0x4000  }
0x45: {  	[sflag:s15] =	ssyncset.done $0x0  }
0x46: {  	s8 =	rddreg [dreg:$0x9];
	[sflag:s15] =	ssyncadd.s32 $0xFFFFC000  }
0x47: {  	[tilespmem:s12], [sflag:$0x1] =	stream.indirect.gather [hbm4b:s4+s11], $0x80, s8, s11, $0xb8;
	[tilespmem:$0x1D000] =	vst v63  }
0x48: {  	_ =	swait.ge [sflag:s16], $0x4000  }
0x49: {  	[sflag:s16] =	ssyncset.done $0x0  }
0x4a: {  	s9 =	rddreg [dreg:$0xa];
	[sflag:s16] =	ssyncadd.s32 $0xFFFFC000  }
0x4b: {  	[spmem:s2] =	stream.indirect.scatter.add.f32 [tilespmem:s13], [sflag:$0x4], $0x80, s9, s11, $0xb8;
	[tilespmem:$0x1D000] =	vst v63  }
0x4c: {  	_ =	swait.ge [sflag:s17], $0x4000  }
0x4d: {  	[sflag:s17] =	ssyncset.done $0x0  }
0x4e: {  	s18 =	rddreg [dreg:$0xb];
	[sflag:s17] =	ssyncadd.s32 $0xFFFFC000  }
0x4f: {  	[tilespmem:s13], [sflag:$0x2] =	stream.indirect.gather [hbm4b:s4+s11], $0x80, s18, s11, $0xb8;
	[tilespmem:$0x1D000] =	vst v63  }
0x50: {  	_ =	swait.ge [sflag:s14], $0x4000  }
0x51: {  	[sflag:s14] =	ssyncset.done $0x0  }
0x52: {  	s8 =	rddreg [dreg:$0xc];
	[sflag:s14] =	ssyncadd.s32 $0xFFFFC000  }
0x53: {  	[spmem:s2] =	stream.indirect.scatter.add.f32 [tilespmem:s12], [sflag:$0x3], $0x80, s8, s11, $0xb8;
	[tilespmem:$0x1D000] =	vst v63  }
0x54: {  	_ =	swait.ge [sflag:s15], $0x4000  }
0x55: {  	[sflag:s15] =	ssyncset.done $0x0  }
0x56: {  	s9 =	rddreg [dreg:$0xd];
	[sflag:s15] =	ssyncadd.s32 $0xFFFFC000  }
0x57: {  	[tilespmem:s12], [sflag:$0x1] =	stream.indirect.gather [hbm4b:s4+s11], $0x80, s9, s11, $0xb8;
	[tilespmem:$0x1D000] =	vst v63  }
0x58: {  	_ =	swait.ge [sflag:s16], $0x4000  }
0x59: {  	[sflag:s16] =	ssyncset.done $0x0  }
0x5a: {  	s18 =	rddreg [dreg:$0xe];
	[sflag:s16] =	ssyncadd.s32 $0xFFFFC000  }
0x5b: {  	[spmem:s2] =	stream.indirect.scatter.add.f32 [tilespmem:s13], [sflag:$0x4], $0x80, s18, s11, $0xb8;
	[tilespmem:$0x1D000] =	vst v63  }
0x5c: {  	_ =	swait.ge [sflag:s17], $0x4000  }
0x5d: {  	[sflag:s17] =	ssyncset.done $0x0  }
0x5e: {  	s8 =	rddreg [dreg:$0xf];
	[sflag:s17] =	ssyncadd.s32 $0xFFFFC000  }
0x5f: {  	[tilespmem:s13], [sflag:$0x2] =	stream.indirect.gather [hbm4b:s4+s11], $0x80, s8, s11, $0xb8;
	[tilespmem:$0x1D000] =	vst v63  }
0x60: {  	_ =	swait.ge [sflag:s14], $0x4000  }
0x61: {  	[sflag:s14] =	ssyncset.done $0x0  }
0x62: {  	s9 =	rddreg [dreg:$0x10];
	[sflag:s14] =	ssyncadd.s32 $0xFFFFC000  }
0x63: {  	[spmem:s2] =	stream.indirect.scatter.add.f32 [tilespmem:s12], [sflag:$0x3], $0x80, s9, s11, $0xb8;
	[tilespmem:$0x1D000] =	vst v63  }
0x64: {  	_ =	swait.ge [sflag:s15], $0x4000  }
0x65: {  	[sflag:s15] =	ssyncset.done $0x0  }
0x66: {  	s18 =	simm.s32 $0x800;
	[sflag:s15] =	ssyncadd.s32 $0xFFFFC000  }
0x67: {  	[tilespmem:s12], [sflag:$0x1] =	stream.indirect.gather [hbm4b:s4+s11], $0x80, s18, s11, $0xb8;
	[tilespmem:$0x1D000] =	vst v63  }
0x68: {  	_ =	swait.ge [sflag:s16], $0x4000  }
0x69: {  	[sflag:s16] =	ssyncset.done $0x0  }
0x6a: {  	[sflag:s16] =	ssyncadd.s32 $0xFFFFC000  }
0x6b: {  	[spmem:s2] =	stream.indirect.scatter.add.f32 [tilespmem:s13], [sflag:$0x4], $0x80, s19, s11, $0xb8;
	[tilespmem:$0x1D000] =	vst v63  }
0x6c: {  	_ =	swait.ge [sflag:s17], $0x4000  }
0x6d: {  	[sflag:s17] =	ssyncset.done $0x0  }
0x6e: {  	[sflag:s17] =	ssyncadd.s32 $0xFFFFC000  }
0x6f: {  	[tilespmem:s13], [sflag:$0x2] =	stream.indirect.gather [hbm4b:s4+s11], $0x80, s20, s11, $0xb8;
	[tilespmem:$0x1D000] =	vst v63  }
0x70: {  	_ =	swait.ge [sflag:s14], $0x4000  }
0x71: {  	[sflag:s14] =	ssyncset.done $0x0  }
0x72: {  	[sflag:s14] =	ssyncadd.s32 $0xFFFFC000  }
0x73: {  	[spmem:s2] =	stream.indirect.scatter.add.f32 [tilespmem:s12], [sflag:$0x3], $0x80, s21, s11, $0xb8;
	[tilespmem:$0x1D000] =	vst v63  }
0x74: {  	_ =	swait.ge [sflag:s15], $0x4000  }
0x75: {  	[sflag:s15] =	ssyncset.done $0x0  }
0x76: {  	[sflag:s15] =	ssyncadd.s32 $0xFFFFC000  }
0x77: {  	[tilespmem:s12], [sflag:$0x1] =	stream.indirect.gather [hbm4b:s4+s11], $0x80, s22, s11, $0xb8;
	[tilespmem:$0x1D000] =	vst v63  }
0x78: {  	_ =	swait.ge [sflag:s16], $0x4000  }
0x79: {  	[sflag:s16] =	ssyncset.done $0x0  }
0x7a: {  	[sflag:s16] =	ssyncadd.s32 $0xFFFFC000  }
0x7b: {  	[spmem:s2] =	stream.indirect.scatter.add.f32 [tilespmem:s13], [sflag:$0x4], $0x80, s23, s11, $0xb8;
	[tilespmem:$0x1D000] =	vst v63  }
0x7c: {  	_ =	swait.ge [sflag:s17], $0x4000  }
0x7d: {  	[sflag:s17] =	ssyncset.done $0x0  }
0x7e: {  	[sflag:s17] =	ssyncadd.s32 $0xFFFFC000  }
0x7f: {  	[tilespmem:s13], [sflag:$0x2] =	stream.indirect.gather [hbm4b:s4+s11], $0x80, s24, s11, $0xb8;
	[tilespmem:$0x1D000] =	vst v63  }
0x80: {  	_ =	swait.ge [sflag:s14], $0x4000  }
0x81: {  	[sflag:s14] =	ssyncset.done $0x0  }
0x82: {  	[sflag:s14] =	ssyncadd.s32 $0xFFFFC000  }
0x83: {  	[spmem:s2] =	stream.indirect.scatter.add.f32 [tilespmem:s12], [sflag:$0x3], $0x80, s25, s11, $0xb8;
	[tilespmem:$0x1D000] =	vst v63  }
0x84: {  	_ =	swait.ge [sflag:s15], $0x4000  }
0x85: {  	[sflag:s15] =	ssyncset.done $0x0  }
0x86: {  	[sflag:s15] =	ssyncadd.s32 $0xFFFFC000  }
0x87: {  	[tilespmem:s12], [sflag:$0x1] =	stream.indirect.gather [hbm4b:s4+s11], $0x80, s26, s11, $0xb8;
	[tilespmem:$0x1D000] =	vst v63  }
0x88: {  	_ =	swait.ge [sflag:s16], $0x4000  }
0x89: {  	[sflag:s16] =	ssyncset.done $0x0  }
0x8a: {  	[sflag:s16] =	ssyncadd.s32 $0xFFFFC000  }
0x8b: {  	[spmem:s2] =	stream.indirect.scatter.add.f32 [tilespmem:s13], [sflag:$0x4], $0x80, s28, s11, $0xb8;
	[tilespmem:$0x1D000] =	vst v63  }
0x8c: {  	_ =	swait.ge [sflag:s17], $0x4000  }
0x8d: {  	[sflag:s17] =	ssyncset.done $0x0  }
0x8e: {  	[sflag:s17] =	ssyncadd.s32 $0xFFFFC000  }
0x8f: {  	[tilespmem:s13], [sflag:$0x2] =	stream.indirect.gather [hbm4b:s4+s11], $0x80, s29, s11, $0xb8;
	[tilespmem:$0x1D000] =	vst v63  }
0x90: {  	_ =	swait.ge [sflag:s14], $0x4000  }
0x91: {  	[sflag:s14] =	ssyncset.done $0x0  }
0x92: {  	[sflag:s14] =	ssyncadd.s32 $0xFFFFC000  }
0x93: {  	[spmem:s2] =	stream.indirect.scatter.add.f32 [tilespmem:s12], [sflag:$0x3], $0x80, s30, s11, $0xb8;
	[tilespmem:$0x1D000] =	vst v63  }
0x94: {  	_ =	swait.ge [sflag:s15], $0x4000  }
0x95: {  	[sflag:s15] =	ssyncset.done $0x0  }
0x96: {  	[sflag:s15] =	ssyncadd.s32 $0xFFFFC000  }
0x97: {  	[tilespmem:s12], [sflag:$0x1] =	stream.indirect.gather [hbm4b:s4+s11], $0x80, s31, s11, $0xb8;
	[tilespmem:$0x1D000] =	vst v63  }
0x98: {  	_ =	swait.ge [sflag:s16], $0x4000  }
0x99: {  	[sflag:s16] =	ssyncset.done $0x0  }
0x9a: {  	[sflag:s16] =	ssyncadd.s32 $0xFFFFC000  }
0x9b: {  	[spmem:s2] =	stream.indirect.scatter.add.f32 [tilespmem:s13], [sflag:$0x4], $0x80, s0, s11, $0xb8;
	[tilespmem:$0x1D000] =	vst v63  }
0x9c: {  	_ =	swait.ge [sflag:s17], $0x4000  }
0x9d: {  	[sflag:s17] =	ssyncset.done $0x0  }
0x9e: {  	[sflag:s17] =	ssyncadd.s32 $0xFFFFC000  }
0x9f: {  	[tilespmem:s13], [sflag:$0x2] =	stream.indirect.gather [hbm4b:s4+s11], $0x80, s1, s11, $0xb8;
	[tilespmem:$0x1D000] =	vst v63  }
0xa0: {  	_ =	swait.ge [sflag:s14], $0x4000  }
0xa1: {  	[sflag:s14] =	ssyncset.done $0x0  }
0xa2: {  	[sflag:s14] =	ssyncadd.s32 $0xFFFFC000  }
0xa3: {  	[spmem:s2] =	stream.indirect.scatter.add.f32 [tilespmem:s12], [sflag:$0x3], $0x80, s5, s11, $0xb8;
	[tilespmem:$0x1D000] =	vst v63  }
0xa4: {  	_ =	swait.ge [sflag:s16], $0x4000  }
0xa5: {  	[sflag:s16] =	ssyncset.done $0x0  }
0xa6: {  	[sflag:s16] =	ssyncadd.s32 $0xFFFFC000  }
0xa7: {  	[spmem:s2] =	stream.indirect.scatter.add.f32 [tilespmem:s13], [sflag:$0x4], $0x80, s7, s11, $0xb8;
	[tilespmem:$0x1D000] =	vst v63  }
0xa8: {  	_ =	swait.ge [sflag:s15], $0x4000  }
0xa9: {  	[sflag:s15] =	ssyncset.done $0x0  }
0xaa: {  	[sflag:s15] =	ssyncadd.s32 $0xFFFFC000  }
0xab: {  	s6 =	simm.s32 $0x200;
	_ =	swait.ge [sflag:s17], $0x4000  }
0xac: {  	s9 =	simm.s32 $0x400;
	s8 =	rddreg [dreg:$0x3];
	[sflag:s17] =	ssyncset.done $0x0  }
.LBB2_2:
0xad: {  	[sflag:s17] =	ssyncadd.s32 $0xFFFFC000;
	s8 =	sadd.s32 s6, s8  }
0xae: {  	[tilespmem:s3], [sflag:$0x5] =	stream.linear.gather [hbm4b:s8+s3], $0x1000, $0x38;
	[tilespmem:$0x1D000] =	vst v63  }
0xaf: {  	_ =	swait.ge [sflag:s10], $0x1000  }
0xb0: {  	[sflag:s10] =	ssyncset.done $0x0  }
0xb1: {  	s18 =	smov.u32 s9;
	[sflag:s10] =	ssyncadd.s32 $0xFFFFF000  }
0xb2: {  	[tilespmem:s12], [sflag:$0x1] =	stream.indirect.gather [hbm4b:s4+s11], $0x80, s3, s11, $0xb8;
	[tilespmem:$0x1D000] =	vst v63  }
0xb3: {  	s6 =	smov.u32 s18;
	s18 =	rddreg [dreg:$0x4]  }
0xb4: {  	[tilespmem:s13], [sflag:$0x2] =	stream.indirect.gather [hbm4b:s4+s11], $0x80, s18, s11, $0xb8;
	[tilespmem:$0x1D000] =	vst v63  }
0xb5: {  	_ =	swait.ge [sflag:s14], $0x4000  }
0xb6: {  	[sflag:s14] =	ssyncset.done $0x0  }
0xb7: {  	[sflag:s14] =	ssyncadd.s32 $0xFFFFC000  }
0xb8: {  	[spmem:s2] =	stream.indirect.scatter.add.f32 [tilespmem:s12], [sflag:$0x3], $0x80, s11, s11, $0xb8;
	[tilespmem:$0x1D000] =	vst v63  }
0xb9: {  	_ =	swait.ge [sflag:s15], $0x4000  }
0xba: {  	[sflag:s15] =	ssyncset.done $0x0  }
0xbb: {  	s18 =	rddreg [dreg:$0x5];
	[sflag:s15] =	ssyncadd.s32 $0xFFFFC000  }
0xbc: {  	[tilespmem:s12], [sflag:$0x1] =	stream.indirect.gather [hbm4b:s4+s11], $0x80, s18, s11, $0xb8;
	[tilespmem:$0x1D000] =	vst v63  }
0xbd: {  	_ =	swait.ge [sflag:s16], $0x4000  }
0xbe: {  	[sflag:s16] =	ssyncset.done $0x0  }
0xbf: {  	s18 =	rddreg [dreg:$0x6];
	[sflag:s16] =	ssyncadd.s32 $0xFFFFC000  }
0xc0: {  	[spmem:s2] =	stream.indirect.scatter.add.f32 [tilespmem:s13], [sflag:$0x4], $0x80, s18, s11, $0xb8;
	[tilespmem:$0x1D000] =	vst v63  }
0xc1: {  	_ =	swait.ge [sflag:s17], $0x4000  }
0xc2: {  	[sflag:s17] =	ssyncset.done $0x0  }
0xc3: {  	s18 =	rddreg [dreg:$0x7];
	[sflag:s17] =	ssyncadd.s32 $0xFFFFC000  }
0xc4: {  	[tilespmem:s13], [sflag:$0x2] =	stream.indirect.gather [hbm4b:s4+s11], $0x80, s18, s11, $0xb8;
	[tilespmem:$0x1D000] =	vst v63  }
0xc5: {  	_ =	swait.ge [sflag:s14], $0x4000  }
0xc6: {  	[sflag:s14] =	ssyncset.done $0x0  }
0xc7: {  	s18 =	rddreg [dreg:$0x8];
	[sflag:s14] =	ssyncadd.s32 $0xFFFFC000  }
0xc8: {  	[spmem:s2] =	stream.indirect.scatter.add.f32 [tilespmem:s12], [sflag:$0x3], $0x80, s18, s11, $0xb8;
	[tilespmem:$0x1D000] =	vst v63  }
0xc9: {  	_ =	swait.ge [sflag:s15], $0x4000  }
0xca: {  	[sflag:s15] =	ssyncset.done $0x0  }
0xcb: {  	s18 =	rddreg [dreg:$0x9];
	[sflag:s15] =	ssyncadd.s32 $0xFFFFC000  }
0xcc: {  	[tilespmem:s12], [sflag:$0x1] =	stream.indirect.gather [hbm4b:s4+s11], $0x80, s18, s11, $0xb8;
	[tilespmem:$0x1D000] =	vst v63  }
0xcd: {  	_ =	swait.ge [sflag:s16], $0x4000  }
0xce: {  	[sflag:s16] =	ssyncset.done $0x0  }
0xcf: {  	s18 =	rddreg [dreg:$0xa];
	[sflag:s16] =	ssyncadd.s32 $0xFFFFC000  }
0xd0: {  	[spmem:s2] =	stream.indirect.scatter.add.f32 [tilespmem:s13], [sflag:$0x4], $0x80, s18, s11, $0xb8;
	[tilespmem:$0x1D000] =	vst v63  }
0xd1: {  	_ =	swait.ge [sflag:s17], $0x4000  }
0xd2: {  	[sflag:s17] =	ssyncset.done $0x0  }
0xd3: {  	s18 =	rddreg [dreg:$0xb];
	[sflag:s17] =	ssyncadd.s32 $0xFFFFC000  }
0xd4: {  	[tilespmem:s13], [sflag:$0x2] =	stream.indirect.gather [hbm4b:s4+s11], $0x80, s18, s11, $0xb8;
	[tilespmem:$0x1D000] =	vst v63  }
0xd5: {  	_ =	swait.ge [sflag:s14], $0x4000  }
0xd6: {  	[sflag:s14] =	ssyncset.done $0x0  }
0xd7: {  	s18 =	rddreg [dreg:$0xc];
	[sflag:s14] =	ssyncadd.s32 $0xFFFFC000  }
0xd8: {  	[spmem:s2] =	stream.indirect.scatter.add.f32 [tilespmem:s12], [sflag:$0x3], $0x80, s18, s11, $0xb8;
	[tilespmem:$0x1D000] =	vst v63  }
0xd9: {  	_ =	swait.ge [sflag:s15], $0x4000  }
0xda: {  	[sflag:s15] =	ssyncset.done $0x0  }
0xdb: {  	s18 =	rddreg [dreg:$0xd];
	[sflag:s15] =	ssyncadd.s32 $0xFFFFC000  }
0xdc: {  	[tilespmem:s12], [sflag:$0x1] =	stream.indirect.gather [hbm4b:s4+s11], $0x80, s18, s11, $0xb8;
	[tilespmem:$0x1D000] =	vst v63  }
0xdd: {  	_ =	swait.ge [sflag:s16], $0x4000  }
0xde: {  	[sflag:s16] =	ssyncset.done $0x0  }
0xdf: {  	s18 =	rddreg [dreg:$0xe];
	[sflag:s16] =	ssyncadd.s32 $0xFFFFC000  }
0xe0: {  	[spmem:s2] =	stream.indirect.scatter.add.f32 [tilespmem:s13], [sflag:$0x4], $0x80, s18, s11, $0xb8;
	[tilespmem:$0x1D000] =	vst v63  }
0xe1: {  	_ =	swait.ge [sflag:s17], $0x4000  }
0xe2: {  	[sflag:s17] =	ssyncset.done $0x0  }
0xe3: {  	s18 =	rddreg [dreg:$0xf];
	[sflag:s17] =	ssyncadd.s32 $0xFFFFC000  }
0xe4: {  	[tilespmem:s13], [sflag:$0x2] =	stream.indirect.gather [hbm4b:s4+s11], $0x80, s18, s11, $0xb8;
	[tilespmem:$0x1D000] =	vst v63  }
0xe5: {  	_ =	swait.ge [sflag:s14], $0x4000  }
0xe6: {  	[sflag:s14] =	ssyncset.done $0x0  }
0xe7: {  	s18 =	rddreg [dreg:$0x10];
	[sflag:s14] =	ssyncadd.s32 $0xFFFFC000  }
0xe8: {  	[spmem:s2] =	stream.indirect.scatter.add.f32 [tilespmem:s12], [sflag:$0x3], $0x80, s18, s11, $0xb8;
	[tilespmem:$0x1D000] =	vst v63  }
0xe9: {  	_ =	swait.ge [sflag:s15], $0x4000  }
0xea: {  	[sflag:s15] =	ssyncset.done $0x0  }
0xeb: {  	s18 =	simm.s32 $0x800;
	[sflag:s15] =	ssyncadd.s32 $0xFFFFC000  }
0xec: {  	[tilespmem:s12], [sflag:$0x1] =	stream.indirect.gather [hbm4b:s4+s11], $0x80, s18, s11, $0xb8;
	[tilespmem:$0x1D000] =	vst v63  }
0xed: {  	_ =	swait.ge [sflag:s16], $0x4000  }
0xee: {  	[sflag:s16] =	ssyncset.done $0x0  }
0xef: {  	[sflag:s16] =	ssyncadd.s32 $0xFFFFC000  }
0xf0: {  	[spmem:s2] =	stream.indirect.scatter.add.f32 [tilespmem:s13], [sflag:$0x4], $0x80, s19, s11, $0xb8;
	[tilespmem:$0x1D000] =	vst v63  }
0xf1: {  	_ =	swait.ge [sflag:s17], $0x4000  }
0xf2: {  	[sflag:s17] =	ssyncset.done $0x0  }
0xf3: {  	[sflag:s17] =	ssyncadd.s32 $0xFFFFC000  }
0xf4: {  	[tilespmem:s13], [sflag:$0x2] =	stream.indirect.gather [hbm4b:s4+s11], $0x80, s20, s11, $0xb8;
	[tilespmem:$0x1D000] =	vst v63  }
0xf5: {  	_ =	swait.ge [sflag:s14], $0x4000  }
0xf6: {  	[sflag:s14] =	ssyncset.done $0x0  }
0xf7: {  	[sflag:s14] =	ssyncadd.s32 $0xFFFFC000  }
0xf8: {  	[spmem:s2] =	stream.indirect.scatter.add.f32 [tilespmem:s12], [sflag:$0x3], $0x80, s21, s11, $0xb8;
	[tilespmem:$0x1D000] =	vst v63  }
0xf9: {  	_ =	swait.ge [sflag:s15], $0x4000  }
0xfa: {  	[sflag:s15] =	ssyncset.done $0x0  }
0xfb: {  	[sflag:s15] =	ssyncadd.s32 $0xFFFFC000  }
0xfc: {  	[tilespmem:s12], [sflag:$0x1] =	stream.indirect.gather [hbm4b:s4+s11], $0x80, s22, s11, $0xb8;
	[tilespmem:$0x1D000] =	vst v63  }
0xfd: {  	_ =	swait.ge [sflag:s16], $0x4000  }
0xfe: {  	[sflag:s16] =	ssyncset.done $0x0  }
0xff: {  	[sflag:s16] =	ssyncadd.s32 $0xFFFFC000  }
0x100: {  	[spmem:s2] =	stream.indirect.scatter.add.f32 [tilespmem:s13], [sflag:$0x4], $0x80, s23, s11, $0xb8;
	[tilespmem:$0x1D000] =	vst v63  }
0x101: {  	_ =	swait.ge [sflag:s17], $0x4000  }
0x102: {  	[sflag:s17] =	ssyncset.done $0x0  }
0x103: {  	[sflag:s17] =	ssyncadd.s32 $0xFFFFC000  }
0x104: {  	[tilespmem:s13], [sflag:$0x2] =	stream.indirect.gather [hbm4b:s4+s11], $0x80, s24, s11, $0xb8;
	[tilespmem:$0x1D000] =	vst v63  }
0x105: {  	_ =	swait.ge [sflag:s14], $0x4000  }
0x106: {  	[sflag:s14] =	ssyncset.done $0x0  }
0x107: {  	[sflag:s14] =	ssyncadd.s32 $0xFFFFC000  }
0x108: {  	[spmem:s2] =	stream.indirect.scatter.add.f32 [tilespmem:s12], [sflag:$0x3], $0x80, s25, s11, $0xb8;
	[tilespmem:$0x1D000] =	vst v63  }
0x109: {  	_ =	swait.ge [sflag:s15], $0x4000  }
0x10a: {  	[sflag:s15] =	ssyncset.done $0x0  }
0x10b: {  	[sflag:s15] =	ssyncadd.s32 $0xFFFFC000  }
0x10c: {  	[tilespmem:s12], [sflag:$0x1] =	stream.indirect.gather [hbm4b:s4+s11], $0x80, s26, s11, $0xb8;
	[tilespmem:$0x1D000] =	vst v63  }
0x10d: {  	_ =	swait.ge [sflag:s16], $0x4000  }
0x10e: {  	[sflag:s16] =	ssyncset.done $0x0  }
0x10f: {  	[sflag:s16] =	ssyncadd.s32 $0xFFFFC000  }
0x110: {  	[spmem:s2] =	stream.indirect.scatter.add.f32 [tilespmem:s13], [sflag:$0x4], $0x80, s28, s11, $0xb8;
	[tilespmem:$0x1D000] =	vst v63  }
0x111: {  	_ =	swait.ge [sflag:s17], $0x4000  }
0x112: {  	[sflag:s17] =	ssyncset.done $0x0  }
0x113: {  	[sflag:s17] =	ssyncadd.s32 $0xFFFFC000  }
0x114: {  	[tilespmem:s13], [sflag:$0x2] =	stream.indirect.gather [hbm4b:s4+s11], $0x80, s29, s11, $0xb8;
	[tilespmem:$0x1D000] =	vst v63  }
0x115: {  	_ =	swait.ge [sflag:s14], $0x4000  }
0x116: {  	[sflag:s14] =	ssyncset.done $0x0  }
0x117: {  	[sflag:s14] =	ssyncadd.s32 $0xFFFFC000  }
0x118: {  	[spmem:s2] =	stream.indirect.scatter.add.f32 [tilespmem:s12], [sflag:$0x3], $0x80, s30, s11, $0xb8;
	[tilespmem:$0x1D000] =	vst v63  }
0x119: {  	_ =	swait.ge [sflag:s15], $0x4000  }
0x11a: {  	[sflag:s15] =	ssyncset.done $0x0  }
0x11b: {  	[sflag:s15] =	ssyncadd.s32 $0xFFFFC000  }
0x11c: {  	[tilespmem:s12], [sflag:$0x1] =	stream.indirect.gather [hbm4b:s4+s11], $0x80, s31, s11, $0xb8;
	[tilespmem:$0x1D000] =	vst v63  }
0x11d: {  	_ =	swait.ge [sflag:s16], $0x4000  }
0x11e: {  	[sflag:s16] =	ssyncset.done $0x0  }
0x11f: {  	[sflag:s16] =	ssyncadd.s32 $0xFFFFC000  }
0x120: {  	[spmem:s2] =	stream.indirect.scatter.add.f32 [tilespmem:s13], [sflag:$0x4], $0x80, s0, s11, $0xb8;
	[tilespmem:$0x1D000] =	vst v63  }
0x121: {  	_ =	swait.ge [sflag:s17], $0x4000  }
0x122: {  	[sflag:s17] =	ssyncset.done $0x0  }
0x123: {  	[sflag:s17] =	ssyncadd.s32 $0xFFFFC000  }
0x124: {  	[tilespmem:s13], [sflag:$0x2] =	stream.indirect.gather [hbm4b:s4+s11], $0x80, s1, s11, $0xb8;
	[tilespmem:$0x1D000] =	vst v63  }
0x125: {  	_ =	swait.ge [sflag:s14], $0x4000  }
0x126: {  	[sflag:s14] =	ssyncset.done $0x0  }
0x127: {  	[sflag:s14] =	ssyncadd.s32 $0xFFFFC000  }
0x128: {  	[spmem:s2] =	stream.indirect.scatter.add.f32 [tilespmem:s12], [sflag:$0x3], $0x80, s5, s11, $0xb8;
	[tilespmem:$0x1D000] =	vst v63  }
0x129: {  	_ =	swait.ge [sflag:s16], $0x4000  }
0x12a: {  	[sflag:s16] =	ssyncset.done $0x0  }
0x12b: {  	p0 =	sne.s32 s9, $0x800;
	[sflag:s16] =	ssyncadd.s32 $0xFFFFC000  }
0x12c: {  	[spmem:s2] =	stream.indirect.scatter.add.f32 [tilespmem:s13], [sflag:$0x4], $0x80, s7, s11, $0xb8;
	[tilespmem:$0x1D000] =	vst v63  }
.Ltmp0:
0x12d: {  	_ =	swait.ge [sflag:s15], $0x4000;
	(pc) =	sbr.rel @p0 .LBB2_2-.Ltmp0, $4  }
0x12e: {  	[sflag:s15] =	ssyncset.done $0x0  }
0x12f: {  	[sflag:s15] =	ssyncadd.s32 $0xFFFFC000  }
0x130: {  	_ =	swait.ge [sflag:s17], $0x4000  }
0x131: {  	s9 =	sadd.s32 $0x200, s9;
	s8 =	rddreg [dreg:$0x3];
	[sflag:s17] =	ssyncset.done $0x0  }
0x132: {  	s6 =	sadd.s32 s6, s8;
	[sflag:s17] =	ssyncadd.s32 $0xFFFFC000  }
0x133: {  	[tilespmem:s3], [sflag:$0x5] =	stream.linear.gather [hbm4b:s6+s3], $0x1000, $0x38;
	[tilespmem:$0x1D000] =	vst v63  }
0x134: {  	_ =	swait.ge [sflag:s10], $0x1000  }
0x135: {  	[sflag:s10] =	ssyncset.done $0x0  }
0x136: {  	[sflag:s10] =	ssyncadd.s32 $0xFFFFF000  }
0x137: {  	[tilespmem:s12], [sflag:$0x1] =	stream.indirect.gather [hbm4b:s4+s11], $0x80, s3, s11, $0xb8;
	[tilespmem:$0x1D000] =	vst v63  }
0x138: {  	s8 =	rddreg [dreg:$0x4]  }
0x139: {  	[tilespmem:s13], [sflag:$0x2] =	stream.indirect.gather [hbm4b:s4+s11], $0x80, s8, s11, $0xb8;
	[tilespmem:$0x1D000] =	vst v63  }
0x13a: {  	_ =	swait.ge [sflag:s14], $0x4000  }
0x13b: {  	[sflag:s14] =	ssyncset.done $0x0  }
0x13c: {  	[sflag:s14] =	ssyncadd.s32 $0xFFFFC000  }
0x13d: {  	[spmem:s2] =	stream.indirect.scatter.add.f32 [tilespmem:s12], [sflag:$0x3], $0x80, s11, s11, $0xb8;
	[tilespmem:$0x1D000] =	vst v63  }
0x13e: {  	_ =	swait.ge [sflag:s15], $0x4000  }
0x13f: {  	[sflag:s15] =	ssyncset.done $0x0  }
0x140: {  	s9 =	rddreg [dreg:$0x5];
	[sflag:s15] =	ssyncadd.s32 $0xFFFFC000  }
0x141: {  	[tilespmem:s12], [sflag:$0x1] =	stream.indirect.gather [hbm4b:s4+s11], $0x80, s9, s11, $0xb8;
	[tilespmem:$0x1D000] =	vst v63  }
0x142: {  	_ =	swait.ge [sflag:s16], $0x4000  }
0x143: {  	[sflag:s16] =	ssyncset.done $0x0  }
0x144: {  	s18 =	rddreg [dreg:$0x6];
	[sflag:s16] =	ssyncadd.s32 $0xFFFFC000  }
0x145: {  	[spmem:s2] =	stream.indirect.scatter.add.f32 [tilespmem:s13], [sflag:$0x4], $0x80, s18, s11, $0xb8;
	[tilespmem:$0x1D000] =	vst v63  }
0x146: {  	_ =	swait.ge [sflag:s17], $0x4000  }
0x147: {  	[sflag:s17] =	ssyncset.done $0x0  }
0x148: {  	s8 =	rddreg [dreg:$0x7];
	[sflag:s17] =	ssyncadd.s32 $0xFFFFC000  }
0x149: {  	[tilespmem:s13], [sflag:$0x2] =	stream.indirect.gather [hbm4b:s4+s11], $0x80, s8, s11, $0xb8;
	[tilespmem:$0x1D000] =	vst v63  }
0x14a: {  	_ =	swait.ge [sflag:s14], $0x4000  }
0x14b: {  	[sflag:s14] =	ssyncset.done $0x0  }
0x14c: {  	s9 =	rddreg [dreg:$0x8];
	[sflag:s14] =	ssyncadd.s32 $0xFFFFC000  }
0x14d: {  	[spmem:s2] =	stream.indirect.scatter.add.f32 [tilespmem:s12], [sflag:$0x3], $0x80, s9, s11, $0xb8;
	[tilespmem:$0x1D000] =	vst v63  }
0x14e: {  	_ =	swait.ge [sflag:s15], $0x4000  }
0x14f: {  	[sflag:s15] =	ssyncset.done $0x0  }
0x150: {  	s18 =	rddreg [dreg:$0x9];
	[sflag:s15] =	ssyncadd.s32 $0xFFFFC000  }
0x151: {  	[tilespmem:s12], [sflag:$0x1] =	stream.indirect.gather [hbm4b:s4+s11], $0x80, s18, s11, $0xb8;
	[tilespmem:$0x1D000] =	vst v63  }
0x152: {  	_ =	swait.ge [sflag:s16], $0x4000  }
0x153: {  	[sflag:s16] =	ssyncset.done $0x0  }
0x154: {  	s8 =	rddreg [dreg:$0xa];
	[sflag:s16] =	ssyncadd.s32 $0xFFFFC000  }
0x155: {  	[spmem:s2] =	stream.indirect.scatter.add.f32 [tilespmem:s13], [sflag:$0x4], $0x80, s8, s11, $0xb8;
	[tilespmem:$0x1D000] =	vst v63  }
0x156: {  	_ =	swait.ge [sflag:s17], $0x4000  }
0x157: {  	[sflag:s17] =	ssyncset.done $0x0  }
0x158: {  	s9 =	rddreg [dreg:$0xb];
	[sflag:s17] =	ssyncadd.s32 $0xFFFFC000  }
0x159: {  	[tilespmem:s13], [sflag:$0x2] =	stream.indirect.gather [hbm4b:s4+s11], $0x80, s9, s11, $0xb8;
	[tilespmem:$0x1D000] =	vst v63  }
0x15a: {  	_ =	swait.ge [sflag:s14], $0x4000  }
0x15b: {  	[sflag:s14] =	ssyncset.done $0x0  }
0x15c: {  	s18 =	rddreg [dreg:$0xc];
	[sflag:s14] =	ssyncadd.s32 $0xFFFFC000  }
0x15d: {  	[spmem:s2] =	stream.indirect.scatter.add.f32 [tilespmem:s12], [sflag:$0x3], $0x80, s18, s11, $0xb8;
	[tilespmem:$0x1D000] =	vst v63  }
0x15e: {  	_ =	swait.ge [sflag:s15], $0x4000  }
0x15f: {  	[sflag:s15] =	ssyncset.done $0x0  }
0x160: {  	s8 =	rddreg [dreg:$0xd];
	[sflag:s15] =	ssyncadd.s32 $0xFFFFC000  }
0x161: {  	[tilespmem:s12], [sflag:$0x1] =	stream.indirect.gather [hbm4b:s4+s11], $0x80, s8, s11, $0xb8;
	[tilespmem:$0x1D000] =	vst v63  }
0x162: {  	_ =	swait.ge [sflag:s16], $0x4000  }
0x163: {  	[sflag:s16] =	ssyncset.done $0x0  }
0x164: {  	s9 =	rddreg [dreg:$0xe];
	[sflag:s16] =	ssyncadd.s32 $0xFFFFC000  }
0x165: {  	[spmem:s2] =	stream.indirect.scatter.add.f32 [tilespmem:s13], [sflag:$0x4], $0x80, s9, s11, $0xb8;
	[tilespmem:$0x1D000] =	vst v63  }
0x166: {  	_ =	swait.ge [sflag:s17], $0x4000  }
0x167: {  	[sflag:s17] =	ssyncset.done $0x0  }
0x168: {  	s18 =	rddreg [dreg:$0xf];
	[sflag:s17] =	ssyncadd.s32 $0xFFFFC000  }
0x169: {  	[tilespmem:s13], [sflag:$0x2] =	stream.indirect.gather [hbm4b:s4+s11], $0x80, s18, s11, $0xb8;
	[tilespmem:$0x1D000] =	vst v63  }
0x16a: {  	_ =	swait.ge [sflag:s14], $0x4000  }
0x16b: {  	[sflag:s14] =	ssyncset.done $0x0  }
0x16c: {  	s8 =	rddreg [dreg:$0x10];
	[sflag:s14] =	ssyncadd.s32 $0xFFFFC000  }
0x16d: {  	[spmem:s2] =	stream.indirect.scatter.add.f32 [tilespmem:s12], [sflag:$0x3], $0x80, s8, s11, $0xb8;
	[tilespmem:$0x1D000] =	vst v63  }
0x16e: {  	_ =	swait.ge [sflag:s15], $0x4000  }
0x16f: {  	[sflag:s15] =	ssyncset.done $0x0  }
0x170: {  	s9 =	simm.s32 $0x800;
	[sflag:s15] =	ssyncadd.s32 $0xFFFFC000  }
0x171: {  	[tilespmem:s12], [sflag:$0x1] =	stream.indirect.gather [hbm4b:s4+s11], $0x80, s9, s11, $0xb8;
	[tilespmem:$0x1D000] =	vst v63  }
0x172: {  	_ =	swait.ge [sflag:s16], $0x4000  }
0x173: {  	[sflag:s16] =	ssyncset.done $0x0  }
0x174: {  	[sflag:s16] =	ssyncadd.s32 $0xFFFFC000  }
0x175: {  	[spmem:s2] =	stream.indirect.scatter.add.f32 [tilespmem:s13], [sflag:$0x4], $0x80, s19, s11, $0xb8;
	[tilespmem:$0x1D000] =	vst v63  }
0x176: {  	_ =	swait.ge [sflag:s17], $0x4000  }
0x177: {  	[sflag:s17] =	ssyncset.done $0x0  }
0x178: {  	[sflag:s17] =	ssyncadd.s32 $0xFFFFC000  }
0x179: {  	[tilespmem:s13], [sflag:$0x2] =	stream.indirect.gather [hbm4b:s4+s11], $0x80, s20, s11, $0xb8;
	[tilespmem:$0x1D000] =	vst v63  }
0x17a: {  	_ =	swait.ge [sflag:s14], $0x4000  }
0x17b: {  	[sflag:s14] =	ssyncset.done $0x0  }
0x17c: {  	[sflag:s14] =	ssyncadd.s32 $0xFFFFC000  }
0x17d: {  	[spmem:s2] =	stream.indirect.scatter.add.f32 [tilespmem:s12], [sflag:$0x3], $0x80, s21, s11, $0xb8;
	[tilespmem:$0x1D000] =	vst v63  }
0x17e: {  	_ =	swait.ge [sflag:s15], $0x4000  }
0x17f: {  	[sflag:s15] =	ssyncset.done $0x0  }
0x180: {  	[sflag:s15] =	ssyncadd.s32 $0xFFFFC000  }
0x181: {  	[tilespmem:s12], [sflag:$0x1] =	stream.indirect.gather [hbm4b:s4+s11], $0x80, s22, s11, $0xb8;
	[tilespmem:$0x1D000] =	vst v63  }
0x182: {  	_ =	swait.ge [sflag:s16], $0x4000  }
0x183: {  	[sflag:s16] =	ssyncset.done $0x0  }
0x184: {  	[sflag:s16] =	ssyncadd.s32 $0xFFFFC000  }
0x185: {  	[spmem:s2] =	stream.indirect.scatter.add.f32 [tilespmem:s13], [sflag:$0x4], $0x80, s23, s11, $0xb8;
	[tilespmem:$0x1D000] =	vst v63  }
0x186: {  	_ =	swait.ge [sflag:s17], $0x4000  }
0x187: {  	[sflag:s17] =	ssyncset.done $0x0  }
0x188: {  	[sflag:s17] =	ssyncadd.s32 $0xFFFFC000  }
0x189: {  	[tilespmem:s13], [sflag:$0x2] =	stream.indirect.gather [hbm4b:s4+s11], $0x80, s24, s11, $0xb8;
	[tilespmem:$0x1D000] =	vst v63  }
0x18a: {  	_ =	swait.ge [sflag:s14], $0x4000  }
0x18b: {  	[sflag:s14] =	ssyncset.done $0x0  }
0x18c: {  	[sflag:s14] =	ssyncadd.s32 $0xFFFFC000  }
0x18d: {  	[spmem:s2] =	stream.indirect.scatter.add.f32 [tilespmem:s12], [sflag:$0x3], $0x80, s25, s11, $0xb8;
	[tilespmem:$0x1D000] =	vst v63  }
0x18e: {  	_ =	swait.ge [sflag:s15], $0x4000  }
0x18f: {  	[sflag:s15] =	ssyncset.done $0x0  }
0x190: {  	[sflag:s15] =	ssyncadd.s32 $0xFFFFC000  }
0x191: {  	[tilespmem:s12], [sflag:$0x1] =	stream.indirect.gather [hbm4b:s4+s11], $0x80, s26, s11, $0xb8;
	[tilespmem:$0x1D000] =	vst v63  }
0x192: {  	_ =	swait.ge [sflag:s16], $0x4000  }
0x193: {  	[sflag:s16] =	ssyncset.done $0x0  }
0x194: {  	[sflag:s16] =	ssyncadd.s32 $0xFFFFC000  }
0x195: {  	[spmem:s2] =	stream.indirect.scatter.add.f32 [tilespmem:s13], [sflag:$0x4], $0x80, s28, s11, $0xb8;
	[tilespmem:$0x1D000] =	vst v63  }
0x196: {  	_ =	swait.ge [sflag:s17], $0x4000  }
0x197: {  	[sflag:s17] =	ssyncset.done $0x0  }
0x198: {  	[sflag:s17] =	ssyncadd.s32 $0xFFFFC000  }
0x199: {  	[tilespmem:s13], [sflag:$0x2] =	stream.indirect.gather [hbm4b:s4+s11], $0x80, s29, s11, $0xb8;
	[tilespmem:$0x1D000] =	vst v63  }
0x19a: {  	_ =	swait.ge [sflag:s14], $0x4000  }
0x19b: {  	[sflag:s14] =	ssyncset.done $0x0  }
0x19c: {  	[sflag:s14] =	ssyncadd.s32 $0xFFFFC000  }
0x19d: {  	[spmem:s2] =	stream.indirect.scatter.add.f32 [tilespmem:s12], [sflag:$0x3], $0x80, s30, s11, $0xb8;
	[tilespmem:$0x1D000] =	vst v63  }
0x19e: {  	_ =	swait.ge [sflag:s15], $0x4000  }
0x19f: {  	[sflag:s15] =	ssyncset.done $0x0  }
0x1a0: {  	[sflag:s15] =	ssyncadd.s32 $0xFFFFC000  }
0x1a1: {  	[tilespmem:s12], [sflag:$0x1] =	stream.indirect.gather [hbm4b:s4+s11], $0x80, s31, s11, $0xb8;
	[tilespmem:$0x1D000] =	vst v63  }
0x1a2: {  	_ =	swait.ge [sflag:s16], $0x4000  }
0x1a3: {  	[sflag:s16] =	ssyncset.done $0x0  }
0x1a4: {  	[sflag:s16] =	ssyncadd.s32 $0xFFFFC000  }
0x1a5: {  	[spmem:s2] =	stream.indirect.scatter.add.f32 [tilespmem:s13], [sflag:$0x4], $0x80, s0, s11, $0xb8;
	[tilespmem:$0x1D000] =	vst v63  }
0x1a6: {  	_ =	swait.ge [sflag:s17], $0x4000  }
0x1a7: {  	[sflag:s17] =	ssyncset.done $0x0  }
0x1a8: {  	[sflag:s17] =	ssyncadd.s32 $0xFFFFC000  }
0x1a9: {  	[tilespmem:s13], [sflag:$0x2] =	stream.indirect.gather [hbm4b:s4+s11], $0x80, s1, s11, $0xb8;
	[tilespmem:$0x1D000] =	vst v63  }
0x1aa: {  	_ =	swait.ge [sflag:s14], $0x4000  }
0x1ab: {  	[sflag:s14] =	ssyncset.done $0x0  }
0x1ac: {  	[sflag:s14] =	ssyncadd.s32 $0xFFFFC000  }
0x1ad: {  	[spmem:s2] =	stream.indirect.scatter.add.f32 [tilespmem:s12], [sflag:$0x3], $0x80, s5, s11, $0xb8;
	[tilespmem:$0x1D000] =	vst v63  }
0x1ae: {  	_ =	swait.ge [sflag:s16], $0x4000  }
0x1af: {  	[sflag:s16] =	ssyncset.done $0x0  }
0x1b0: {  	[sflag:s16] =	ssyncadd.s32 $0xFFFFC000  }
0x1b1: {  	[spmem:s2] =	stream.indirect.scatter.add.f32 [tilespmem:s13], [sflag:$0x4], $0x80, s7, s11, $0xb8;
	[tilespmem:$0x1D000] =	vst v63  }
0x1b2: {  	_ =	swait.ge [sflag:s15], $0x4000  }
0x1b3: {  	[sflag:s15] =	ssyncset.done $0x0  }
0x1b4: {  	[sflag:s15] =	ssyncadd.s32 $0xFFFFC000  }
0x1b5: {  	_ =	swait.ge [sflag:s17], $0x4000  }
0x1b6: {  	[sflag:s17] =	ssyncset.done $0x0  }
0x1b7: {  	[sflag:s17] =	ssyncadd.s32 $0xFFFFC000  }
0x1b8: {  	[bflag:$0x0] =	sbarrier.arrive $0xFFFF  }
0x1b9: {  	s8 =	rddreg [dreg:$0x12]  }
0x1ba: {  	s18 =	rddreg [dreg:$0x13]  }
0x1bb: {  	s9 =	rddreg [dreg:$0x15]  }
0x1bc: {  	[hbm:s18], [sflag:s8] =	dma.local [spmem:s9], $0x2800  }
0x1bd: {  	_ =	swait.ge [sflag:s10], $0x2800  }
0x1be: {  	s18 =	rddreg [dreg:$0x16]  }
0x1bf: {  	s6 =	rddreg [dreg:$0x14];
	s18 =	sadd.s32 $0x1, s18  }
0x1c0: {  	p0 =	sne.s32 s18, s6  }
.Ltmp1:
0x1c1: {  	_ = 	snop;
	(pc) =	sbr.rel @p0 .LBB2_1-.Ltmp1, $3  }
0x1c2: {  	_ =	sdelay $0x1  }
0x1c3: {  	[sflag:s10] =	ssyncset.done $0x0  }
0x1c4: {  	[sflag:s10] =	ssyncadd.s32 $0xFFFFD800  }
0x1c5: {  	_ =	sfence.sel $0x180000  }
0x1c6: {  	[bflag:$0x0] =	sbarrier.arrive $0xFFFF  }
0x1c7: {  	_ =	strace $0x90000047  }
0x1c8: {  	s0 =	stileid.u32;
	[bflag:$0x2] =	sbarrier.arrive $0xFFFF  }
0x1c9: {  	p0 =	sne.s32 s0, $0x0;
	s0 =	rddreg [dreg:$0x2]  }
0x1ca: {  	s0 =	sadd.s32 @!p0 $0x100000, s0  }
0x1cb: {  	[sflag:s0] =	ssyncadd.tile.s32 @!p0 $0x1;
	_ =	shalt  }
.Lfunc_end2:
_tile_overlayer_lowered:
.L_overlay_start_2:
0x1cc: {  	(tag) =	ssettag $0x2  }
0x1cd: {  	s0 =	rddreg [dreg:$0x0];
	s2 =	stileid.u32  }
0x1ce: {  	s1 =	rddreg [dreg:$0x1];
	p0 =	sne.s32 s2, $0x0  }
0x1cf: {  	s3 =	rddreg [dreg:$0x2];
	[bflag:$0x3] =	sbarrier.arrive $0xFFFF;
	s2 =	simm.s32 @!p0 $0x1C05  }
0x1d0: {  	[timem:s3], [sflag:s2] =	dma.local @!p0 [hbm:s0], s1  }
0x1d1: {  	s0 =	simm.s32 @!p0 $0x5  }
0x1d2: {  	_ =	swait.ge @!p0 [sflag:s0], s1  }
0x1d3: {  	s1 =	ssub.s32 @!p0 $0x0, s1;
	[sflag:s0] =	ssyncset.done @!p0 $0x0  }
0x1d4: {  	[sflag:s0] =	ssyncadd.s32 @!p0 s1  }
0x1d5: {  	[bflag:$0x3] =	sbarrier.arrive $0xFFFF  }
0x1d6: {  	_ =	shalt  }

</sc_bundles>
